<compile_context>
chip_gen: v7x
topology: tpu7x:2x2x1
jax: 0.10.2.dev20260603
libtpu: 0.0.44.dev20260713+nightly
codegen_flags: <defaults>
</compile_context>

<pallas_src>
import functools

import jax
import jax.numpy as jnp
from jax import lax
from jax.experimental import pallas as pl
from jax.experimental.pallas import tpu as pltpu
from jax.experimental.pallas import tpu_sc as plsc

N = 4096
C = 128
K = 16
E = N * 2 * K
TEMP = 0.5
GRID_SZ = 0.25
VW = 256
GW = 256




def _mm_body(x_ref, u1_ref, gW1_ref, gb1_ref, gW2_ref, gb2_ref,
             dstW_ref, dstb_ref, emb_ref, adst_ref):
    xb = x_ref[...]
    h = jnp.maximum(xb @ gW1_ref[...] + gb1_ref[...], 0.0)
    emb_ref[...] = h @ gW2_ref[...] + gb2_ref[...] + u1_ref[...] * 0.001
    adst_ref[...] = xb @ dstW_ref[...] + dstb_ref[...]


def _topk_min_indices(vals, cols, n_iter, mask_val):
    idxs = []
    for _ in range(n_iter):
        idx = jnp.argmin(vals, axis=1).astype(jnp.int32)[:, None]
        idxs.append(idx)
        vals = jnp.where(cols == idx, mask_val, vals)
    return jnp.concatenate(idxs, axis=1)


def _topk_max_indices(vals, cols, n_iter, mask_val):
    idxs = []
    for _ in range(n_iter):
        idx = jnp.argmax(vals, axis=1).astype(jnp.int32)[:, None]
        idxs.append(idx)
        vals = jnp.where(cols == idx, mask_val, vals)
    return jnp.concatenate(idxs, axis=1)


def _knn_body(posp_ref, posT_ref, nbr_ref, cid_ref):
    R = posp_ref.shape[0]
    i0 = pl.program_id(0) * R
    pp = posp_ref[...]
    pt = posT_ref[...]
    nr = jnp.sum(pp * pp, axis=1, keepdims=True)
    nc = jnp.sum(pt * pt, axis=0, keepdims=True)
    acc = nr + nc - 2.0 * jnp.dot(pp, pt, precision=lax.Precision.HIGHEST)
    rows = i0 + lax.broadcasted_iota(jnp.int32, (R, N), 0)
    cols = lax.broadcasted_iota(jnp.int32, (R, N), 1)
    acc = jnp.where(rows == cols, acc + 1e10, acc)
    nbr_ref[...] = _topk_min_indices(acc, cols, K, jnp.inf)
    vox = jnp.floor(pp / GRID_SZ).astype(jnp.int32)
    hsh = ((vox[:, 0:1] * 73856093) ^ (vox[:, 1:2] * 19349663)
           ^ (vox[:, 2:3] * 83492791))
    cid_ref[...] = jnp.bitwise_and(hsh, N - 1)


def _threefry_uniform(k1, k2, n):
    u32 = jnp.uint32

    def rotl(v, r):
        return (v << u32(r)) | (v >> u32(32 - r))

    ks0, ks1 = k1, k2
    ks2 = k1 ^ k2 ^ u32(0x1BD11BDA)
    x0 = jnp.zeros_like(n) + ks0
    x1 = n + ks1
    rot_a = (13, 15, 26, 6)
    rot_b = (17, 29, 16, 24)
    sched = [(rot_a, ks1, ks2, 1), (rot_b, ks2, ks0, 2),
             (rot_a, ks0, ks1, 3), (rot_b, ks1, ks2, 4),
             (rot_a, ks2, ks0, 5)]
    for rots, ka, kb, cst in sched:
        for r in rots:
            x0 = x0 + x1
            x1 = rotl(x1, r)
            x1 = x0 ^ x1
        x0 = x0 + ka
        x1 = x1 + kb + u32(cst)
    bits = x0 ^ x1
    fb = (bits >> u32(9)) | u32(0x3F800000)
    return jnp.maximum(lax.bitcast_convert_type(fb, jnp.float32) - 1.0, 0.0)


def _soft_scores(embp_ref, embT_ref, kd_ref, row0):
    ep = embp_ref[...]
    et = embT_ref[...]
    nr = jnp.sum(ep * ep, axis=1, keepdims=True)
    nc = jnp.sum(et * et, axis=0, keepdims=True)
    acc = nr + nc - 2.0 * jnp.dot(ep, et, precision=lax.Precision.HIGHEST)
    acc = jnp.maximum(acc, 0.0)
    dist = jnp.sqrt(acc + 1e-12)
    p = jnp.exp(-(dist * dist))
    R = ep.shape[0]
    n = (row0 * N
         + lax.broadcasted_iota(jnp.int32, (R, N), 0) * N
         + lax.broadcasted_iota(jnp.int32, (R, N), 1)).astype(jnp.uint32)
    u = _threefry_uniform(kd_ref[0, 0], kd_ref[0, 1], n)
    gum = -jnp.log(-jnp.log(u + 1e-20) + 1e-20)
    return (jnp.log(p + 1e-20) + gum) / TEMP


def _colstat_body(embp_ref, embT_ref, kd_ref, lsm_ref, v_ref, m_ref, s_ref):
    i = pl.program_id(0)

    @pl.when(i == 0)
    def _():
        m_ref[...] = jnp.full(m_ref.shape, -jnp.inf, jnp.float32)
        s_ref[...] = jnp.zeros(s_ref.shape, jnp.float32)

    v = _soft_scores(embp_ref, embT_ref, kd_ref, i * embp_ref.shape[0])
    v_ref[...] = v
    bm = jnp.max(v, axis=0, keepdims=True)
    m_old = m_ref[...]
    m_new = jnp.maximum(m_old, bm)
    s_ref[...] = (s_ref[...] * jnp.exp(m_old - m_new)
                  + jnp.sum(jnp.exp(v - m_new), axis=0, keepdims=True))
    m_ref[...] = m_new

    @pl.when(i == pl.num_programs(0) - 1)
    def _():
        lsm_ref[...] = m_ref[...] + jnp.log(s_ref[...])


def _softtopk_body(v_ref, lsm_ref, top_ref):
    score = v_ref[...] - lsm_ref[...]
    cols = lax.broadcasted_iota(jnp.int32, score.shape, 1)
    top_ref[...] = _topk_max_indices(score, cols, K, -jnp.inf)


def _edge_half(g, B, posp_ref, adst_ref, linW_ref, linb_ref, srcW_ref,
               srcb_ref, pW1_ref, pb1_ref, pW2_ref, pb2_ref,
               aW1_ref, ab1_ref, aW2_ref, ab2_ref):
    EB = B * K
    x_s = g[:, 0:C]
    a_src_s = x_s @ srcW_ref[...] + srcb_ref[...]
    xv_s = x_s @ linW_ref[...] + linb_ref[...]
    pos_s = g[:, C:C + 16]
    pos_rep = jnp.broadcast_to(posp_ref[...][:, None, :],
                               (B, K, 16)).reshape(EB, 16)
    rel = pos_rep - pos_s
    hd = jnp.maximum(rel @ pW1_ref[...] + pb1_ref[...], 0.0)
    delta = hd @ pW2_ref[...] + pb2_ref[...]
    ad_rep = jnp.broadcast_to(adst_ref[...][:, None, :],
                              (B, K, C)).reshape(EB, C)
    q = ad_rep - a_src_s + delta
    ha = jnp.maximum(q @ aW1_ref[...] + ab1_ref[...], 0.0)
    alpha = (ha @ aW2_ref[...] + ab2_ref[...]).reshape(B, K, C)
    return alpha, (xv_s + delta).reshape(B, K, C)


def _edge_body(gs_ref, gk_ref, adst_ref, posp_ref,
               linW_ref, linb_ref, srcW_ref, srcb_ref,
               pW1_ref, pb1_ref, pW2_ref, pb2_ref,
               aW1_ref, ab1_ref, aW2_ref, ab2_ref, out_ref):
    B = adst_ref.shape[0]
    args = (B, posp_ref, adst_ref, linW_ref, linb_ref, srcW_ref, srcb_ref,
            pW1_ref, pb1_ref, pW2_ref, pb2_ref, aW1_ref, ab1_ref, aW2_ref,
            ab2_ref)
    al_s, m_s = _edge_half(gs_ref[...], *args)
    al_k, m_k = _edge_half(gk_ref[...], *args)
    amax = jnp.maximum(jnp.max(al_s, axis=1, keepdims=True),
                       jnp.max(al_k, axis=1, keepdims=True))
    ex_s = jnp.exp(al_s - amax)
    ex_k = jnp.exp(al_k - amax)
    den = (jnp.sum(ex_s, axis=1, keepdims=True)
           + jnp.sum(ex_k, axis=1, keepdims=True) + 1e-16)
    out_ref[...] = (jnp.sum(ex_s * m_s, axis=1)
                    + jnp.sum(ex_k * m_k, axis=1)) / den[:, 0, :]


def _down_body(in_ref, dW_ref, db_ref, h_ref, mu_ref, acc_ref):
    i = pl.program_id(0)

    @pl.when(i == 0)
    def _():
        acc_ref[...] = jnp.zeros(acc_ref.shape, jnp.float32)

    h = in_ref[...] @ dW_ref[...] + db_ref[...]
    h_ref[...] = h
    acc_ref[...] += jnp.sum(h, axis=0, keepdims=True)

    @pl.when(i == pl.num_programs(0) - 1)
    def _():
        mu_ref[...] = acc_ref[...] / N


def _var_body(h_ref, mu_ref, var_ref, acc_ref):
    i = pl.program_id(0)

    @pl.when(i == 0)
    def _():
        acc_ref[...] = jnp.zeros(acc_ref.shape, jnp.float32)

    d = h_ref[...] - mu_ref[...]
    acc_ref[...] += jnp.sum(d * d, axis=0, keepdims=True)

    @pl.when(i == pl.num_programs(0) - 1)
    def _():
        var_ref[...] = acc_ref[...] / N


def _norm_body(h_ref, mu_ref, var_ref, bng_ref, bnb_ref, hr_ref):
    hr = ((h_ref[...] - mu_ref[...]) / jnp.sqrt(var_ref[...] + 1e-5)
          * bng_ref[...] + bnb_ref[...])
    hr_ref[...] = jnp.maximum(hr, 0.0)


def _pool_body(hrs_s_ref, hrs_k_ref, hr_ref, posp_ref, pooled_ref, aux_ref):
    B = hr_ref.shape[0]
    m3 = jnp.maximum(jnp.max(hrs_s_ref[...].reshape(B, K, C), axis=1),
                     jnp.max(hrs_k_ref[...].reshape(B, K, C), axis=1))
    pooled_ref[...] = jnp.maximum(m3, hr_ref[...])
    lane = lax.broadcasted_iota(jnp.int32, (B, 16), 1)
    aux_ref[...] = jnp.where(lane == 3, 1.0, posp_ref[...])


def _gridpool_body(cidT_ref, val_ref, xout_ref, pout_ref):
    BJ = xout_ref.shape[0]
    j0 = pl.program_id(0) * BJ
    jid = j0 + lax.broadcasted_iota(jnp.int32, (BJ, 1), 0)
    onehot = (jid == cidT_ref[...]).astype(jnp.float32)
    s = onehot @ val_ref[...]
    cnt = jnp.maximum(s[:, 131:132], 1.0)
    xout_ref[...] = s[:, 0:C] / cnt
    pout_ref[...] = s[:, C:C + 16] / cnt




def _sc_gather(table, idx, D):
    info = plsc.get_sparse_core_info()
    NC, NS = info.num_cores, info.num_subcores
    NW = NC * NS
    n_rows = idx.shape[0]
    per_w = n_rows // NW
    CH = 128
    n_ch = per_w // CH
    mesh = plsc.VectorSubcoreMesh(core_axis_name="c", subcore_axis_name="s")

    def body(table_hbm, idx_hbm, out_hbm, idx0, idx1, rows0, rows1,
             gs0, gs1, ws0, ws1):
        wid = lax.axis_index("s") * NC + lax.axis_index("c")
        base = wid * per_w
        idx_b = (idx0, idx1)
        row_b = (rows0, rows1)
        gs_b = (gs0, gs1)
        ws_b = (ws0, ws1)

        def start_gather(c, par):
            off = base + c * CH
            pltpu.sync_copy(idx_hbm.at[pl.ds(off, CH)], idx_b[par])
            pltpu.make_async_copy(table_hbm.at[idx_b[par]], row_b[par],
                                  gs_b[par]).start()

        def drain_and_writeback(c, par):
            pltpu.make_async_copy(table_hbm.at[idx_b[par]], row_b[par],
                                  gs_b[par]).wait()
            off = base + c * CH
            pltpu.make_async_copy(row_b[par], out_hbm.at[pl.ds(off, CH)],
                                  ws_b[par]).start()

        def wait_writeback(c, par):
            off = base + c * CH
            pltpu.make_async_copy(row_b[par], out_hbm.at[pl.ds(off, CH)],
                                  ws_b[par]).wait()

        start_gather(0, 0)

        def step(p, carry):
            c0 = 2 * p
            @pl.when(p >= 1)
            def _():
                wait_writeback(c0 - 1, 1)

            start_gather(c0 + 1, 1)
            drain_and_writeback(c0, 0)

            wait_writeback(c0, 0)

            @pl.when(p < n_ch // 2 - 1)
            def _():
                start_gather(c0 + 2, 0)

            drain_and_writeback(c0 + 1, 1)
            return carry

        lax.fori_loop(0, n_ch // 2, step, 0)
        wait_writeback(n_ch - 1, 1)

    fn = pl.kernel(
        body,
        out_type=jax.ShapeDtypeStruct((n_rows, D), jnp.float32),
        mesh=mesh,
        scratch_types=[
            pltpu.VMEM((CH,), jnp.int32),
            pltpu.VMEM((CH,), jnp.int32),
            pltpu.VMEM((CH, D), jnp.float32),
            pltpu.VMEM((CH, D), jnp.float32),
            pltpu.SemaphoreType.DMA,
            pltpu.SemaphoreType.DMA,
            pltpu.SemaphoreType.DMA,
            pltpu.SemaphoreType.DMA,
        ],
    )
    return fn(table, idx)




def _row_spec(rows, cols):
    return pl.BlockSpec((rows, cols), lambda i: (i, 0))


def _full_spec(shape):
    return pl.BlockSpec(shape, lambda i: tuple(0 for _ in shape))


def kernel(x, pos, g_W1, g_b1, g_W2, g_b2, lin_W, lin_b, src_W, src_b,
           dst_W, dst_b, p_W1, p_b1, p_W2, p_b2, a_W1, a_b1, a_W2, a_b2,
           d_W, d_b, bn_g, bn_b):
    f32 = jnp.float32
    key = jax.random.key(42)
    k1, k2 = jax.random.split(key)
    u1 = jax.random.uniform(k1, (N, 10), dtype=f32)
    kd = jax.random.key_data(k2).reshape(1, 2)

    u1p = jnp.pad(u1, ((0, 0), (0, 6)))
    pos_p = jnp.pad(pos, ((0, 0), (0, 13)))
    posT = pos_p.T
    gW2p = jnp.pad(g_W2, ((0, 0), (0, 6)))
    gb2p = jnp.pad(g_b2, (0, 6)).reshape(1, 16)
    pW1p = jnp.pad(p_W1, ((0, 13), (0, 0)))
    r1 = lambda b: b.reshape(1, -1)

    BR = 512
    emb, a_dst = pl.pallas_call(
        _mm_body,
        grid=(N // BR,),
        in_specs=[_row_spec(BR, C), _row_spec(BR, 16)]
        + [_full_spec(s.shape) for s in
           (g_W1, r1(g_b1), gW2p, gb2p, dst_W, r1(dst_b))],
        out_specs=[_row_spec(BR, 16), _row_spec(BR, C)],
        out_shape=[jax.ShapeDtypeStruct((N, 16), f32),
                   jax.ShapeDtypeStruct((N, C), f32)],
    )(x, u1p, g_W1, r1(g_b1), gW2p, gb2p, dst_W, r1(dst_b))

    BR = 256
    nbr, cid = pl.pallas_call(
        _knn_body,
        grid=(N // BR,),
        in_specs=[_row_spec(BR, 16), _full_spec((16, N))],
        out_specs=[_row_spec(BR, K), _row_spec(BR, 1)],
        out_shape=[jax.ShapeDtypeStruct((N, K), jnp.int32),
                   jax.ShapeDtypeStruct((N, 1), jnp.int32)],
    )(pos_p, posT)

    embT = emb.T

    BR = 128
    lsm, vmat = pl.pallas_call(
        _colstat_body,
        grid=(N // BR,),
        in_specs=[_row_spec(BR, 16), _full_spec((16, N)),
                  pl.BlockSpec(memory_space=pltpu.SMEM)],
        out_specs=[_full_spec((1, N)), _row_spec(BR, N)],
        out_shape=[jax.ShapeDtypeStruct((1, N), f32),
                   jax.ShapeDtypeStruct((N, N), f32)],
        scratch_shapes=[pltpu.VMEM((1, N), f32), pltpu.VMEM((1, N), f32)],
    )(emb, embT, kd)

    top_i = pl.pallas_call(
        _softtopk_body,
        grid=(N // BR,),
        in_specs=[_row_spec(BR, N), _full_spec((1, N))],
        out_specs=_row_spec(BR, K),
        out_shape=jax.ShapeDtypeStruct((N, K), jnp.int32),
    )(vmat, lsm)

    table1 = jnp.concatenate([x, pos_p, jnp.zeros((N, GW - C - 16), f32)],
                             axis=1)
    src_knn = nbr.reshape(E // 2)
    gath_k = _sc_gather(table1, src_knn, GW)
    src_soft = top_i.reshape(E // 2)
    gath_s = _sc_gather(table1, src_soft, GW)

    B = 64
    out = pl.pallas_call(
        _edge_body,
        grid=(N // B,),
        in_specs=[_row_spec(B * K, GW), _row_spec(B * K, GW), _row_spec(B, C),
                  _row_spec(B, 16)]
        + [_full_spec(s.shape) for s in
           (lin_W, r1(lin_b), src_W, r1(src_b),
            pW1p, r1(p_b1), p_W2, r1(p_b2), a_W1, r1(a_b1), a_W2, r1(a_b2))],
        out_specs=_row_spec(B, C),
        out_shape=jax.ShapeDtypeStruct((N, C), f32),
    )(gath_s, gath_k, a_dst, pos_p, lin_W, r1(lin_b), src_W, r1(src_b),
      pW1p, r1(p_b1), p_W2, r1(p_b2), a_W1, r1(a_b1), a_W2, r1(a_b2))

    BR = 512
    h, mu = pl.pallas_call(
        _down_body,
        grid=(N // BR,),
        in_specs=[_row_spec(BR, C), _full_spec((C, C)), _full_spec((1, C))],
        out_specs=[_row_spec(BR, C), _full_spec((1, C))],
        out_shape=[jax.ShapeDtypeStruct((N, C), f32),
                   jax.ShapeDtypeStruct((1, C), f32)],
        scratch_shapes=[pltpu.VMEM((1, C), f32)],
    )(out, d_W, r1(d_b))

    var = pl.pallas_call(
        _var_body,
        grid=(N // BR,),
        in_specs=[_row_spec(BR, C), _full_spec((1, C))],
        out_specs=_full_spec((1, C)),
        out_shape=jax.ShapeDtypeStruct((1, C), f32),
        scratch_shapes=[pltpu.VMEM((1, C), f32)],
    )(h, mu)

    hr = pl.pallas_call(
        _norm_body,
        grid=(N // BR,),
        in_specs=[_row_spec(BR, C), _full_spec((1, C)), _full_spec((1, C)),
                  _full_spec((1, C)), _full_spec((1, C))],
        out_specs=_row_spec(BR, C),
        out_shape=jax.ShapeDtypeStruct((N, C), f32),
    )(h, mu, var, r1(bn_g), r1(bn_b))

    src_all = jnp.concatenate([src_soft, src_knn])
    hrs = _sc_gather(hr, src_all, C)

    B = 128
    nb = N // B
    pooled, aux = pl.pallas_call(
        _pool_body,
        grid=(nb,),
        in_specs=[pl.BlockSpec((B * K, C), lambda i: (i, 0)),
                  pl.BlockSpec((B * K, C), lambda i: (i + nb, 0)),
                  _row_spec(B, C), _row_spec(B, 16)],
        out_specs=[_row_spec(B, C), _row_spec(B, 16)],
        out_shape=[jax.ShapeDtypeStruct((N, C), f32),
                   jax.ShapeDtypeStruct((N, 16), f32)],
    )(hrs, hrs, hr, pos_p)

    val = jnp.concatenate([pooled, aux, jnp.zeros((N, VW - C - 16), f32)],
                          axis=1)
    cidT = cid.reshape(1, N)
    BR = 256
    x_out, pout = pl.pallas_call(
        _gridpool_body,
        grid=(N // BR,),
        in_specs=[_full_spec((1, N)), _full_spec((N, VW))],
        out_specs=[_row_spec(BR, C), _row_spec(BR, 16)],
        out_shape=[jax.ShapeDtypeStruct((N, C), f32),
                   jax.ShapeDtypeStruct((N, 16), f32)],
    )(cidT, val)

    return x_out, pout[:, :3]

# --- scband reference (transcript-rebuilt; emitter-appended) ---
"""Pipeline reference for scband-enc-block-86071144612520 (READ-ONLY COPY).

The authoritative reference and input builder live on the scoring server;
editing this copy changes nothing except your own understanding.
"""

import jax, jax.numpy as jnp
import numpy as np

K = 16
GRID = 0.25
TEMP = 0.5


def mlp2(x, W1, b1, W2, b2):
    h = jax.nn.relu(x @ W1 + b1)
    return h @ W2 + b2


def setup_inputs(seed: int = 0) -> dict:
    key = jax.random.key(seed)
    ks = jax.random.split(key, 32)
    N, Cin, Cout = 4096, 128, 128
    sc = lambda f: 1.0 / np.sqrt(f)
    inp = {}
    inp["x"] = jax.random.normal(ks[0], (N, Cin), dtype=jnp.float32)
    inp["pos"] = jax.random.normal(ks[1], (N, 3), dtype=jnp.float32)
    # generate_graph MLP (Cin -> Cin -> 10)
    inp["g_W1"] = jax.random.normal(ks[2], (Cin, Cin), dtype=jnp.float32) * sc(Cin)
    inp["g_b1"] = jnp.zeros((Cin,), jnp.float32)
    inp["g_W2"] = jax.random.normal(ks[3], (Cin, 10), dtype=jnp.float32) * sc(Cin)
    inp["g_b2"] = jnp.zeros((10,), jnp.float32)
    # PointTransformerConv linears
    inp["lin_W"] = jax.random.normal(ks[4], (Cin, Cout), dtype=jnp.float32) * sc(Cin)
    inp["lin_b"] = jnp.zeros((Cout,), jnp.float32)
    inp["src_W"] = jax.random.normal(ks[5], (Cin, Cout), dtype=jnp.float32) * sc(Cin)
    inp["src_b"] = jnp.zeros((Cout,), jnp.float32)
    inp["dst_W"] = jax.random.normal(ks[6], (Cin, Cout), dtype=jnp.float32) * sc(Cin)
    inp["dst_b"] = jnp.zeros((Cout,), jnp.float32)
    # pos_nn MLP (3 -> Cout -> Cout)
    inp["p_W1"] = jax.random.normal(ks[7], (3, Cout), dtype=jnp.float32) * sc(3)
    inp["p_b1"] = jnp.zeros((Cout,), jnp.float32)
    inp["p_W2"] = jax.random.normal(ks[8], (Cout, Cout), dtype=jnp.float32) * sc(Cout)
    inp["p_b2"] = jnp.zeros((Cout,), jnp.float32)
    # attn_nn MLP (Cout -> Cout -> Cout)
    inp["a_W1"] = jax.random.normal(ks[9], (Cout, Cout), dtype=jnp.float32) * sc(Cout)
    inp["a_b1"] = jnp.zeros((Cout,), jnp.float32)
    inp["a_W2"] = jax.random.normal(ks[10], (Cout, Cout), dtype=jnp.float32) * sc(Cout)
    inp["a_b2"] = jnp.zeros((Cout,), jnp.float32)
    # down layer: Linear + BatchNorm params
    inp["d_W"] = jax.random.normal(ks[11], (Cout, Cout), dtype=jnp.float32) * sc(Cout)
    inp["d_b"] = jnp.zeros((Cout,), jnp.float32)
    inp["bn_g"] = jnp.ones((Cout,), jnp.float32)
    inp["bn_b"] = jnp.zeros((Cout,), jnp.float32)
    return inp


def reference(x, pos, g_W1, g_b1, g_W2, g_b2,
              lin_W, lin_b, src_W, src_b, dst_W, dst_b,
              p_W1, p_b1, p_W2, p_b2,
              a_W1, a_b1, a_W2, a_b2,
              d_W, d_b, bn_g, bn_b):
    N = x.shape[0]
    key = jax.random.key(42)
    k1, k2 = jax.random.split(key)

    # ---- generate_graph ----
    # KNNGraph(k=16) on pos (exclude self-loops, source_to_target flow)
    d2 = jnp.sum((pos[:, None, :] - pos[None, :, :]) ** 2, axis=-1)
    d2 = d2 + jnp.eye(N, dtype=d2.dtype) * 1e10
    _, nbr = jax.lax.top_k(-d2, K)            # [N, K] neighbor (source) idx
    knn_src = nbr.reshape(-1)
    knn_dst = jnp.repeat(jnp.arange(N), K)

    emb = mlp2(x, g_W1, g_b1, g_W2, g_b2)
    emb = emb + jax.random.uniform(k1, emb.shape, dtype=emb.dtype) * 0.001
    dist = jnp.sqrt(jnp.sum((emb[:, None, :] - emb[None, :, :]) ** 2, axis=-1) + 1e-12)
    p = jnp.exp(-dist ** 2)
    u = jax.random.uniform(k2, p.shape, dtype=p.dtype)
    gumbel = -jnp.log(-jnp.log(u + 1e-20) + 1e-20)
    noisy = jnp.log(p + 1e-20) + gumbel
    probs = jax.nn.softmax(noisy / TEMP, axis=0)
    top_v, top_i = jax.lax.top_k(probs, K)    # soft top-k edges per row
    soft_src = top_i.reshape(-1)
    soft_dst = jnp.repeat(jnp.arange(N), K)

    src = jnp.concatenate([soft_src, knn_src])
    dst = jnp.concatenate([soft_dst, knn_dst])

    # ---- PointTrans_Layer (PointTransformerConv) ----
    xv = x @ lin_W + lin_b
    a_src = x @ src_W + src_b
    a_dst = x @ dst_W + dst_b
    rel = pos[dst] - pos[src]
    delta = mlp2(rel, p_W1, p_b1, p_W2, p_b2)
    alpha = mlp2(a_dst[dst] - a_src[src] + delta, a_W1, a_b1, a_W2, a_b2)
    amax = jax.ops.segment_max(alpha, dst, num_segments=N)
    amax = jnp.where(jnp.isfinite(amax), amax, 0.0)
    ex = jnp.exp(alpha - amax[dst])
    denom = jax.ops.segment_sum(ex, dst, num_segments=N)
    w = ex / (denom[dst] + 1e-16)
    msg = w * (xv[src] + delta)
    out = jax.ops.segment_sum(msg, dst, num_segments=N)

    # ---- PointTrans_Layer_down ----
    h = out @ d_W + d_b
    mu = h.mean(axis=0)
    var = h.var(axis=0)
    h = (h - mu) / jnp.sqrt(var + 1e-5) * bn_g + bn_b
    h = jax.nn.relu(h)

    # max_pool_neighbor_x (neighbors + self)
    src2 = jnp.concatenate([src, jnp.arange(N)])
    dst2 = jnp.concatenate([dst, jnp.arange(N)])
    pooled = jax.ops.segment_max(h[src2], dst2, num_segments=N)

    # GridSampling(grid_size) via voxel hash to fixed M buckets (mean pool)
    M = N
    vox = jnp.floor(pos / GRID).astype(jnp.int32)
    cid = ((vox[:, 0] * 73856093) ^ (vox[:, 1] * 19349663) ^ (vox[:, 2] * 83492791)) % M
    cid = jnp.where(cid < 0, cid + M, cid)
    cnt = jax.ops.segment_sum(jnp.ones((N,), h.dtype), cid, num_segments=M)
    cnt = jnp.maximum(cnt, 1.0)[:, None]
    x_out = jax.ops.segment_sum(pooled, cid, num_segments=M) / cnt
    pos_out = jax.ops.segment_sum(pos, cid, num_segments=M) / cnt
    return x_out, pos_out

if __name__ == "__main__":
    import jax
    _d = setup_inputs()
    print(jax.jit(kernel)(*tuple(_d.values())))

</pallas_src>

<mosaic_0001>
#map = affine_map<(d0, d1) -> (0, 0)>
#map1 = affine_map<(d0, d1) -> (0)>
module attributes {stable_mosaic.version = 14 : i64} {
  func.func @body(%arg0: i32, %arg1: i32, %arg2: memref<4096x256xf32, #tpu.memory_space<hbm>>, %arg3: memref<65536xi32, #tpu.memory_space<hbm>>, %arg4: memref<65536x256xf32, #tpu.memory_space<hbm>>, %arg5: memref<128xi32, #tpu.memory_space<vmem>>, %arg6: memref<128xi32, #tpu.memory_space<vmem>>, %arg7: memref<128x256xf32, #tpu.memory_space<vmem>>, %arg8: memref<128x256xf32, #tpu.memory_space<vmem>>, %arg9: memref<!tpu.dma_semaphore, #tpu.memory_space<semaphore_mem>>, %arg10: memref<!tpu.dma_semaphore, #tpu.memory_space<semaphore_mem>>, %arg11: memref<!tpu.dma_semaphore, #tpu.memory_space<semaphore_mem>>, %arg12: memref<!tpu.dma_semaphore, #tpu.memory_space<semaphore_mem>>) attributes {dimension_semantics = [#tpu.dimension_semantics<core_parallel>, #tpu.dimension_semantics<subcore_parallel>], iteration_bounds = array<i64: 2, 16>, scalar_prefetch = 0 : i64, scratch_operands = 8 : i64, tpu.core_type = #tpu.core_type<sc_vector_subcore>, window_params = [{transform_indices = #map}, {transform_indices = #map1}, {transform_indices = #map}]} {
    %mul3A = arith.constant 2 : i32
    %mul3A_0 = arith.muli %arg1, %mul3A : i32
    %add3A = arith.addi %mul3A_0, %arg0 : i32
    %mul3A_1 = arith.constant 2048 : i32
    %mul3A_2 = arith.muli %add3A, %mul3A_1 : i32
    %add3A_3 = arith.constant 0 : i32
    %add3A_4 = arith.addi %mul3A_2, %add3A_3 : i32
    "tpu.region"() ({
      %run_scoped3A = tpu.sem_alloc : memref<!tpu.dma_semaphore, #tpu.memory_space<semaphore_mem>>
      %dma_start3A_17 = tpu.memref_slice %arg3[%add3A_4] : memref<65536xi32, #tpu.memory_space<hbm>> -> memref<128xi32, #tpu.memory_space<hbm>>
      %dma_start3A_18 = tpu.memref_slice %arg3[%add3A_4] : memref<65536xi32, #tpu.memory_space<hbm>> -> memref<128xi32, #tpu.memory_space<hbm>>
      tpu.enqueue_dma source(%dma_start3A_18 : memref<128xi32, #tpu.memory_space<hbm>>) target(%arg5 : memref<128xi32, #tpu.memory_space<vmem>>) target_semaphore(%run_scoped3A : memref<!tpu.dma_semaphore, #tpu.memory_space<semaphore_mem>>)
      %dma_wait3A_19 = tpu.memref_slice %arg3[%add3A_4] : memref<65536xi32, #tpu.memory_space<hbm>> -> memref<128xi32, #tpu.memory_space<hbm>>
      %dma_wait3A_20 = tpu.memref_slice %arg3[%add3A_4] : memref<65536xi32, #tpu.memory_space<hbm>> -> memref<128xi32, #tpu.memory_space<hbm>>
      tpu.wait_dma2 semaphore(%run_scoped3A : memref<!tpu.dma_semaphore, #tpu.memory_space<semaphore_mem>>) src(%dma_wait3A_20 : memref<128xi32, #tpu.memory_space<hbm>>) dst(%arg5 : memref<128xi32, #tpu.memory_space<vmem>>)
      tpu.yield
    }) : () -> ()
    %dma_start3A = arith.constant 0 : i32
    %dma_start3A_5 = arith.constant 0 : i32
    %dma_start3A_6 = tpu.memref_slice %arg2[%dma_start3A, %dma_start3A_5] : memref<4096x256xf32, #tpu.memory_space<hbm>> -> memref<4096x256xf32, #tpu.memory_space<hbm>>
    tpu.enqueue_indirect_dma source(%dma_start3A_6 : memref<4096x256xf32, #tpu.memory_space<hbm>>) target(%arg7 : memref<128x256xf32, #tpu.memory_space<vmem>>) offsets(%arg5 : memref<128xi32, #tpu.memory_space<vmem>>) semaphore(%arg9 : memref<!tpu.dma_semaphore, #tpu.memory_space<semaphore_mem>>)
    %scan3A = arith.constant 0 : i32
    %scan3A_7 = arith.constant 0 : i32
    %scan3A_8 = arith.constant 8 : i32
    %scan3A_9 = arith.addi %scan3A_7, %scan3A_8 : i32
    %scan3A_10 = arith.constant 1 : i32
    scf.for %scan3A_17 = %scan3A_7 to %scan3A_9 step %scan3A_10  : i32 {
      %mul3A_18 = arith.constant 2 : i32
      %mul3A_19 = arith.muli %mul3A_18, %scan3A_17 : i32
      %ge3A = arith.constant 1 : i32
      %ge3A_20 = arith.cmpi sge, %scan3A_17, %ge3A : i32
      %convert_element_type3A = arith.extui %ge3A_20 : i1 to i32
      %cond3A = arith.constant 0 : i32
      %cond3A_21 = arith.cmpi ne, %convert_element_type3A, %cond3A : i32
      scf.if %cond3A_21 {
        %sub3A = arith.constant 1 : i32
        %sub3A_63 = arith.subi %mul3A_19, %sub3A : i32
        %mul3A_64 = arith.constant 128 : i32
        %mul3A_65 = arith.muli %sub3A_63, %mul3A_64 : i32
        %add3A_66 = arith.addi %mul3A_2, %mul3A_65 : i32
        %dma_wait3A_67 = arith.constant 0 : i32
        %dma_wait3A_68 = tpu.memref_slice %arg4[%add3A_66, %dma_wait3A_67] : memref<65536x256xf32, #tpu.memory_space<hbm>> -> memref<128x256xf32, #tpu.memory_space<hbm>>
        %dma_wait3A_69 = arith.constant 0 : i32
        %dma_wait3A_70 = tpu.memref_slice %arg4[%add3A_66, %dma_wait3A_69] : memref<65536x256xf32, #tpu.memory_space<hbm>> -> memref<128x256xf32, #tpu.memory_space<hbm>>
        tpu.wait_dma2 semaphore(%arg12 : memref<!tpu.dma_semaphore, #tpu.memory_space<semaphore_mem>>) src(%arg8 : memref<128x256xf32, #tpu.memory_space<vmem>>) dst(%dma_wait3A_70 : memref<128x256xf32, #tpu.memory_space<hbm>>)
      } else {
      }
      %add3A_22 = arith.constant 1 : i32
      %add3A_23 = arith.addi %mul3A_19, %add3A_22 : i32
      %mul3A_24 = arith.constant 128 : i32
      %mul3A_25 = arith.muli %add3A_23, %mul3A_24 : i32
      %add3A_26 = arith.addi %mul3A_2, %mul3A_25 : i32
      "tpu.region"() ({
        %run_scoped3A = tpu.sem_alloc : memref<!tpu.dma_semaphore, #tpu.memory_space<semaphore_mem>>
        %dma_start3A_63 = tpu.memref_slice %arg3[%add3A_26] : memref<65536xi32, #tpu.memory_space<hbm>> -> memref<128xi32, #tpu.memory_space<hbm>>
        %dma_start3A_64 = tpu.memref_slice %arg3[%add3A_26] : memref<65536xi32, #tpu.memory_space<hbm>> -> memref<128xi32, #tpu.memory_space<hbm>>
        tpu.enqueue_dma source(%dma_start3A_64 : memref<128xi32, #tpu.memory_space<hbm>>) target(%arg6 : memref<128xi32, #tpu.memory_space<vmem>>) target_semaphore(%run_scoped3A : memref<!tpu.dma_semaphore, #tpu.memory_space<semaphore_mem>>)
        %dma_wait3A_65 = tpu.memref_slice %arg3[%add3A_26] : memref<65536xi32, #tpu.memory_space<hbm>> -> memref<128xi32, #tpu.memory_space<hbm>>
        %dma_wait3A_66 = tpu.memref_slice %arg3[%add3A_26] : memref<65536xi32, #tpu.memory_space<hbm>> -> memref<128xi32, #tpu.memory_space<hbm>>
        tpu.wait_dma2 semaphore(%run_scoped3A : memref<!tpu.dma_semaphore, #tpu.memory_space<semaphore_mem>>) src(%dma_wait3A_66 : memref<128xi32, #tpu.memory_space<hbm>>) dst(%arg6 : memref<128xi32, #tpu.memory_space<vmem>>)
        tpu.yield
      }) : () -> ()
      %dma_start3A_27 = arith.constant 0 : i32
      %dma_start3A_28 = arith.constant 0 : i32
      %dma_start3A_29 = tpu.memref_slice %arg2[%dma_start3A_27, %dma_start3A_28] : memref<4096x256xf32, #tpu.memory_space<hbm>> -> memref<4096x256xf32, #tpu.memory_space<hbm>>
      tpu.enqueue_indirect_dma source(%dma_start3A_29 : memref<4096x256xf32, #tpu.memory_space<hbm>>) target(%arg8 : memref<128x256xf32, #tpu.memory_space<vmem>>) offsets(%arg6 : memref<128xi32, #tpu.memory_space<vmem>>) semaphore(%arg10 : memref<!tpu.dma_semaphore, #tpu.memory_space<semaphore_mem>>)
      %dma_wait3A_30 = arith.constant 0 : i32
      %dma_wait3A_31 = arith.constant 0 : i32
      %dma_wait3A_32 = tpu.memref_slice %arg2[%dma_wait3A_30, %dma_wait3A_31] : memref<4096x256xf32, #tpu.memory_space<hbm>> -> memref<4096x256xf32, #tpu.memory_space<hbm>>
      tpu.wait_indirect_dma semaphore(%arg9 : memref<!tpu.dma_semaphore, #tpu.memory_space<semaphore_mem>>) src(%dma_wait3A_32 : memref<4096x256xf32, #tpu.memory_space<hbm>>) dst(%arg7 : memref<128x256xf32, #tpu.memory_space<vmem>>)
      %mul3A_33 = arith.constant 128 : i32
      %mul3A_34 = arith.muli %mul3A_19, %mul3A_33 : i32
      %add3A_35 = arith.addi %mul3A_2, %mul3A_34 : i32
      %dma_start3A_36 = arith.constant 0 : i32
      %dma_start3A_37 = tpu.memref_slice %arg4[%add3A_35, %dma_start3A_36] : memref<65536x256xf32, #tpu.memory_space<hbm>> -> memref<128x256xf32, #tpu.memory_space<hbm>>
      %dma_start3A_38 = arith.constant 0 : i32
      %dma_start3A_39 = tpu.memref_slice %arg4[%add3A_35, %dma_start3A_38] : memref<65536x256xf32, #tpu.memory_space<hbm>> -> memref<128x256xf32, #tpu.memory_space<hbm>>
      tpu.enqueue_dma source(%arg7 : memref<128x256xf32, #tpu.memory_space<vmem>>) target(%dma_start3A_39 : memref<128x256xf32, #tpu.memory_space<hbm>>) target_semaphore(%arg11 : memref<!tpu.dma_semaphore, #tpu.memory_space<semaphore_mem>>)
      %mul3A_40 = arith.constant 128 : i32
      %mul3A_41 = arith.muli %mul3A_19, %mul3A_40 : i32
      %add3A_42 = arith.addi %mul3A_2, %mul3A_41 : i32
      %dma_wait3A_43 = arith.constant 0 : i32
      %dma_wait3A_44 = tpu.memref_slice %arg4[%add3A_42, %dma_wait3A_43] : memref<65536x256xf32, #tpu.memory_space<hbm>> -> memref<128x256xf32, #tpu.memory_space<hbm>>
      %dma_wait3A_45 = arith.constant 0 : i32
      %dma_wait3A_46 = tpu.memref_slice %arg4[%add3A_42, %dma_wait3A_45] : memref<65536x256xf32, #tpu.memory_space<hbm>> -> memref<128x256xf32, #tpu.memory_space<hbm>>
      tpu.wait_dma2 semaphore(%arg11 : memref<!tpu.dma_semaphore, #tpu.memory_space<semaphore_mem>>) src(%arg7 : memref<128x256xf32, #tpu.memory_space<vmem>>) dst(%dma_wait3A_46 : memref<128x256xf32, #tpu.memory_space<hbm>>)
      %lt3A = arith.constant 7 : i32
      %lt3A_47 = arith.cmpi slt, %scan3A_17, %lt3A : i32
      %convert_element_type3A_48 = arith.extui %lt3A_47 : i1 to i32
      %cond3A_49 = arith.constant 0 : i32
      %cond3A_50 = arith.cmpi ne, %convert_element_type3A_48, %cond3A_49 : i32
      scf.if %cond3A_50 {
        %add3A_63 = arith.constant 2 : i32
        %add3A_64 = arith.addi %mul3A_19, %add3A_63 : i32
        %mul3A_65 = arith.constant 128 : i32
        %mul3A_66 = arith.muli %add3A_64, %mul3A_65 : i32
        %add3A_67 = arith.addi %mul3A_2, %mul3A_66 : i32
        "tpu.region"() ({
          %run_scoped3A = tpu.sem_alloc : memref<!tpu.dma_semaphore, #tpu.memory_space<semaphore_mem>>
          %dma_start3A_71 = tpu.memref_slice %arg3[%add3A_67] : memref<65536xi32, #tpu.memory_space<hbm>> -> memref<128xi32, #tpu.memory_space<hbm>>
          %dma_start3A_72 = tpu.memref_slice %arg3[%add3A_67] : memref<65536xi32, #tpu.memory_space<hbm>> -> memref<128xi32, #tpu.memory_space<hbm>>
          tpu.enqueue_dma source(%dma_start3A_72 : memref<128xi32, #tpu.memory_space<hbm>>) target(%arg5 : memref<128xi32, #tpu.memory_space<vmem>>) target_semaphore(%run_scoped3A : memref<!tpu.dma_semaphore, #tpu.memory_space<semaphore_mem>>)
          %dma_wait3A_73 = tpu.memref_slice %arg3[%add3A_67] : memref<65536xi32, #tpu.memory_space<hbm>> -> memref<128xi32, #tpu.memory_space<hbm>>
          %dma_wait3A_74 = tpu.memref_slice %arg3[%add3A_67] : memref<65536xi32, #tpu.memory_space<hbm>> -> memref<128xi32, #tpu.memory_space<hbm>>
          tpu.wait_dma2 semaphore(%run_scoped3A : memref<!tpu.dma_semaphore, #tpu.memory_space<semaphore_mem>>) src(%dma_wait3A_74 : memref<128xi32, #tpu.memory_space<hbm>>) dst(%arg5 : memref<128xi32, #tpu.memory_space<vmem>>)
          tpu.yield
        }) : () -> ()
        %dma_start3A_68 = arith.constant 0 : i32
        %dma_start3A_69 = arith.constant 0 : i32
        %dma_start3A_70 = tpu.memref_slice %arg2[%dma_start3A_68, %dma_start3A_69] : memref<4096x256xf32, #tpu.memory_space<hbm>> -> memref<4096x256xf32, #tpu.memory_space<hbm>>
        tpu.enqueue_indirect_dma source(%dma_start3A_70 : memref<4096x256xf32, #tpu.memory_space<hbm>>) target(%arg7 : memref<128x256xf32, #tpu.memory_space<vmem>>) offsets(%arg5 : memref<128xi32, #tpu.memory_space<vmem>>) semaphore(%arg9 : memref<!tpu.dma_semaphore, #tpu.memory_space<semaphore_mem>>)
      } else {
      }
      %add3A_51 = arith.constant 1 : i32
      %add3A_52 = arith.addi %mul3A_19, %add3A_51 : i32
      %dma_wait3A_53 = arith.constant 0 : i32
      %dma_wait3A_54 = arith.constant 0 : i32
      %dma_wait3A_55 = tpu.memref_slice %arg2[%dma_wait3A_53, %dma_wait3A_54] : memref<4096x256xf32, #tpu.memory_space<hbm>> -> memref<4096x256xf32, #tpu.memory_space<hbm>>
      tpu.wait_indirect_dma semaphore(%arg10 : memref<!tpu.dma_semaphore, #tpu.memory_space<semaphore_mem>>) src(%dma_wait3A_55 : memref<4096x256xf32, #tpu.memory_space<hbm>>) dst(%arg8 : memref<128x256xf32, #tpu.memory_space<vmem>>)
      %mul3A_56 = arith.constant 128 : i32
      %mul3A_57 = arith.muli %add3A_52, %mul3A_56 : i32
      %add3A_58 = arith.addi %mul3A_2, %mul3A_57 : i32
      %dma_start3A_59 = arith.constant 0 : i32
      %dma_start3A_60 = tpu.memref_slice %arg4[%add3A_58, %dma_start3A_59] : memref<65536x256xf32, #tpu.memory_space<hbm>> -> memref<128x256xf32, #tpu.memory_space<hbm>>
      %dma_start3A_61 = arith.constant 0 : i32
      %dma_start3A_62 = tpu.memref_slice %arg4[%add3A_58, %dma_start3A_61] : memref<65536x256xf32, #tpu.memory_space<hbm>> -> memref<128x256xf32, #tpu.memory_space<hbm>>
      tpu.enqueue_dma source(%arg8 : memref<128x256xf32, #tpu.memory_space<vmem>>) target(%dma_start3A_62 : memref<128x256xf32, #tpu.memory_space<hbm>>) target_semaphore(%arg12 : memref<!tpu.dma_semaphore, #tpu.memory_space<semaphore_mem>>)
    }
    %scan3A_11 = arith.constant 8 : i32
    %add3A_12 = arith.constant 1920 : i32
    %add3A_13 = arith.addi %mul3A_2, %add3A_12 : i32
    %dma_wait3A = arith.constant 0 : i32
    %dma_wait3A_14 = tpu.memref_slice %arg4[%add3A_13, %dma_wait3A] : memref<65536x256xf32, #tpu.memory_space<hbm>> -> memref<128x256xf32, #tpu.memory_space<hbm>>
    %dma_wait3A_15 = arith.constant 0 : i32
    %dma_wait3A_16 = tpu.memref_slice %arg4[%add3A_13, %dma_wait3A_15] : memref<65536x256xf32, #tpu.memory_space<hbm>> -> memref<128x256xf32, #tpu.memory_space<hbm>>
    tpu.wait_dma2 semaphore(%arg12 : memref<!tpu.dma_semaphore, #tpu.memory_space<semaphore_mem>>) src(%arg8 : memref<128x256xf32, #tpu.memory_space<vmem>>) dst(%dma_wait3A_16 : memref<128x256xf32, #tpu.memory_space<hbm>>)
    return
  }
}

#map = affine_map<(d0, d1) -> (0, 0)>
#map1 = affine_map<(d0, d1) -> (0)>
module attributes {stable_mosaic.version = 14 : i64} {
  func.func @body(%arg0: i32, %arg1: i32, %arg2: memref<4096x256xf32, #tpu.memory_space<hbm>>, %arg3: memref<65536xi32, #tpu.memory_space<hbm>>, %arg4: memref<65536x256xf32, #tpu.memory_space<hbm>>, %arg5: memref<128xi32, #tpu.memory_space<vmem>>, %arg6: memref<128xi32, #tpu.memory_space<vmem>>, %arg7: memref<128x256xf32, #tpu.memory_space<vmem>>, %arg8: memref<128x256xf32, #tpu.memory_space<vmem>>, %arg9: memref<!tpu.dma_semaphore, #tpu.memory_space<semaphore_mem>>, %arg10: memref<!tpu.dma_semaphore, #tpu.memory_space<semaphore_mem>>, %arg11: memref<!tpu.dma_semaphore, #tpu.memory_space<semaphore_mem>>, %arg12: memref<!tpu.dma_semaphore, #tpu.memory_space<semaphore_mem>>) attributes {dimension_semantics = [#tpu.dimension_semantics<core_parallel>, #tpu.dimension_semantics<subcore_parallel>], iteration_bounds = array<i64: 2, 16>, scalar_prefetch = 0 : i64, scratch_operands = 8 : i64, tpu.core_type = #tpu.core_type<sc_vector_subcore>, window_params = [{transform_indices = #map}, {transform_indices = #map1}, {transform_indices = #map}]} {
    %mul3A = arith.constant 2 : i32
    %mul3A_0 = arith.muli %arg1, %mul3A : i32
    %add3A = arith.addi %mul3A_0, %arg0 : i32
    %mul3A_1 = arith.constant 2048 : i32
    %mul3A_2 = arith.muli %add3A, %mul3A_1 : i32
    %add3A_3 = arith.constant 0 : i32
    %add3A_4 = arith.addi %mul3A_2, %add3A_3 : i32
    "tpu.region"() ({
      %run_scoped3A = tpu.sem_alloc : memref<!tpu.dma_semaphore, #tpu.memory_space<semaphore_mem>>
      %dma_start3A_17 = tpu.memref_slice %arg3[%add3A_4] : memref<65536xi32, #tpu.memory_space<hbm>> -> memref<128xi32, #tpu.memory_space<hbm>>
      %dma_start3A_18 = tpu.memref_slice %arg3[%add3A_4] : memref<65536xi32, #tpu.memory_space<hbm>> -> memref<128xi32, #tpu.memory_space<hbm>>
      tpu.enqueue_dma source(%dma_start3A_18 : memref<128xi32, #tpu.memory_space<hbm>>) target(%arg5 : memref<128xi32, #tpu.memory_space<vmem>>) target_semaphore(%run_scoped3A : memref<!tpu.dma_semaphore, #tpu.memory_space<semaphore_mem>>)
      %dma_wait3A_19 = tpu.memref_slice %arg3[%add3A_4] : memref<65536xi32, #tpu.memory_space<hbm>> -> memref<128xi32, #tpu.memory_space<hbm>>
      %dma_wait3A_20 = tpu.memref_slice %arg3[%add3A_4] : memref<65536xi32, #tpu.memory_space<hbm>> -> memref<128xi32, #tpu.memory_space<hbm>>
      tpu.wait_dma2 semaphore(%run_scoped3A : memref<!tpu.dma_semaphore, #tpu.memory_space<semaphore_mem>>) src(%dma_wait3A_20 : memref<128xi32, #tpu.memory_space<hbm>>) dst(%arg5 : memref<128xi32, #tpu.memory_space<vmem>>)
      tpu.yield
    }) : () -> ()
    %dma_start3A = arith.constant 0 : i32
    %dma_start3A_5 = arith.constant 0 : i32
    %dma_start3A_6 = tpu.memref_slice %arg2[%dma_start3A, %dma_start3A_5] : memref<4096x256xf32, #tpu.memory_space<hbm>> -> memref<4096x256xf32, #tpu.memory_space<hbm>>
    tpu.enqueue_indirect_dma source(%dma_start3A_6 : memref<4096x256xf32, #tpu.memory_space<hbm>>) target(%arg7 : memref<128x256xf32, #tpu.memory_space<vmem>>) offsets(%arg5 : memref<128xi32, #tpu.memory_space<vmem>>) semaphore(%arg9 : memref<!tpu.dma_semaphore, #tpu.memory_space<semaphore_mem>>)
    %scan3A = arith.constant 0 : i32
    %scan3A_7 = arith.constant 0 : i32
    %scan3A_8 = arith.constant 8 : i32
    %scan3A_9 = arith.addi %scan3A_7, %scan3A_8 : i32
    %scan3A_10 = arith.constant 1 : i32
    scf.for %scan3A_17 = %scan3A_7 to %scan3A_9 step %scan3A_10  : i32 {
      %mul3A_18 = arith.constant 2 : i32
      %mul3A_19 = arith.muli %mul3A_18, %scan3A_17 : i32
      %ge3A = arith.constant 1 : i32
      %ge3A_20 = arith.cmpi sge, %scan3A_17, %ge3A : i32
      %convert_element_type3A = arith.extui %ge3A_20 : i1 to i32
      %cond3A = arith.constant 0 : i32
      %cond3A_21 = arith.cmpi ne, %convert_element_type3A, %cond3A : i32
      scf.if %cond3A_21 {
        %sub3A = arith.constant 1 : i32
        %sub3A_63 = arith.subi %mul3A_19, %sub3A : i32
        %mul3A_64 = arith.constant 128 : i32
        %mul3A_65 = arith.muli %sub3A_63, %mul3A_64 : i32
        %add3A_66 = arith.addi %mul3A_2, %mul3A_65 : i32
        %dma_wait3A_67 = arith.constant 0 : i32
        %dma_wait3A_68 = tpu.memref_slice %arg4[%add3A_66, %dma_wait3A_67] : memref<65536x256xf32, #tpu.memory_space<hbm>> -> memref<128x256xf32, #tpu.memory_space<hbm>>
        %dma_wait3A_69 = arith.constant 0 : i32
        %dma_wait3A_70 = tpu.memref_slice %arg4[%add3A_66, %dma_wait3A_69] : memref<65536x256xf32, #tpu.memory_space<hbm>> -> memref<128x256xf32, #tpu.memory_space<hbm>>
        tpu.wait_dma2 semaphore(%arg12 : memref<!tpu.dma_semaphore, #tpu.memory_space<semaphore_mem>>) src(%arg8 : memref<128x256xf32, #tpu.memory_space<vmem>>) dst(%dma_wait3A_70 : memref<128x256xf32, #tpu.memory_space<hbm>>)
      } else {
      }
      %add3A_22 = arith.constant 1 : i32
      %add3A_23 = arith.addi %mul3A_19, %add3A_22 : i32
      %mul3A_24 = arith.constant 128 : i32
      %mul3A_25 = arith.muli %add3A_23, %mul3A_24 : i32
      %add3A_26 = arith.addi %mul3A_2, %mul3A_25 : i32
      "tpu.region"() ({
        %run_scoped3A = tpu.sem_alloc : memref<!tpu.dma_semaphore, #tpu.memory_space<semaphore_mem>>
        %dma_start3A_63 = tpu.memref_slice %arg3[%add3A_26] : memref<65536xi32, #tpu.memory_space<hbm>> -> memref<128xi32, #tpu.memory_space<hbm>>
        %dma_start3A_64 = tpu.memref_slice %arg3[%add3A_26] : memref<65536xi32, #tpu.memory_space<hbm>> -> memref<128xi32, #tpu.memory_space<hbm>>
        tpu.enqueue_dma source(%dma_start3A_64 : memref<128xi32, #tpu.memory_space<hbm>>) target(%arg6 : memref<128xi32, #tpu.memory_space<vmem>>) target_semaphore(%run_scoped3A : memref<!tpu.dma_semaphore, #tpu.memory_space<semaphore_mem>>)
        %dma_wait3A_65 = tpu.memref_slice %arg3[%add3A_26] : memref<65536xi32, #tpu.memory_space<hbm>> -> memref<128xi32, #tpu.memory_space<hbm>>
        %dma_wait3A_66 = tpu.memref_slice %arg3[%add3A_26] : memref<65536xi32, #tpu.memory_space<hbm>> -> memref<128xi32, #tpu.memory_space<hbm>>
        tpu.wait_dma2 semaphore(%run_scoped3A : memref<!tpu.dma_semaphore, #tpu.memory_space<semaphore_mem>>) src(%dma_wait3A_66 : memref<128xi32, #tpu.memory_space<hbm>>) dst(%arg6 : memref<128xi32, #tpu.memory_space<vmem>>)
        tpu.yield
      }) : () -> ()
      %dma_start3A_27 = arith.constant 0 : i32
      %dma_start3A_28 = arith.constant 0 : i32
      %dma_start3A_29 = tpu.memref_slice %arg2[%dma_start3A_27, %dma_start3A_28] : memref<4096x256xf32, #tpu.memory_space<hbm>> -> memref<4096x256xf32, #tpu.memory_space<hbm>>
      tpu.enqueue_indirect_dma source(%dma_start3A_29 : memref<4096x256xf32, #tpu.memory_space<hbm>>) target(%arg8 : memref<128x256xf32, #tpu.memory_space<vmem>>) offsets(%arg6 : memref<128xi32, #tpu.memory_space<vmem>>) semaphore(%arg10 : memref<!tpu.dma_semaphore, #tpu.memory_space<semaphore_mem>>)
      %dma_wait3A_30 = arith.constant 0 : i32
      %dma_wait3A_31 = arith.constant 0 : i32
      %dma_wait3A_32 = tpu.memref_slice %arg2[%dma_wait3A_30, %dma_wait3A_31] : memref<4096x256xf32, #tpu.memory_space<hbm>> -> memref<4096x256xf32, #tpu.memory_space<hbm>>
      tpu.wait_indirect_dma semaphore(%arg9 : memref<!tpu.dma_semaphore, #tpu.memory_space<semaphore_mem>>) src(%dma_wait3A_32 : memref<4096x256xf32, #tpu.memory_space<hbm>>) dst(%arg7 : memref<128x256xf32, #tpu.memory_space<vmem>>)
      %mul3A_33 = arith.constant 128 : i32
      %mul3A_34 = arith.muli %mul3A_19, %mul3A_33 : i32
      %add3A_35 = arith.addi %mul3A_2, %mul3A_34 : i32
      %dma_start3A_36 = arith.constant 0 : i32
      %dma_start3A_37 = tpu.memref_slice %arg4[%add3A_35, %dma_start3A_36] : memref<65536x256xf32, #tpu.memory_space<hbm>> -> memref<128x256xf32, #tpu.memory_space<hbm>>
      %dma_start3A_38 = arith.constant 0 : i32
      %dma_start3A_39 = tpu.memref_slice %arg4[%add3A_35, %dma_start3A_38] : memref<65536x256xf32, #tpu.memory_space<hbm>> -> memref<128x256xf32, #tpu.memory_space<hbm>>
      tpu.enqueue_dma source(%arg7 : memref<128x256xf32, #tpu.memory_space<vmem>>) target(%dma_start3A_39 : memref<128x256xf32, #tpu.memory_space<hbm>>) target_semaphore(%arg11 : memref<!tpu.dma_semaphore, #tpu.memory_space<semaphore_mem>>)
      %mul3A_40 = arith.constant 128 : i32
      %mul3A_41 = arith.muli %mul3A_19, %mul3A_40 : i32
      %add3A_42 = arith.addi %mul3A_2, %mul3A_41 : i32
      %dma_wait3A_43 = arith.constant 0 : i32
      %dma_wait3A_44 = tpu.memref_slice %arg4[%add3A_42, %dma_wait3A_43] : memref<65536x256xf32, #tpu.memory_space<hbm>> -> memref<128x256xf32, #tpu.memory_space<hbm>>
      %dma_wait3A_45 = arith.constant 0 : i32
      %dma_wait3A_46 = tpu.memref_slice %arg4[%add3A_42, %dma_wait3A_45] : memref<65536x256xf32, #tpu.memory_space<hbm>> -> memref<128x256xf32, #tpu.memory_space<hbm>>
      tpu.wait_dma2 semaphore(%arg11 : memref<!tpu.dma_semaphore, #tpu.memory_space<semaphore_mem>>) src(%arg7 : memref<128x256xf32, #tpu.memory_space<vmem>>) dst(%dma_wait3A_46 : memref<128x256xf32, #tpu.memory_space<hbm>>)
      %lt3A = arith.constant 7 : i32
      %lt3A_47 = arith.cmpi slt, %scan3A_17, %lt3A : i32
      %convert_element_type3A_48 = arith.extui %lt3A_47 : i1 to i32
      %cond3A_49 = arith.constant 0 : i32
      %cond3A_50 = arith.cmpi ne, %convert_element_type3A_48, %cond3A_49 : i32
      scf.if %cond3A_50 {
        %add3A_63 = arith.constant 2 : i32
        %add3A_64 = arith.addi %mul3A_19, %add3A_63 : i32
        %mul3A_65 = arith.constant 128 : i32
        %mul3A_66 = arith.muli %add3A_64, %mul3A_65 : i32
        %add3A_67 = arith.addi %mul3A_2, %mul3A_66 : i32
        "tpu.region"() ({
          %run_scoped3A = tpu.sem_alloc : memref<!tpu.dma_semaphore, #tpu.memory_space<semaphore_mem>>
          %dma_start3A_71 = tpu.memref_slice %arg3[%add3A_67] : memref<65536xi32, #tpu.memory_space<hbm>> -> memref<128xi32, #tpu.memory_space<hbm>>
          %dma_start3A_72 = tpu.memref_slice %arg3[%add3A_67] : memref<65536xi32, #tpu.memory_space<hbm>> -> memref<128xi32, #tpu.memory_space<hbm>>
          tpu.enqueue_dma source(%dma_start3A_72 : memref<128xi32, #tpu.memory_space<hbm>>) target(%arg5 : memref<128xi32, #tpu.memory_space<vmem>>) target_semaphore(%run_scoped3A : memref<!tpu.dma_semaphore, #tpu.memory_space<semaphore_mem>>)
          %dma_wait3A_73 = tpu.memref_slice %arg3[%add3A_67] : memref<65536xi32, #tpu.memory_space<hbm>> -> memref<128xi32, #tpu.memory_space<hbm>>
          %dma_wait3A_74 = tpu.memref_slice %arg3[%add3A_67] : memref<65536xi32, #tpu.memory_space<hbm>> -> memref<128xi32, #tpu.memory_space<hbm>>
          tpu.wait_dma2 semaphore(%run_scoped3A : memref<!tpu.dma_semaphore, #tpu.memory_space<semaphore_mem>>) src(%dma_wait3A_74 : memref<128xi32, #tpu.memory_space<hbm>>) dst(%arg5 : memref<128xi32, #tpu.memory_space<vmem>>)
          tpu.yield
        }) : () -> ()
        %dma_start3A_68 = arith.constant 0 : i32
        %dma_start3A_69 = arith.constant 0 : i32
        %dma_start3A_70 = tpu.memref_slice %arg2[%dma_start3A_68, %dma_start3A_69] : memref<4096x256xf32, #tpu.memory_space<hbm>> -> memref<4096x256xf32, #tpu.memory_space<hbm>>
        tpu.enqueue_indirect_dma source(%dma_start3A_70 : memref<4096x256xf32, #tpu.memory_space<hbm>>) target(%arg7 : memref<128x256xf32, #tpu.memory_space<vmem>>) offsets(%arg5 : memref<128xi32, #tpu.memory_space<vmem>>) semaphore(%arg9 : memref<!tpu.dma_semaphore, #tpu.memory_space<semaphore_mem>>)
      } else {
      }
      %add3A_51 = arith.constant 1 : i32
      %add3A_52 = arith.addi %mul3A_19, %add3A_51 : i32
      %dma_wait3A_53 = arith.constant 0 : i32
      %dma_wait3A_54 = arith.constant 0 : i32
      %dma_wait3A_55 = tpu.memref_slice %arg2[%dma_wait3A_53, %dma_wait3A_54] : memref<4096x256xf32, #tpu.memory_space<hbm>> -> memref<4096x256xf32, #tpu.memory_space<hbm>>
      tpu.wait_indirect_dma semaphore(%arg10 : memref<!tpu.dma_semaphore, #tpu.memory_space<semaphore_mem>>) src(%dma_wait3A_55 : memref<4096x256xf32, #tpu.memory_space<hbm>>) dst(%arg8 : memref<128x256xf32, #tpu.memory_space<vmem>>)
      %mul3A_56 = arith.constant 128 : i32
      %mul3A_57 = arith.muli %add3A_52, %mul3A_56 : i32
      %add3A_58 = arith.addi %mul3A_2, %mul3A_57 : i32
      %dma_start3A_59 = arith.constant 0 : i32
      %dma_start3A_60 = tpu.memref_slice %arg4[%add3A_58, %dma_start3A_59] : memref<65536x256xf32, #tpu.memory_space<hbm>> -> memref<128x256xf32, #tpu.memory_space<hbm>>
      %dma_start3A_61 = arith.constant 0 : i32
      %dma_start3A_62 = tpu.memref_slice %arg4[%add3A_58, %dma_start3A_61] : memref<65536x256xf32, #tpu.memory_space<hbm>> -> memref<128x256xf32, #tpu.memory_space<hbm>>
      tpu.enqueue_dma source(%arg8 : memref<128x256xf32, #tpu.memory_space<vmem>>) target(%dma_start3A_62 : memref<128x256xf32, #tpu.memory_space<hbm>>) target_semaphore(%arg12 : memref<!tpu.dma_semaphore, #tpu.memory_space<semaphore_mem>>)
    }
    %scan3A_11 = arith.constant 8 : i32
    %add3A_12 = arith.constant 1920 : i32
    %add3A_13 = arith.addi %mul3A_2, %add3A_12 : i32
    %dma_wait3A = arith.constant 0 : i32
    %dma_wait3A_14 = tpu.memref_slice %arg4[%add3A_13, %dma_wait3A] : memref<65536x256xf32, #tpu.memory_space<hbm>> -> memref<128x256xf32, #tpu.memory_space<hbm>>
    %dma_wait3A_15 = arith.constant 0 : i32
    %dma_wait3A_16 = tpu.memref_slice %arg4[%add3A_13, %dma_wait3A_15] : memref<65536x256xf32, #tpu.memory_space<hbm>> -> memref<128x256xf32, #tpu.memory_space<hbm>>
    tpu.wait_dma2 semaphore(%arg12 : memref<!tpu.dma_semaphore, #tpu.memory_space<semaphore_mem>>) src(%arg8 : memref<128x256xf32, #tpu.memory_space<vmem>>) dst(%dma_wait3A_16 : memref<128x256xf32, #tpu.memory_space<hbm>>)
    return
  }
}

#map = affine_map<(d0, d1) -> (0, 0)>
#map1 = affine_map<(d0, d1) -> (0)>
module attributes {stable_mosaic.version = 14 : i64} {
  func.func @body(%arg0: i32, %arg1: i32, %arg2: memref<4096x128xf32, #tpu.memory_space<hbm>>, %arg3: memref<131072xi32, #tpu.memory_space<hbm>>, %arg4: memref<131072x128xf32, #tpu.memory_space<hbm>>, %arg5: memref<128xi32, #tpu.memory_space<vmem>>, %arg6: memref<128xi32, #tpu.memory_space<vmem>>, %arg7: memref<128x128xf32, #tpu.memory_space<vmem>>, %arg8: memref<128x128xf32, #tpu.memory_space<vmem>>, %arg9: memref<!tpu.dma_semaphore, #tpu.memory_space<semaphore_mem>>, %arg10: memref<!tpu.dma_semaphore, #tpu.memory_space<semaphore_mem>>, %arg11: memref<!tpu.dma_semaphore, #tpu.memory_space<semaphore_mem>>, %arg12: memref<!tpu.dma_semaphore, #tpu.memory_space<semaphore_mem>>) attributes {dimension_semantics = [#tpu.dimension_semantics<core_parallel>, #tpu.dimension_semantics<subcore_parallel>], iteration_bounds = array<i64: 2, 16>, scalar_prefetch = 0 : i64, scratch_operands = 8 : i64, tpu.core_type = #tpu.core_type<sc_vector_subcore>, window_params = [{transform_indices = #map}, {transform_indices = #map1}, {transform_indices = #map}]} {
    %mul3A = arith.constant 2 : i32
    %mul3A_0 = arith.muli %arg1, %mul3A : i32
    %add3A = arith.addi %mul3A_0, %arg0 : i32
    %mul3A_1 = arith.constant 4096 : i32
    %mul3A_2 = arith.muli %add3A, %mul3A_1 : i32
    %add3A_3 = arith.constant 0 : i32
    %add3A_4 = arith.addi %mul3A_2, %add3A_3 : i32
    "tpu.region"() ({
      %run_scoped3A = tpu.sem_alloc : memref<!tpu.dma_semaphore, #tpu.memory_space<semaphore_mem>>
      %dma_start3A_17 = tpu.memref_slice %arg3[%add3A_4] : memref<131072xi32, #tpu.memory_space<hbm>> -> memref<128xi32, #tpu.memory_space<hbm>>
      %dma_start3A_18 = tpu.memref_slice %arg3[%add3A_4] : memref<131072xi32, #tpu.memory_space<hbm>> -> memref<128xi32, #tpu.memory_space<hbm>>
      tpu.enqueue_dma source(%dma_start3A_18 : memref<128xi32, #tpu.memory_space<hbm>>) target(%arg5 : memref<128xi32, #tpu.memory_space<vmem>>) target_semaphore(%run_scoped3A : memref<!tpu.dma_semaphore, #tpu.memory_space<semaphore_mem>>)
      %dma_wait3A_19 = tpu.memref_slice %arg3[%add3A_4] : memref<131072xi32, #tpu.memory_space<hbm>> -> memref<128xi32, #tpu.memory_space<hbm>>
      %dma_wait3A_20 = tpu.memref_slice %arg3[%add3A_4] : memref<131072xi32, #tpu.memory_space<hbm>> -> memref<128xi32, #tpu.memory_space<hbm>>
      tpu.wait_dma2 semaphore(%run_scoped3A : memref<!tpu.dma_semaphore, #tpu.memory_space<semaphore_mem>>) src(%dma_wait3A_20 : memref<128xi32, #tpu.memory_space<hbm>>) dst(%arg5 : memref<128xi32, #tpu.memory_space<vmem>>)
      tpu.yield
    }) : () -> ()
    %dma_start3A = arith.constant 0 : i32
    %dma_start3A_5 = arith.constant 0 : i32
    %dma_start3A_6 = tpu.memref_slice %arg2[%dma_start3A, %dma_start3A_5] : memref<4096x128xf32, #tpu.memory_space<hbm>> -> memref<4096x128xf32, #tpu.memory_space<hbm>>
    tpu.enqueue_indirect_dma source(%dma_start3A_6 : memref<4096x128xf32, #tpu.memory_space<hbm>>) target(%arg7 : memref<128x128xf32, #tpu.memory_space<vmem>>) offsets(%arg5 : memref<128xi32, #tpu.memory_space<vmem>>) semaphore(%arg9 : memref<!tpu.dma_semaphore, #tpu.memory_space<semaphore_mem>>)
    %scan3A = arith.constant 0 : i32
    %scan3A_7 = arith.constant 0 : i32
    %scan3A_8 = arith.constant 16 : i32
    %scan3A_9 = arith.addi %scan3A_7, %scan3A_8 : i32
    %scan3A_10 = arith.constant 1 : i32
    scf.for %scan3A_17 = %scan3A_7 to %scan3A_9 step %scan3A_10  : i32 {
      %mul3A_18 = arith.constant 2 : i32
      %mul3A_19 = arith.muli %mul3A_18, %scan3A_17 : i32
      %ge3A = arith.constant 1 : i32
      %ge3A_20 = arith.cmpi sge, %scan3A_17, %ge3A : i32
      %convert_element_type3A = arith.extui %ge3A_20 : i1 to i32
      %cond3A = arith.constant 0 : i32
      %cond3A_21 = arith.cmpi ne, %convert_element_type3A, %cond3A : i32
      scf.if %cond3A_21 {
        %sub3A = arith.constant 1 : i32
        %sub3A_63 = arith.subi %mul3A_19, %sub3A : i32
        %mul3A_64 = arith.constant 128 : i32
        %mul3A_65 = arith.muli %sub3A_63, %mul3A_64 : i32
        %add3A_66 = arith.addi %mul3A_2, %mul3A_65 : i32
        %dma_wait3A_67 = arith.constant 0 : i32
        %dma_wait3A_68 = tpu.memref_slice %arg4[%add3A_66, %dma_wait3A_67] : memref<131072x128xf32, #tpu.memory_space<hbm>> -> memref<128x128xf32, #tpu.memory_space<hbm>>
        %dma_wait3A_69 = arith.constant 0 : i32
        %dma_wait3A_70 = tpu.memref_slice %arg4[%add3A_66, %dma_wait3A_69] : memref<131072x128xf32, #tpu.memory_space<hbm>> -> memref<128x128xf32, #tpu.memory_space<hbm>>
        tpu.wait_dma2 semaphore(%arg12 : memref<!tpu.dma_semaphore, #tpu.memory_space<semaphore_mem>>) src(%arg8 : memref<128x128xf32, #tpu.memory_space<vmem>>) dst(%dma_wait3A_70 : memref<128x128xf32, #tpu.memory_space<hbm>>)
      } else {
      }
      %add3A_22 = arith.constant 1 : i32
      %add3A_23 = arith.addi %mul3A_19, %add3A_22 : i32
      %mul3A_24 = arith.constant 128 : i32
      %mul3A_25 = arith.muli %add3A_23, %mul3A_24 : i32
      %add3A_26 = arith.addi %mul3A_2, %mul3A_25 : i32
      "tpu.region"() ({
        %run_scoped3A = tpu.sem_alloc : memref<!tpu.dma_semaphore, #tpu.memory_space<semaphore_mem>>
        %dma_start3A_63 = tpu.memref_slice %arg3[%add3A_26] : memref<131072xi32, #tpu.memory_space<hbm>> -> memref<128xi32, #tpu.memory_space<hbm>>
        %dma_start3A_64 = tpu.memref_slice %arg3[%add3A_26] : memref<131072xi32, #tpu.memory_space<hbm>> -> memref<128xi32, #tpu.memory_space<hbm>>
        tpu.enqueue_dma source(%dma_start3A_64 : memref<128xi32, #tpu.memory_space<hbm>>) target(%arg6 : memref<128xi32, #tpu.memory_space<vmem>>) target_semaphore(%run_scoped3A : memref<!tpu.dma_semaphore, #tpu.memory_space<semaphore_mem>>)
        %dma_wait3A_65 = tpu.memref_slice %arg3[%add3A_26] : memref<131072xi32, #tpu.memory_space<hbm>> -> memref<128xi32, #tpu.memory_space<hbm>>
        %dma_wait3A_66 = tpu.memref_slice %arg3[%add3A_26] : memref<131072xi32, #tpu.memory_space<hbm>> -> memref<128xi32, #tpu.memory_space<hbm>>
        tpu.wait_dma2 semaphore(%run_scoped3A : memref<!tpu.dma_semaphore, #tpu.memory_space<semaphore_mem>>) src(%dma_wait3A_66 : memref<128xi32, #tpu.memory_space<hbm>>) dst(%arg6 : memref<128xi32, #tpu.memory_space<vmem>>)
        tpu.yield
      }) : () -> ()
      %dma_start3A_27 = arith.constant 0 : i32
      %dma_start3A_28 = arith.constant 0 : i32
      %dma_start3A_29 = tpu.memref_slice %arg2[%dma_start3A_27, %dma_start3A_28] : memref<4096x128xf32, #tpu.memory_space<hbm>> -> memref<4096x128xf32, #tpu.memory_space<hbm>>
      tpu.enqueue_indirect_dma source(%dma_start3A_29 : memref<4096x128xf32, #tpu.memory_space<hbm>>) target(%arg8 : memref<128x128xf32, #tpu.memory_space<vmem>>) offsets(%arg6 : memref<128xi32, #tpu.memory_space<vmem>>) semaphore(%arg10 : memref<!tpu.dma_semaphore, #tpu.memory_space<semaphore_mem>>)
      %dma_wait3A_30 = arith.constant 0 : i32
      %dma_wait3A_31 = arith.constant 0 : i32
      %dma_wait3A_32 = tpu.memref_slice %arg2[%dma_wait3A_30, %dma_wait3A_31] : memref<4096x128xf32, #tpu.memory_space<hbm>> -> memref<4096x128xf32, #tpu.memory_space<hbm>>
      tpu.wait_indirect_dma semaphore(%arg9 : memref<!tpu.dma_semaphore, #tpu.memory_space<semaphore_mem>>) src(%dma_wait3A_32 : memref<4096x128xf32, #tpu.memory_space<hbm>>) dst(%arg7 : memref<128x128xf32, #tpu.memory_space<vmem>>)
      %mul3A_33 = arith.constant 128 : i32
      %mul3A_34 = arith.muli %mul3A_19, %mul3A_33 : i32
      %add3A_35 = arith.addi %mul3A_2, %mul3A_34 : i32
      %dma_start3A_36 = arith.constant 0 : i32
      %dma_start3A_37 = tpu.memref_slice %arg4[%add3A_35, %dma_start3A_36] : memref<131072x128xf32, #tpu.memory_space<hbm>> -> memref<128x128xf32, #tpu.memory_space<hbm>>
      %dma_start3A_38 = arith.constant 0 : i32
      %dma_start3A_39 = tpu.memref_slice %arg4[%add3A_35, %dma_start3A_38] : memref<131072x128xf32, #tpu.memory_space<hbm>> -> memref<128x128xf32, #tpu.memory_space<hbm>>
      tpu.enqueue_dma source(%arg7 : memref<128x128xf32, #tpu.memory_space<vmem>>) target(%dma_start3A_39 : memref<128x128xf32, #tpu.memory_space<hbm>>) target_semaphore(%arg11 : memref<!tpu.dma_semaphore, #tpu.memory_space<semaphore_mem>>)
      %mul3A_40 = arith.constant 128 : i32
      %mul3A_41 = arith.muli %mul3A_19, %mul3A_40 : i32
      %add3A_42 = arith.addi %mul3A_2, %mul3A_41 : i32
      %dma_wait3A_43 = arith.constant 0 : i32
      %dma_wait3A_44 = tpu.memref_slice %arg4[%add3A_42, %dma_wait3A_43] : memref<131072x128xf32, #tpu.memory_space<hbm>> -> memref<128x128xf32, #tpu.memory_space<hbm>>
      %dma_wait3A_45 = arith.constant 0 : i32
      %dma_wait3A_46 = tpu.memref_slice %arg4[%add3A_42, %dma_wait3A_45] : memref<131072x128xf32, #tpu.memory_space<hbm>> -> memref<128x128xf32, #tpu.memory_space<hbm>>
      tpu.wait_dma2 semaphore(%arg11 : memref<!tpu.dma_semaphore, #tpu.memory_space<semaphore_mem>>) src(%arg7 : memref<128x128xf32, #tpu.memory_space<vmem>>) dst(%dma_wait3A_46 : memref<128x128xf32, #tpu.memory_space<hbm>>)
      %lt3A = arith.constant 15 : i32
      %lt3A_47 = arith.cmpi slt, %scan3A_17, %lt3A : i32
      %convert_element_type3A_48 = arith.extui %lt3A_47 : i1 to i32
      %cond3A_49 = arith.constant 0 : i32
      %cond3A_50 = arith.cmpi ne, %convert_element_type3A_48, %cond3A_49 : i32
      scf.if %cond3A_50 {
        %add3A_63 = arith.constant 2 : i32
        %add3A_64 = arith.addi %mul3A_19, %add3A_63 : i32
        %mul3A_65 = arith.constant 128 : i32
        %mul3A_66 = arith.muli %add3A_64, %mul3A_65 : i32
        %add3A_67 = arith.addi %mul3A_2, %mul3A_66 : i32
        "tpu.region"() ({
          %run_scoped3A = tpu.sem_alloc : memref<!tpu.dma_semaphore, #tpu.memory_space<semaphore_mem>>
          %dma_start3A_71 = tpu.memref_slice %arg3[%add3A_67] : memref<131072xi32, #tpu.memory_space<hbm>> -> memref<128xi32, #tpu.memory_space<hbm>>
          %dma_start3A_72 = tpu.memref_slice %arg3[%add3A_67] : memref<131072xi32, #tpu.memory_space<hbm>> -> memref<128xi32, #tpu.memory_space<hbm>>
          tpu.enqueue_dma source(%dma_start3A_72 : memref<128xi32, #tpu.memory_space<hbm>>) target(%arg5 : memref<128xi32, #tpu.memory_space<vmem>>) target_semaphore(%run_scoped3A : memref<!tpu.dma_semaphore, #tpu.memory_space<semaphore_mem>>)
          %dma_wait3A_73 = tpu.memref_slice %arg3[%add3A_67] : memref<131072xi32, #tpu.memory_space<hbm>> -> memref<128xi32, #tpu.memory_space<hbm>>
          %dma_wait3A_74 = tpu.memref_slice %arg3[%add3A_67] : memref<131072xi32, #tpu.memory_space<hbm>> -> memref<128xi32, #tpu.memory_space<hbm>>
          tpu.wait_dma2 semaphore(%run_scoped3A : memref<!tpu.dma_semaphore, #tpu.memory_space<semaphore_mem>>) src(%dma_wait3A_74 : memref<128xi32, #tpu.memory_space<hbm>>) dst(%arg5 : memref<128xi32, #tpu.memory_space<vmem>>)
          tpu.yield
        }) : () -> ()
        %dma_start3A_68 = arith.constant 0 : i32
        %dma_start3A_69 = arith.constant 0 : i32
        %dma_start3A_70 = tpu.memref_slice %arg2[%dma_start3A_68, %dma_start3A_69] : memref<4096x128xf32, #tpu.memory_space<hbm>> -> memref<4096x128xf32, #tpu.memory_space<hbm>>
        tpu.enqueue_indirect_dma source(%dma_start3A_70 : memref<4096x128xf32, #tpu.memory_space<hbm>>) target(%arg7 : memref<128x128xf32, #tpu.memory_space<vmem>>) offsets(%arg5 : memref<128xi32, #tpu.memory_space<vmem>>) semaphore(%arg9 : memref<!tpu.dma_semaphore, #tpu.memory_space<semaphore_mem>>)
      } else {
      }
      %add3A_51 = arith.constant 1 : i32
      %add3A_52 = arith.addi %mul3A_19, %add3A_51 : i32
      %dma_wait3A_53 = arith.constant 0 : i32
      %dma_wait3A_54 = arith.constant 0 : i32
      %dma_wait3A_55 = tpu.memref_slice %arg2[%dma_wait3A_53, %dma_wait3A_54] : memref<4096x128xf32, #tpu.memory_space<hbm>> -> memref<4096x128xf32, #tpu.memory_space<hbm>>
      tpu.wait_indirect_dma semaphore(%arg10 : memref<!tpu.dma_semaphore, #tpu.memory_space<semaphore_mem>>) src(%dma_wait3A_55 : memref<4096x128xf32, #tpu.memory_space<hbm>>) dst(%arg8 : memref<128x128xf32, #tpu.memory_space<vmem>>)
      %mul3A_56 = arith.constant 128 : i32
      %mul3A_57 = arith.muli %add3A_52, %mul3A_56 : i32
      %add3A_58 = arith.addi %mul3A_2, %mul3A_57 : i32
      %dma_start3A_59 = arith.constant 0 : i32
      %dma_start3A_60 = tpu.memref_slice %arg4[%add3A_58, %dma_start3A_59] : memref<131072x128xf32, #tpu.memory_space<hbm>> -> memref<128x128xf32, #tpu.memory_space<hbm>>
      %dma_start3A_61 = arith.constant 0 : i32
      %dma_start3A_62 = tpu.memref_slice %arg4[%add3A_58, %dma_start3A_61] : memref<131072x128xf32, #tpu.memory_space<hbm>> -> memref<128x128xf32, #tpu.memory_space<hbm>>
      tpu.enqueue_dma source(%arg8 : memref<128x128xf32, #tpu.memory_space<vmem>>) target(%dma_start3A_62 : memref<128x128xf32, #tpu.memory_space<hbm>>) target_semaphore(%arg12 : memref<!tpu.dma_semaphore, #tpu.memory_space<semaphore_mem>>)
    }
    %scan3A_11 = arith.constant 16 : i32
    %add3A_12 = arith.constant 3968 : i32
    %add3A_13 = arith.addi %mul3A_2, %add3A_12 : i32
    %dma_wait3A = arith.constant 0 : i32
    %dma_wait3A_14 = tpu.memref_slice %arg4[%add3A_13, %dma_wait3A] : memref<131072x128xf32, #tpu.memory_space<hbm>> -> memref<128x128xf32, #tpu.memory_space<hbm>>
    %dma_wait3A_15 = arith.constant 0 : i32
    %dma_wait3A_16 = tpu.memref_slice %arg4[%add3A_13, %dma_wait3A_15] : memref<131072x128xf32, #tpu.memory_space<hbm>> -> memref<128x128xf32, #tpu.memory_space<hbm>>
    tpu.wait_dma2 semaphore(%arg12 : memref<!tpu.dma_semaphore, #tpu.memory_space<semaphore_mem>>) src(%arg8 : memref<128x128xf32, #tpu.memory_space<vmem>>) dst(%dma_wait3A_16 : memref<128x128xf32, #tpu.memory_space<hbm>>)
    return
  }
}

module attributes {stable_mosaic.version = 14 : i64} {
  func.func @_mm_body(%arg0: i32, %arg1: memref<512x128xf32, #tpu.memory_space<vmem>>, %arg2: memref<512x16xf32, #tpu.memory_space<vmem>>, %arg3: memref<128x128xf32, #tpu.memory_space<vmem>>, %arg4: memref<1x128xf32, #tpu.memory_space<vmem>>, %arg5: memref<128x16xf32, #tpu.memory_space<vmem>>, %arg6: memref<1x16xf32, #tpu.memory_space<vmem>>, %arg7: memref<128x128xf32, #tpu.memory_space<vmem>>, %arg8: memref<1x128xf32, #tpu.memory_space<vmem>>, %arg9: memref<512x16xf32, #tpu.memory_space<vmem>>, %arg10: memref<512x128xf32, #tpu.memory_space<vmem>>) attributes {dimension_semantics = [#tpu.dimension_semantics<arbitrary>], iteration_bounds = array<i64: 8>, scalar_prefetch = 0 : i64, scratch_operands = 0 : i64, tpu.core_type = #tpu.core_type<tc>, window_params = [{transform_indices = @transform_0, window_bounds = array<i64: 512, 128>}, {transform_indices = @transform_1, window_bounds = array<i64: 512, 16>}, {pipeline_mode = #tpu.pipeline_mode<synchronous>, transform_indices = @transform_2, window_bounds = array<i64: 128, 128>}, {pipeline_mode = #tpu.pipeline_mode<synchronous>, transform_indices = @transform_3, window_bounds = array<i64: 1, 128>}, {pipeline_mode = #tpu.pipeline_mode<synchronous>, transform_indices = @transform_4, window_bounds = array<i64: 128, 16>}, {pipeline_mode = #tpu.pipeline_mode<synchronous>, transform_indices = @transform_5, window_bounds = array<i64: 1, 16>}, {pipeline_mode = #tpu.pipeline_mode<synchronous>, transform_indices = @transform_6, window_bounds = array<i64: 128, 128>}, {pipeline_mode = #tpu.pipeline_mode<synchronous>, transform_indices = @transform_7, window_bounds = array<i64: 1, 128>}, {transform_indices = @transform_8, window_bounds = array<i64: 512, 16>}, {transform_indices = @transform_9, window_bounds = array<i64: 512, 128>}]} {
    %get3A = arith.constant 0 : index
    %get3A_0 = arith.constant 0 : index
    %get3A_1 = vector.load %arg1[%get3A, %get3A_0] : memref<512x128xf32, #tpu.memory_space<vmem>>, vector<512x128xf32>
    %get3A_2 = arith.constant 0 : index
    %get3A_3 = arith.constant 0 : index
    %get3A_4 = vector.load %arg3[%get3A_2, %get3A_3] : memref<128x128xf32, #tpu.memory_space<vmem>>, vector<128x128xf32>
    %dot_general3A = arith.constant dense<0.000000e+00> : vector<512x128xf32>
    %dot_general3A_5 = tpu.matmul %get3A_1, %get3A_4, %dot_general3A {dimension_numbers = #tpu.dot_dimension_numbers<[1], [0], [0], [1], [0, 0, 1, 1], [], []>, transpose_lhs_hint = false} : vector<512x128xf32>, vector<128x128xf32>, vector<512x128xf32> -> vector<512x128xf32>
    %get3A_6 = arith.constant 0 : index
    %get3A_7 = arith.constant 0 : index
    %get3A_8 = vector.load %arg4[%get3A_6, %get3A_7] : memref<1x128xf32, #tpu.memory_space<vmem>>, vector<1x128xf32>
    %add3A = vector.broadcast %get3A_8 : vector<1x128xf32> to vector<512x128xf32>
    %add3A_9 = arith.addf %dot_general3A_5, %add3A : vector<512x128xf32>
    %max3A = arith.constant 0.000000e+00 : f32
    %max3A_10 = vector.broadcast %max3A : f32 to vector<512x128xf32>
    %max3A_11 = arith.maximumf %add3A_9, %max3A_10 : vector<512x128xf32>
    %get3A_12 = arith.constant 0 : index
    %get3A_13 = arith.constant 0 : index
    %get3A_14 = vector.load %arg5[%get3A_12, %get3A_13] : memref<128x16xf32, #tpu.memory_space<vmem>>, vector<128x16xf32>
    %dot_general3A_15 = arith.constant dense<0.000000e+00> : vector<512x16xf32>
    %dot_general3A_16 = tpu.matmul %max3A_11, %get3A_14, %dot_general3A_15 {dimension_numbers = #tpu.dot_dimension_numbers<[1], [0], [0], [1], [0, 0, 1, 1], [], []>, transpose_lhs_hint = false} : vector<512x128xf32>, vector<128x16xf32>, vector<512x16xf32> -> vector<512x16xf32>
    %get3A_17 = arith.constant 0 : index
    %get3A_18 = arith.constant 0 : index
    %get3A_19 = vector.load %arg6[%get3A_17, %get3A_18] : memref<1x16xf32, #tpu.memory_space<vmem>>, vector<1x16xf32>
    %add3A_20 = vector.broadcast %get3A_19 : vector<1x16xf32> to vector<512x16xf32>
    %add3A_21 = arith.addf %dot_general3A_16, %add3A_20 : vector<512x16xf32>
    %get3A_22 = arith.constant 0 : index
    %get3A_23 = arith.constant 0 : index
    %get3A_24 = vector.load %arg2[%get3A_22, %get3A_23] : memref<512x16xf32, #tpu.memory_space<vmem>>, vector<512x16xf32>
    %mul3A = arith.constant 1.000000e-03 : f32
    %mul3A_25 = vector.broadcast %mul3A : f32 to vector<512x16xf32>
    %mul3A_26 = arith.mulf %get3A_24, %mul3A_25 : vector<512x16xf32>
    %add3A_27 = arith.addf %add3A_21, %mul3A_26 : vector<512x16xf32>
    %swap3A = arith.constant 0 : index
    %swap3A_28 = arith.constant 0 : index
    %swap3A_29 = vector.load %arg9[%swap3A, %swap3A_28] : memref<512x16xf32, #tpu.memory_space<vmem>>, vector<512x16xf32>
    tpu.vector_store %arg9[%swap3A, %swap3A_28], %add3A_27 {strides = array<i32>} : memref<512x16xf32, #tpu.memory_space<vmem>>, vector<512x16xf32>,
    %get3A_30 = arith.constant 0 : index
    %get3A_31 = arith.constant 0 : index
    %get3A_32 = vector.load %arg7[%get3A_30, %get3A_31] : memref<128x128xf32, #tpu.memory_space<vmem>>, vector<128x128xf32>
    %dot_general3A_33 = arith.constant dense<0.000000e+00> : vector<512x128xf32>
    %dot_general3A_34 = tpu.matmul %get3A_1, %get3A_32, %dot_general3A_33 {dimension_numbers = #tpu.dot_dimension_numbers<[1], [0], [0], [1], [0, 0, 1, 1], [], []>, transpose_lhs_hint = false} : vector<512x128xf32>, vector<128x128xf32>, vector<512x128xf32> -> vector<512x128xf32>
    %get3A_35 = arith.constant 0 : index
    %get3A_36 = arith.constant 0 : index
    %get3A_37 = vector.load %arg8[%get3A_35, %get3A_36] : memref<1x128xf32, #tpu.memory_space<vmem>>, vector<1x128xf32>
    %add3A_38 = vector.broadcast %get3A_37 : vector<1x128xf32> to vector<512x128xf32>
    %add3A_39 = arith.addf %dot_general3A_34, %add3A_38 : vector<512x128xf32>
    %swap3A_40 = arith.constant 0 : index
    %swap3A_41 = arith.constant 0 : index
    %swap3A_42 = vector.load %arg10[%swap3A_40, %swap3A_41] : memref<512x128xf32, #tpu.memory_space<vmem>>, vector<512x128xf32>
    tpu.vector_store %arg10[%swap3A_40, %swap3A_41], %add3A_39 {strides = array<i32>} : memref<512x128xf32, #tpu.memory_space<vmem>>, vector<512x128xf32>,
    return
  }
  func.func @transform_0(%arg0: i32) -> (i32, i32) {
    %c0_i32 = arith.constant 0 : i32
    %c0_i32_0 = arith.constant 0 : i32
    return %arg0, %c0_i32 : i32, i32
  }
  func.func @transform_1(%arg0: i32) -> (i32, i32) {
    %c0_i32 = arith.constant 0 : i32
    %c0_i32_0 = arith.constant 0 : i32
    return %arg0, %c0_i32 : i32, i32
  }
  func.func @transform_2(%arg0: i32) -> (i32, i32) {
    %c0_i32 = arith.constant 0 : i32
    %c0_i32_0 = arith.constant 0 : i32
    %c0_i32_1 = arith.constant 0 : i32
    return %c0_i32, %c0_i32_0 : i32, i32
  }
  func.func @transform_3(%arg0: i32) -> (i32, i32) {
    %c0_i32 = arith.constant 0 : i32
    %c0_i32_0 = arith.constant 0 : i32
    %c0_i32_1 = arith.constant 0 : i32
    return %c0_i32, %c0_i32_0 : i32, i32
  }
  func.func @transform_4(%arg0: i32) -> (i32, i32) {
    %c0_i32 = arith.constant 0 : i32
    %c0_i32_0 = arith.constant 0 : i32
    %c0_i32_1 = arith.constant 0 : i32
    return %c0_i32, %c0_i32_0 : i32, i32
  }
  func.func @transform_5(%arg0: i32) -> (i32, i32) {
    %c0_i32 = arith.constant 0 : i32
    %c0_i32_0 = arith.constant 0 : i32
    %c0_i32_1 = arith.constant 0 : i32
    return %c0_i32, %c0_i32_0 : i32, i32
  }
  func.func @transform_6(%arg0: i32) -> (i32, i32) {
    %c0_i32 = arith.constant 0 : i32
    %c0_i32_0 = arith.constant 0 : i32
    %c0_i32_1 = arith.constant 0 : i32
    return %c0_i32, %c0_i32_0 : i32, i32
  }
  func.func @transform_7(%arg0: i32) -> (i32, i32) {
    %c0_i32 = arith.constant 0 : i32
    %c0_i32_0 = arith.constant 0 : i32
    %c0_i32_1 = arith.constant 0 : i32
    return %c0_i32, %c0_i32_0 : i32, i32
  }
  func.func @transform_8(%arg0: i32) -> (i32, i32) {
    %c0_i32 = arith.constant 0 : i32
    %c0_i32_0 = arith.constant 0 : i32
    return %arg0, %c0_i32 : i32, i32
  }
  func.func @transform_9(%arg0: i32) -> (i32, i32) {
    %c0_i32 = arith.constant 0 : i32
    %c0_i32_0 = arith.constant 0 : i32
    return %arg0, %c0_i32 : i32, i32
  }
}

module attributes {stable_mosaic.version = 14 : i64} {
  func.func @_colstat_body(%arg0: i32, %arg1: memref<128x16xf32, #tpu.memory_space<vmem>>, %arg2: memref<16x4096xf32, #tpu.memory_space<vmem>>, %arg3: memref<1x2xi32, #tpu.memory_space<smem>>, %arg4: memref<1x4096xf32, #tpu.memory_space<vmem>>, %arg5: memref<128x4096xf32, #tpu.memory_space<vmem>>, %arg6: memref<1x4096xf32, #tpu.memory_space<vmem>>, %arg7: memref<1x4096xf32, #tpu.memory_space<vmem>>) attributes {dimension_semantics = [#tpu.dimension_semantics<arbitrary>], iteration_bounds = array<i64: 32>, scalar_prefetch = 0 : i64, scratch_operands = 2 : i64, tpu.core_type = #tpu.core_type<tc>, window_params = [{transform_indices = @transform_0, window_bounds = array<i64: 128, 16>}, {pipeline_mode = #tpu.pipeline_mode<synchronous>, transform_indices = @transform_1, window_bounds = array<i64: 16, 4096>}, {transform_indices = @transform_2, window_bounds = array<i64: 1, 2>}, {pipeline_mode = #tpu.pipeline_mode<synchronous>, transform_indices = @transform_3, window_bounds = array<i64: 1, 4096>}, {transform_indices = @transform_4, window_bounds = array<i64: 128, 4096>}]} {
    %eq3A = arith.constant 0 : i32
    %eq3A_0 = arith.cmpi eq, %arg0, %eq3A : i32
    %convert_element_type3A = arith.extui %eq3A_0 : i1 to i32
    %cond3A = arith.constant 0 : i32
    %cond3A_1 = arith.cmpi ne, %convert_element_type3A, %cond3A : i32
    scf.if %cond3A_1 {
      %broadcast_in_dim3A_328 = arith.constant 0xFF800000 : f32
      %broadcast_in_dim3A_329 = vector.broadcast %broadcast_in_dim3A_328 : f32 to vector<1x4096xf32>
      %swap3A_330 = arith.constant 0 : index
      %swap3A_331 = arith.constant 0 : index
      %swap3A_332 = vector.load %arg6[%swap3A_330, %swap3A_331] : memref<1x4096xf32, #tpu.memory_space<vmem>>, vector<1x4096xf32>
      tpu.vector_store %arg6[%swap3A_330, %swap3A_331], %broadcast_in_dim3A_329 {strides = array<i32>} : memref<1x4096xf32, #tpu.memory_space<vmem>>, vector<1x4096xf32>,
      %broadcast_in_dim3A_333 = arith.constant 0.000000e+00 : f32
      %broadcast_in_dim3A_334 = vector.broadcast %broadcast_in_dim3A_333 : f32 to vector<1x4096xf32>
      %swap3A_335 = arith.constant 0 : index
      %swap3A_336 = arith.constant 0 : index
      %swap3A_337 = vector.load %arg7[%swap3A_335, %swap3A_336] : memref<1x4096xf32, #tpu.memory_space<vmem>>, vector<1x4096xf32>
      tpu.vector_store %arg7[%swap3A_335, %swap3A_336], %broadcast_in_dim3A_334 {strides = array<i32>} : memref<1x4096xf32, #tpu.memory_space<vmem>>, vector<1x4096xf32>,
    } else {
    }
    %mul3A = arith.constant 128 : i32
    %mul3A_2 = arith.muli %arg0, %mul3A : i32
    %get3A = arith.constant 0 : index
    %get3A_3 = arith.constant 0 : index
    %get3A_4 = vector.load %arg1[%get3A, %get3A_3] : memref<128x16xf32, #tpu.memory_space<vmem>>, vector<128x16xf32>
    %get3A_5 = arith.constant 0 : index
    %get3A_6 = arith.constant 0 : index
    %get3A_7 = vector.load %arg2[%get3A_5, %get3A_6] : memref<16x4096xf32, #tpu.memory_space<vmem>>, vector<16x4096xf32>
    %mul3A_8 = arith.mulf %get3A_4, %get3A_4 : vector<128x16xf32>
    %reduce_sum3A = arith.constant dense<0.000000e+00> : vector<128xf32>
    %reduce_sum3A_9 = vector.multi_reduction <add>, %mul3A_8, %reduce_sum3A [1] : vector<128x16xf32> to vector<128xf32>
    %broadcast_in_dim3A = vector.shape_cast %reduce_sum3A_9 : vector<128xf32> to vector<128x1xf32>
    %mul3A_10 = arith.mulf %get3A_7, %get3A_7 : vector<16x4096xf32>
    %reduce_sum3A_11 = arith.constant dense<0.000000e+00> : vector<4096xf32>
    %reduce_sum3A_12 = vector.multi_reduction <add>, %mul3A_10, %reduce_sum3A_11 [0] : vector<16x4096xf32> to vector<4096xf32>
    %broadcast_in_dim3A_13 = vector.shape_cast %reduce_sum3A_12 : vector<4096xf32> to vector<1x4096xf32>
    %add3A = vector.broadcast %broadcast_in_dim3A : vector<128x1xf32> to vector<128x4096xf32>
    %add3A_14 = vector.broadcast %broadcast_in_dim3A_13 : vector<1x4096xf32> to vector<128x4096xf32>
    %add3A_15 = arith.addf %add3A, %add3A_14 : vector<128x4096xf32>
    %dot_general3A = arith.constant dense<0.000000e+00> : vector<128x4096xf32>
    %dot_general3A_16 = tpu.matmul %get3A_4, %get3A_7, %dot_general3A {dimension_numbers = #tpu.dot_dimension_numbers<[1], [0], [0], [1], [0, 0, 1, 1], [], []>, precision = #tpu.contract_precision<fp32>, transpose_lhs_hint = false} : vector<128x16xf32>, vector<16x4096xf32>, vector<128x4096xf32> -> vector<128x4096xf32>
    %mul3A_17 = arith.constant 2.000000e+00 : f32
    %mul3A_18 = vector.broadcast %mul3A_17 : f32 to vector<128x4096xf32>
    %mul3A_19 = arith.mulf %mul3A_18, %dot_general3A_16 : vector<128x4096xf32>
    %sub3A = arith.subf %add3A_15, %mul3A_19 : vector<128x4096xf32>
    %max3A = arith.constant 0.000000e+00 : f32
    %max3A_20 = vector.broadcast %max3A : f32 to vector<128x4096xf32>
    %max3A_21 = arith.maximumf %sub3A, %max3A_20 : vector<128x4096xf32>
    %add3A_22 = arith.constant 9.99999996E-13 : f32
    %add3A_23 = vector.broadcast %add3A_22 : f32 to vector<128x4096xf32>
    %add3A_24 = arith.addf %max3A_21, %add3A_23 : vector<128x4096xf32>
    %sqrt3A = math.sqrt %add3A_24 : vector<128x4096xf32>
    %mul3A_25 = arith.mulf %sqrt3A, %sqrt3A : vector<128x4096xf32>
    %neg3A = arith.constant 0.000000e+00 : f32
    %neg3A_26 = vector.broadcast %neg3A : f32 to vector<128x4096xf32>
    %neg3A_27 = arith.subf %neg3A_26, %mul3A_25 : vector<128x4096xf32>
    %exp3A = math.exp %neg3A_27 : vector<128x4096xf32>
    %mul3A_28 = arith.constant 4096 : i32
    %mul3A_29 = arith.muli %mul3A_2, %mul3A_28 : i32
    %iota3A = tpu.iota {dimensions = array<i32: 0>} : vector<128x4096xi32>
    %mul3A_30 = arith.constant 4096 : i32
    %mul3A_31 = vector.broadcast %mul3A_30 : i32 to vector<128x4096xi32>
    %mul3A_32 = arith.muli %iota3A, %mul3A_31 : vector<128x4096xi32>
    %add3A_33 = vector.broadcast %mul3A_29 : i32 to vector<128x4096xi32>
    %add3A_34 = arith.addi %add3A_33, %mul3A_32 : vector<128x4096xi32>
    %iota3A_35 = tpu.iota {dimensions = array<i32: 1>} : vector<128x4096xi32>
    %add3A_36 = arith.addi %add3A_34, %iota3A_35 : vector<128x4096xi32>
    %get3A_37 = arith.constant 0 : index
    %get3A_38 = arith.constant 0 : index
    %get3A_39 = memref.load %arg3[%get3A_37, %get3A_38] : memref<1x2xi32, #tpu.memory_space<smem>>
    %get3A_40 = arith.constant 0 : index
    %get3A_41 = arith.constant 1 : index
    %get3A_42 = memref.load %arg3[%get3A_40, %get3A_41] : memref<1x2xi32, #tpu.memory_space<smem>>
    %xor3A = arith.xori %get3A_39, %get3A_42 : i32
    %xor3A_43 = arith.constant 466688986 : i32
    %xor3A_44 = arith.xori %xor3A, %xor3A_43 : i32
    %broadcast_in_dim3A_45 = arith.constant 0 : i32
    %broadcast_in_dim3A_46 = vector.broadcast %broadcast_in_dim3A_45 : i32 to vector<128x4096xi32>
    %add3A_47 = vector.broadcast %get3A_39 : i32 to vector<128x4096xi32>
    %add3A_48 = arith.addi %broadcast_in_dim3A_46, %add3A_47 : vector<128x4096xi32>
    %add3A_49 = vector.broadcast %get3A_42 : i32 to vector<128x4096xi32>
    %add3A_50 = arith.addi %add3A_36, %add3A_49 : vector<128x4096xi32>
    %add3A_51 = arith.addi %add3A_48, %add3A_50 : vector<128x4096xi32>
    %shift_left3A = arith.constant 13 : i32
    %shift_left3A_52 = vector.broadcast %shift_left3A : i32 to vector<128x4096xi32>
    %shift_left3A_53 = arith.shli %add3A_50, %shift_left3A_52 : vector<128x4096xi32>
    %shift_right_logical3A = arith.constant 19 : i32
    %shift_right_logical3A_54 = vector.broadcast %shift_right_logical3A : i32 to vector<128x4096xi32>
    %shift_right_logical3A_55 = arith.shrui %add3A_50, %shift_right_logical3A_54 : vector<128x4096xi32>
    %or3A = arith.ori %shift_left3A_53, %shift_right_logical3A_55 : vector<128x4096xi32>
    %xor3A_56 = arith.xori %add3A_51, %or3A : vector<128x4096xi32>
    %add3A_57 = arith.addi %add3A_51, %xor3A_56 : vector<128x4096xi32>
    %shift_left3A_58 = arith.constant 15 : i32
    %shift_left3A_59 = vector.broadcast %shift_left3A_58 : i32 to vector<128x4096xi32>
    %shift_left3A_60 = arith.shli %xor3A_56, %shift_left3A_59 : vector<128x4096xi32>
    %shift_right_logical3A_61 = arith.constant 17 : i32
    %shift_right_logical3A_62 = vector.broadcast %shift_right_logical3A_61 : i32 to vector<128x4096xi32>
    %shift_right_logical3A_63 = arith.shrui %xor3A_56, %shift_right_logical3A_62 : vector<128x4096xi32>
    %or3A_64 = arith.ori %shift_left3A_60, %shift_right_logical3A_63 : vector<128x4096xi32>
    %xor3A_65 = arith.xori %add3A_57, %or3A_64 : vector<128x4096xi32>
    %add3A_66 = arith.addi %add3A_57, %xor3A_65 : vector<128x4096xi32>
    %shift_left3A_67 = arith.constant 26 : i32
    %shift_left3A_68 = vector.broadcast %shift_left3A_67 : i32 to vector<128x4096xi32>
    %shift_left3A_69 = arith.shli %xor3A_65, %shift_left3A_68 : vector<128x4096xi32>
    %shift_right_logical3A_70 = arith.constant 6 : i32
    %shift_right_logical3A_71 = vector.broadcast %shift_right_logical3A_70 : i32 to vector<128x4096xi32>
    %shift_right_logical3A_72 = arith.shrui %xor3A_65, %shift_right_logical3A_71 : vector<128x4096xi32>
    %or3A_73 = arith.ori %shift_left3A_69, %shift_right_logical3A_72 : vector<128x4096xi32>
    %xor3A_74 = arith.xori %add3A_66, %or3A_73 : vector<128x4096xi32>
    %add3A_75 = arith.addi %add3A_66, %xor3A_74 : vector<128x4096xi32>
    %shift_left3A_76 = arith.constant 6 : i32
    %shift_left3A_77 = vector.broadcast %shift_left3A_76 : i32 to vector<128x4096xi32>
    %shift_left3A_78 = arith.shli %xor3A_74, %shift_left3A_77 : vector<128x4096xi32>
    %shift_right_logical3A_79 = arith.constant 26 : i32
    %shift_right_logical3A_80 = vector.broadcast %shift_right_logical3A_79 : i32 to vector<128x4096xi32>
    %shift_right_logical3A_81 = arith.shrui %xor3A_74, %shift_right_logical3A_80 : vector<128x4096xi32>
    %or3A_82 = arith.ori %shift_left3A_78, %shift_right_logical3A_81 : vector<128x4096xi32>
    %xor3A_83 = arith.xori %add3A_75, %or3A_82 : vector<128x4096xi32>
    %add3A_84 = vector.broadcast %get3A_42 : i32 to vector<128x4096xi32>
    %add3A_85 = arith.addi %add3A_75, %add3A_84 : vector<128x4096xi32>
    %add3A_86 = vector.broadcast %xor3A_44 : i32 to vector<128x4096xi32>
    %add3A_87 = arith.addi %xor3A_83, %add3A_86 : vector<128x4096xi32>
    %add3A_88 = arith.constant 1 : i32
    %add3A_89 = vector.broadcast %add3A_88 : i32 to vector<128x4096xi32>
    %add3A_90 = arith.addi %add3A_87, %add3A_89 : vector<128x4096xi32>
    %add3A_91 = arith.addi %add3A_85, %add3A_90 : vector<128x4096xi32>
    %shift_left3A_92 = arith.constant 17 : i32
    %shift_left3A_93 = vector.broadcast %shift_left3A_92 : i32 to vector<128x4096xi32>
    %shift_left3A_94 = arith.shli %add3A_90, %shift_left3A_93 : vector<128x4096xi32>
    %shift_right_logical3A_95 = arith.constant 15 : i32
    %shift_right_logical3A_96 = vector.broadcast %shift_right_logical3A_95 : i32 to vector<128x4096xi32>
    %shift_right_logical3A_97 = arith.shrui %add3A_90, %shift_right_logical3A_96 : vector<128x4096xi32>
    %or3A_98 = arith.ori %shift_left3A_94, %shift_right_logical3A_97 : vector<128x4096xi32>
    %xor3A_99 = arith.xori %add3A_91, %or3A_98 : vector<128x4096xi32>
    %add3A_100 = arith.addi %add3A_91, %xor3A_99 : vector<128x4096xi32>
    %shift_left3A_101 = arith.constant 29 : i32
    %shift_left3A_102 = vector.broadcast %shift_left3A_101 : i32 to vector<128x4096xi32>
    %shift_left3A_103 = arith.shli %xor3A_99, %shift_left3A_102 : vector<128x4096xi32>
    %shift_right_logical3A_104 = arith.constant 3 : i32
    %shift_right_logical3A_105 = vector.broadcast %shift_right_logical3A_104 : i32 to vector<128x4096xi32>
    %shift_right_logical3A_106 = arith.shrui %xor3A_99, %shift_right_logical3A_105 : vector<128x4096xi32>
    %or3A_107 = arith.ori %shift_left3A_103, %shift_right_logical3A_106 : vector<128x4096xi32>
    %xor3A_108 = arith.xori %add3A_100, %or3A_107 : vector<128x4096xi32>
    %add3A_109 = arith.addi %add3A_100, %xor3A_108 : vector<128x4096xi32>
    %shift_left3A_110 = arith.constant 16 : i32
    %shift_left3A_111 = vector.broadcast %shift_left3A_110 : i32 to vector<128x4096xi32>
    %shift_left3A_112 = arith.shli %xor3A_108, %shift_left3A_111 : vector<128x4096xi32>
    %shift_right_logical3A_113 = arith.constant 16 : i32
    %shift_right_logical3A_114 = vector.broadcast %shift_right_logical3A_113 : i32 to vector<128x4096xi32>
    %shift_right_logical3A_115 = arith.shrui %xor3A_108, %shift_right_logical3A_114 : vector<128x4096xi32>
    %or3A_116 = arith.ori %shift_left3A_112, %shift_right_logical3A_115 : vector<128x4096xi32>
    %xor3A_117 = arith.xori %add3A_109, %or3A_116 : vector<128x4096xi32>
    %add3A_118 = arith.addi %add3A_109, %xor3A_117 : vector<128x4096xi32>
    %shift_left3A_119 = arith.constant 24 : i32
    %shift_left3A_120 = vector.broadcast %shift_left3A_119 : i32 to vector<128x4096xi32>
    %shift_left3A_121 = arith.shli %xor3A_117, %shift_left3A_120 : vector<128x4096xi32>
    %shift_right_logical3A_122 = arith.constant 8 : i32
    %shift_right_logical3A_123 = vector.broadcast %shift_right_logical3A_122 : i32 to vector<128x4096xi32>
    %shift_right_logical3A_124 = arith.shrui %xor3A_117, %shift_right_logical3A_123 : vector<128x4096xi32>
    %or3A_125 = arith.ori %shift_left3A_121, %shift_right_logical3A_124 : vector<128x4096xi32>
    %xor3A_126 = arith.xori %add3A_118, %or3A_125 : vector<128x4096xi32>
    %add3A_127 = vector.broadcast %xor3A_44 : i32 to vector<128x4096xi32>
    %add3A_128 = arith.addi %add3A_118, %add3A_127 : vector<128x4096xi32>
    %add3A_129 = vector.broadcast %get3A_39 : i32 to vector<128x4096xi32>
    %add3A_130 = arith.addi %xor3A_126, %add3A_129 : vector<128x4096xi32>
    %add3A_131 = arith.constant 2 : i32
    %add3A_132 = vector.broadcast %add3A_131 : i32 to vector<128x4096xi32>
    %add3A_133 = arith.addi %add3A_130, %add3A_132 : vector<128x4096xi32>
    %add3A_134 = arith.addi %add3A_128, %add3A_133 : vector<128x4096xi32>
    %shift_left3A_135 = arith.constant 13 : i32
    %shift_left3A_136 = vector.broadcast %shift_left3A_135 : i32 to vector<128x4096xi32>
    %shift_left3A_137 = arith.shli %add3A_133, %shift_left3A_136 : vector<128x4096xi32>
    %shift_right_logical3A_138 = arith.constant 19 : i32
    %shift_right_logical3A_139 = vector.broadcast %shift_right_logical3A_138 : i32 to vector<128x4096xi32>
    %shift_right_logical3A_140 = arith.shrui %add3A_133, %shift_right_logical3A_139 : vector<128x4096xi32>
    %or3A_141 = arith.ori %shift_left3A_137, %shift_right_logical3A_140 : vector<128x4096xi32>
    %xor3A_142 = arith.xori %add3A_134, %or3A_141 : vector<128x4096xi32>
    %add3A_143 = arith.addi %add3A_134, %xor3A_142 : vector<128x4096xi32>
    %shift_left3A_144 = arith.constant 15 : i32
    %shift_left3A_145 = vector.broadcast %shift_left3A_144 : i32 to vector<128x4096xi32>
    %shift_left3A_146 = arith.shli %xor3A_142, %shift_left3A_145 : vector<128x4096xi32>
    %shift_right_logical3A_147 = arith.constant 17 : i32
    %shift_right_logical3A_148 = vector.broadcast %shift_right_logical3A_147 : i32 to vector<128x4096xi32>
    %shift_right_logical3A_149 = arith.shrui %xor3A_142, %shift_right_logical3A_148 : vector<128x4096xi32>
    %or3A_150 = arith.ori %shift_left3A_146, %shift_right_logical3A_149 : vector<128x4096xi32>
    %xor3A_151 = arith.xori %add3A_143, %or3A_150 : vector<128x4096xi32>
    %add3A_152 = arith.addi %add3A_143, %xor3A_151 : vector<128x4096xi32>
    %shift_left3A_153 = arith.constant 26 : i32
    %shift_left3A_154 = vector.broadcast %shift_left3A_153 : i32 to vector<128x4096xi32>
    %shift_left3A_155 = arith.shli %xor3A_151, %shift_left3A_154 : vector<128x4096xi32>
    %shift_right_logical3A_156 = arith.constant 6 : i32
    %shift_right_logical3A_157 = vector.broadcast %shift_right_logical3A_156 : i32 to vector<128x4096xi32>
    %shift_right_logical3A_158 = arith.shrui %xor3A_151, %shift_right_logical3A_157 : vector<128x4096xi32>
    %or3A_159 = arith.ori %shift_left3A_155, %shift_right_logical3A_158 : vector<128x4096xi32>
    %xor3A_160 = arith.xori %add3A_152, %or3A_159 : vector<128x4096xi32>
    %add3A_161 = arith.addi %add3A_152, %xor3A_160 : vector<128x4096xi32>
    %shift_left3A_162 = arith.constant 6 : i32
    %shift_left3A_163 = vector.broadcast %shift_left3A_162 : i32 to vector<128x4096xi32>
    %shift_left3A_164 = arith.shli %xor3A_160, %shift_left3A_163 : vector<128x4096xi32>
    %shift_right_logical3A_165 = arith.constant 26 : i32
    %shift_right_logical3A_166 = vector.broadcast %shift_right_logical3A_165 : i32 to vector<128x4096xi32>
    %shift_right_logical3A_167 = arith.shrui %xor3A_160, %shift_right_logical3A_166 : vector<128x4096xi32>
    %or3A_168 = arith.ori %shift_left3A_164, %shift_right_logical3A_167 : vector<128x4096xi32>
    %xor3A_169 = arith.xori %add3A_161, %or3A_168 : vector<128x4096xi32>
    %add3A_170 = vector.broadcast %get3A_39 : i32 to vector<128x4096xi32>
    %add3A_171 = arith.addi %add3A_161, %add3A_170 : vector<128x4096xi32>
    %add3A_172 = vector.broadcast %get3A_42 : i32 to vector<128x4096xi32>
    %add3A_173 = arith.addi %xor3A_169, %add3A_172 : vector<128x4096xi32>
    %add3A_174 = arith.constant 3 : i32
    %add3A_175 = vector.broadcast %add3A_174 : i32 to vector<128x4096xi32>
    %add3A_176 = arith.addi %add3A_173, %add3A_175 : vector<128x4096xi32>
    %add3A_177 = arith.addi %add3A_171, %add3A_176 : vector<128x4096xi32>
    %shift_left3A_178 = arith.constant 17 : i32
    %shift_left3A_179 = vector.broadcast %shift_left3A_178 : i32 to vector<128x4096xi32>
    %shift_left3A_180 = arith.shli %add3A_176, %shift_left3A_179 : vector<128x4096xi32>
    %shift_right_logical3A_181 = arith.constant 15 : i32
    %shift_right_logical3A_182 = vector.broadcast %shift_right_logical3A_181 : i32 to vector<128x4096xi32>
    %shift_right_logical3A_183 = arith.shrui %add3A_176, %shift_right_logical3A_182 : vector<128x4096xi32>
    %or3A_184 = arith.ori %shift_left3A_180, %shift_right_logical3A_183 : vector<128x4096xi32>
    %xor3A_185 = arith.xori %add3A_177, %or3A_184 : vector<128x4096xi32>
    %add3A_186 = arith.addi %add3A_177, %xor3A_185 : vector<128x4096xi32>
    %shift_left3A_187 = arith.constant 29 : i32
    %shift_left3A_188 = vector.broadcast %shift_left3A_187 : i32 to vector<128x4096xi32>
    %shift_left3A_189 = arith.shli %xor3A_185, %shift_left3A_188 : vector<128x4096xi32>
    %shift_right_logical3A_190 = arith.constant 3 : i32
    %shift_right_logical3A_191 = vector.broadcast %shift_right_logical3A_190 : i32 to vector<128x4096xi32>
    %shift_right_logical3A_192 = arith.shrui %xor3A_185, %shift_right_logical3A_191 : vector<128x4096xi32>
    %or3A_193 = arith.ori %shift_left3A_189, %shift_right_logical3A_192 : vector<128x4096xi32>
    %xor3A_194 = arith.xori %add3A_186, %or3A_193 : vector<128x4096xi32>
    %add3A_195 = arith.addi %add3A_186, %xor3A_194 : vector<128x4096xi32>
    %shift_left3A_196 = arith.constant 16 : i32
    %shift_left3A_197 = vector.broadcast %shift_left3A_196 : i32 to vector<128x4096xi32>
    %shift_left3A_198 = arith.shli %xor3A_194, %shift_left3A_197 : vector<128x4096xi32>
    %shift_right_logical3A_199 = arith.constant 16 : i32
    %shift_right_logical3A_200 = vector.broadcast %shift_right_logical3A_199 : i32 to vector<128x4096xi32>
    %shift_right_logical3A_201 = arith.shrui %xor3A_194, %shift_right_logical3A_200 : vector<128x4096xi32>
    %or3A_202 = arith.ori %shift_left3A_198, %shift_right_logical3A_201 : vector<128x4096xi32>
    %xor3A_203 = arith.xori %add3A_195, %or3A_202 : vector<128x4096xi32>
    %add3A_204 = arith.addi %add3A_195, %xor3A_203 : vector<128x4096xi32>
    %shift_left3A_205 = arith.constant 24 : i32
    %shift_left3A_206 = vector.broadcast %shift_left3A_205 : i32 to vector<128x4096xi32>
    %shift_left3A_207 = arith.shli %xor3A_203, %shift_left3A_206 : vector<128x4096xi32>
    %shift_right_logical3A_208 = arith.constant 8 : i32
    %shift_right_logical3A_209 = vector.broadcast %shift_right_logical3A_208 : i32 to vector<128x4096xi32>
    %shift_right_logical3A_210 = arith.shrui %xor3A_203, %shift_right_logical3A_209 : vector<128x4096xi32>
    %or3A_211 = arith.ori %shift_left3A_207, %shift_right_logical3A_210 : vector<128x4096xi32>
    %xor3A_212 = arith.xori %add3A_204, %or3A_211 : vector<128x4096xi32>
    %add3A_213 = vector.broadcast %get3A_42 : i32 to vector<128x4096xi32>
    %add3A_214 = arith.addi %add3A_204, %add3A_213 : vector<128x4096xi32>
    %add3A_215 = vector.broadcast %xor3A_44 : i32 to vector<128x4096xi32>
    %add3A_216 = arith.addi %xor3A_212, %add3A_215 : vector<128x4096xi32>
    %add3A_217 = arith.constant 4 : i32
    %add3A_218 = vector.broadcast %add3A_217 : i32 to vector<128x4096xi32>
    %add3A_219 = arith.addi %add3A_216, %add3A_218 : vector<128x4096xi32>
    %add3A_220 = arith.addi %add3A_214, %add3A_219 : vector<128x4096xi32>
    %shift_left3A_221 = arith.constant 13 : i32
    %shift_left3A_222 = vector.broadcast %shift_left3A_221 : i32 to vector<128x4096xi32>
    %shift_left3A_223 = arith.shli %add3A_219, %shift_left3A_222 : vector<128x4096xi32>
    %shift_right_logical3A_224 = arith.constant 19 : i32
    %shift_right_logical3A_225 = vector.broadcast %shift_right_logical3A_224 : i32 to vector<128x4096xi32>
    %shift_right_logical3A_226 = arith.shrui %add3A_219, %shift_right_logical3A_225 : vector<128x4096xi32>
    %or3A_227 = arith.ori %shift_left3A_223, %shift_right_logical3A_226 : vector<128x4096xi32>
    %xor3A_228 = arith.xori %add3A_220, %or3A_227 : vector<128x4096xi32>
    %add3A_229 = arith.addi %add3A_220, %xor3A_228 : vector<128x4096xi32>
    %shift_left3A_230 = arith.constant 15 : i32
    %shift_left3A_231 = vector.broadcast %shift_left3A_230 : i32 to vector<128x4096xi32>
    %shift_left3A_232 = arith.shli %xor3A_228, %shift_left3A_231 : vector<128x4096xi32>
    %shift_right_logical3A_233 = arith.constant 17 : i32
    %shift_right_logical3A_234 = vector.broadcast %shift_right_logical3A_233 : i32 to vector<128x4096xi32>
    %shift_right_logical3A_235 = arith.shrui %xor3A_228, %shift_right_logical3A_234 : vector<128x4096xi32>
    %or3A_236 = arith.ori %shift_left3A_232, %shift_right_logical3A_235 : vector<128x4096xi32>
    %xor3A_237 = arith.xori %add3A_229, %or3A_236 : vector<128x4096xi32>
    %add3A_238 = arith.addi %add3A_229, %xor3A_237 : vector<128x4096xi32>
    %shift_left3A_239 = arith.constant 26 : i32
    %shift_left3A_240 = vector.broadcast %shift_left3A_239 : i32 to vector<128x4096xi32>
    %shift_left3A_241 = arith.shli %xor3A_237, %shift_left3A_240 : vector<128x4096xi32>
    %shift_right_logical3A_242 = arith.constant 6 : i32
    %shift_right_logical3A_243 = vector.broadcast %shift_right_logical3A_242 : i32 to vector<128x4096xi32>
    %shift_right_logical3A_244 = arith.shrui %xor3A_237, %shift_right_logical3A_243 : vector<128x4096xi32>
    %or3A_245 = arith.ori %shift_left3A_241, %shift_right_logical3A_244 : vector<128x4096xi32>
    %xor3A_246 = arith.xori %add3A_238, %or3A_245 : vector<128x4096xi32>
    %add3A_247 = arith.addi %add3A_238, %xor3A_246 : vector<128x4096xi32>
    %shift_left3A_248 = arith.constant 6 : i32
    %shift_left3A_249 = vector.broadcast %shift_left3A_248 : i32 to vector<128x4096xi32>
    %shift_left3A_250 = arith.shli %xor3A_246, %shift_left3A_249 : vector<128x4096xi32>
    %shift_right_logical3A_251 = arith.constant 26 : i32
    %shift_right_logical3A_252 = vector.broadcast %shift_right_logical3A_251 : i32 to vector<128x4096xi32>
    %shift_right_logical3A_253 = arith.shrui %xor3A_246, %shift_right_logical3A_252 : vector<128x4096xi32>
    %or3A_254 = arith.ori %shift_left3A_250, %shift_right_logical3A_253 : vector<128x4096xi32>
    %xor3A_255 = arith.xori %add3A_247, %or3A_254 : vector<128x4096xi32>
    %add3A_256 = vector.broadcast %xor3A_44 : i32 to vector<128x4096xi32>
    %add3A_257 = arith.addi %add3A_247, %add3A_256 : vector<128x4096xi32>
    %add3A_258 = vector.broadcast %get3A_39 : i32 to vector<128x4096xi32>
    %add3A_259 = arith.addi %xor3A_255, %add3A_258 : vector<128x4096xi32>
    %add3A_260 = arith.constant 5 : i32
    %add3A_261 = vector.broadcast %add3A_260 : i32 to vector<128x4096xi32>
    %add3A_262 = arith.addi %add3A_259, %add3A_261 : vector<128x4096xi32>
    %xor3A_263 = arith.xori %add3A_257, %add3A_262 : vector<128x4096xi32>
    %shift_right_logical3A_264 = arith.constant 9 : i32
    %shift_right_logical3A_265 = vector.broadcast %shift_right_logical3A_264 : i32 to vector<128x4096xi32>
    %shift_right_logical3A_266 = arith.shrui %xor3A_263, %shift_right_logical3A_265 : vector<128x4096xi32>
    %or3A_267 = arith.constant 1065353216 : i32
    %or3A_268 = vector.broadcast %or3A_267 : i32 to vector<128x4096xi32>
    %or3A_269 = arith.ori %shift_right_logical3A_266, %or3A_268 : vector<128x4096xi32>
    %bitcast_convert_type3A = tpu.bitcast %or3A_269 : vector<128x4096xi32> -> vector<128x4096xf32>
    %sub3A_270 = arith.constant 1.000000e+00 : f32
    %sub3A_271 = vector.broadcast %sub3A_270 : f32 to vector<128x4096xf32>
    %sub3A_272 = arith.subf %bitcast_convert_type3A, %sub3A_271 : vector<128x4096xf32>
    %max3A_273 = arith.constant 0.000000e+00 : f32
    %max3A_274 = vector.broadcast %max3A_273 : f32 to vector<128x4096xf32>
    %max3A_275 = arith.maximumf %sub3A_272, %max3A_274 : vector<128x4096xf32>
    %add3A_276 = arith.constant 9.99999968E-21 : f32
    %add3A_277 = vector.broadcast %add3A_276 : f32 to vector<128x4096xf32>
    %add3A_278 = arith.addf %max3A_275, %add3A_277 : vector<128x4096xf32>
    %log3A = math.log %add3A_278 : vector<128x4096xf32>
    %neg3A_279 = arith.constant 0.000000e+00 : f32
    %neg3A_280 = vector.broadcast %neg3A_279 : f32 to vector<128x4096xf32>
    %neg3A_281 = arith.subf %neg3A_280, %log3A : vector<128x4096xf32>
    %add3A_282 = arith.constant 9.99999968E-21 : f32
    %add3A_283 = vector.broadcast %add3A_282 : f32 to vector<128x4096xf32>
    %add3A_284 = arith.addf %neg3A_281, %add3A_283 : vector<128x4096xf32>
    %log3A_285 = math.log %add3A_284 : vector<128x4096xf32>
    %neg3A_286 = arith.constant 0.000000e+00 : f32
    %neg3A_287 = vector.broadcast %neg3A_286 : f32 to vector<128x4096xf32>
    %neg3A_288 = arith.subf %neg3A_287, %log3A_285 : vector<128x4096xf32>
    %add3A_289 = arith.constant 9.99999968E-21 : f32
    %add3A_290 = vector.broadcast %add3A_289 : f32 to vector<128x4096xf32>
    %add3A_291 = arith.addf %exp3A, %add3A_290 : vector<128x4096xf32>
    %log3A_292 = math.log %add3A_291 : vector<128x4096xf32>
    %add3A_293 = arith.addf %log3A_292, %neg3A_288 : vector<128x4096xf32>
    %div3A = arith.constant 5.000000e-01 : f32
    %div3A_294 = vector.broadcast %div3A : f32 to vector<128x4096xf32>
    %div3A_295 = arith.divf %add3A_293, %div3A_294 : vector<128x4096xf32>
    %swap3A = arith.constant 0 : index
    %swap3A_296 = arith.constant 0 : index
    %swap3A_297 = vector.load %arg5[%swap3A, %swap3A_296] : memref<128x4096xf32, #tpu.memory_space<vmem>>, vector<128x4096xf32>
    tpu.vector_store %arg5[%swap3A, %swap3A_296], %div3A_295 {strides = array<i32>} : memref<128x4096xf32, #tpu.memory_space<vmem>>, vector<128x4096xf32>,
    %reduce_max3A = arith.constant dense<0xFF800000> : vector<4096xf32>
    %reduce_max3A_298 = vector.multi_reduction <maximumf>, %div3A_295, %reduce_max3A [0] : vector<128x4096xf32> to vector<4096xf32>
    %broadcast_in_dim3A_299 = vector.shape_cast %reduce_max3A_298 : vector<4096xf32> to vector<1x4096xf32>
    %get3A_300 = arith.constant 0 : index
    %get3A_301 = arith.constant 0 : index
    %get3A_302 = vector.load %arg6[%get3A_300, %get3A_301] : memref<1x4096xf32, #tpu.memory_space<vmem>>, vector<1x4096xf32>
    %max3A_303 = arith.maximumf %get3A_302, %broadcast_in_dim3A_299 : vector<1x4096xf32>
    %get3A_304 = arith.constant 0 : index
    %get3A_305 = arith.constant 0 : index
    %get3A_306 = vector.load %arg7[%get3A_304, %get3A_305] : memref<1x4096xf32, #tpu.memory_space<vmem>>, vector<1x4096xf32>
    %sub3A_307 = arith.subf %get3A_302, %max3A_303 : vector<1x4096xf32>
    %exp3A_308 = math.exp %sub3A_307 : vector<1x4096xf32>
    %mul3A_309 = arith.mulf %get3A_306, %exp3A_308 : vector<1x4096xf32>
    %sub3A_310 = vector.broadcast %max3A_303 : vector<1x4096xf32> to vector<128x4096xf32>
    %sub3A_311 = arith.subf %div3A_295, %sub3A_310 : vector<128x4096xf32>
    %exp3A_312 = math.exp %sub3A_311 : vector<128x4096xf32>
    %reduce_sum3A_313 = arith.constant dense<0.000000e+00> : vector<4096xf32>
    %reduce_sum3A_314 = vector.multi_reduction <add>, %exp3A_312, %reduce_sum3A_313 [0] : vector<128x4096xf32> to vector<4096xf32>
    %broadcast_in_dim3A_315 = vector.shape_cast %reduce_sum3A_314 : vector<4096xf32> to vector<1x4096xf32>
    %add3A_316 = arith.addf %mul3A_309, %broadcast_in_dim3A_315 : vector<1x4096xf32>
    %swap3A_317 = arith.constant 0 : index
    %swap3A_318 = arith.constant 0 : index
    %swap3A_319 = vector.load %arg7[%swap3A_317, %swap3A_318] : memref<1x4096xf32, #tpu.memory_space<vmem>>, vector<1x4096xf32>
    tpu.vector_store %arg7[%swap3A_317, %swap3A_318], %add3A_316 {strides = array<i32>} : memref<1x4096xf32, #tpu.memory_space<vmem>>, vector<1x4096xf32>,
    %swap3A_320 = arith.constant 0 : index
    %swap3A_321 = arith.constant 0 : index
    %swap3A_322 = vector.load %arg6[%swap3A_320, %swap3A_321] : memref<1x4096xf32, #tpu.memory_space<vmem>>, vector<1x4096xf32>
    tpu.vector_store %arg6[%swap3A_320, %swap3A_321], %max3A_303 {strides = array<i32>} : memref<1x4096xf32, #tpu.memory_space<vmem>>, vector<1x4096xf32>,
    %eq3A_323 = arith.constant 31 : i32
    %eq3A_324 = arith.cmpi eq, %arg0, %eq3A_323 : i32
    %convert_element_type3A_325 = arith.extui %eq3A_324 : i1 to i32
    %cond3A_326 = arith.constant 0 : i32
    %cond3A_327 = arith.cmpi ne, %convert_element_type3A_325, %cond3A_326 : i32
    scf.if %cond3A_327 {
      %get3A_328 = arith.constant 0 : index
      %get3A_329 = arith.constant 0 : index
      %get3A_330 = vector.load %arg6[%get3A_328, %get3A_329] : memref<1x4096xf32, #tpu.memory_space<vmem>>, vector<1x4096xf32>
      %get3A_331 = arith.constant 0 : index
      %get3A_332 = arith.constant 0 : index
      %get3A_333 = vector.load %arg7[%get3A_331, %get3A_332] : memref<1x4096xf32, #tpu.memory_space<vmem>>, vector<1x4096xf32>
      %log3A_334 = math.log %get3A_333 : vector<1x4096xf32>
      %add3A_335 = arith.addf %get3A_330, %log3A_334 : vector<1x4096xf32>
      %swap3A_336 = arith.constant 0 : index
      %swap3A_337 = arith.constant 0 : index
      %swap3A_338 = vector.load %arg4[%swap3A_336, %swap3A_337] : memref<1x4096xf32, #tpu.memory_space<vmem>>, vector<1x4096xf32>
      tpu.vector_store %arg4[%swap3A_336, %swap3A_337], %add3A_335 {strides = array<i32>} : memref<1x4096xf32, #tpu.memory_space<vmem>>, vector<1x4096xf32>,
    } else {
    }
    return
  }
  func.func @transform_0(%arg0: i32) -> (i32, i32) {
    %c0_i32 = arith.constant 0 : i32
    %c0_i32_0 = arith.constant 0 : i32
    return %arg0, %c0_i32 : i32, i32
  }
  func.func @transform_1(%arg0: i32) -> (i32, i32) {
    %c0_i32 = arith.constant 0 : i32
    %c0_i32_0 = arith.constant 0 : i32
    %c0_i32_1 = arith.constant 0 : i32
    return %c0_i32, %c0_i32_0 : i32, i32
  }
  func.func @transform_2(%arg0: i32) -> (i32, i32) {
    %c0_i32 = arith.constant 0 : i32
    %c0_i32_0 = arith.constant 0 : i32
    %c0_i32_1 = arith.constant 0 : i32
    return %c0_i32, %c0_i32_0 : i32, i32
  }
  func.func @transform_3(%arg0: i32) -> (i32, i32) {
    %c0_i32 = arith.constant 0 : i32
    %c0_i32_0 = arith.constant 0 : i32
    %c0_i32_1 = arith.constant 0 : i32
    return %c0_i32, %c0_i32_0 : i32, i32
  }
  func.func @transform_4(%arg0: i32) -> (i32, i32) {
    %c0_i32 = arith.constant 0 : i32
    %c0_i32_0 = arith.constant 0 : i32
    return %arg0, %c0_i32 : i32, i32
  }
}

module attributes {stable_mosaic.version = 14 : i64} {
  func.func @_softtopk_body(%arg0: i32, %arg1: memref<128x4096xf32, #tpu.memory_space<vmem>>, %arg2: memref<1x4096xf32, #tpu.memory_space<vmem>>, %arg3: memref<128x16xi32, #tpu.memory_space<vmem>>) attributes {dimension_semantics = [#tpu.dimension_semantics<arbitrary>], iteration_bounds = array<i64: 32>, scalar_prefetch = 0 : i64, scratch_operands = 0 : i64, tpu.core_type = #tpu.core_type<tc>, window_params = [{transform_indices = @transform_0, window_bounds = array<i64: 128, 4096>}, {pipeline_mode = #tpu.pipeline_mode<synchronous>, transform_indices = @transform_1, window_bounds = array<i64: 1, 4096>}, {transform_indices = @transform_2, window_bounds = array<i64: 128, 16>}]} {
    %get3A = arith.constant 0 : index
    %get3A_0 = arith.constant 0 : index
    %get3A_1 = vector.load %arg1[%get3A, %get3A_0] : memref<128x4096xf32, #tpu.memory_space<vmem>>, vector<128x4096xf32>
    %get3A_2 = arith.constant 0 : index
    %get3A_3 = arith.constant 0 : index
    %get3A_4 = vector.load %arg2[%get3A_2, %get3A_3] : memref<1x4096xf32, #tpu.memory_space<vmem>>, vector<1x4096xf32>
    %sub3A = vector.broadcast %get3A_4 : vector<1x4096xf32> to vector<128x4096xf32>
    %sub3A_5 = arith.subf %get3A_1, %sub3A : vector<128x4096xf32>
    %iota3A = tpu.iota {dimensions = array<i32: 1>} : vector<128x4096xi32>
    %argmax3A = tpu.reduce_index %sub3A_5 {axis = 1 : i32, kind = #tpu.reduction_kind<arg_max>} : vector<128x4096xf32> -> vector<128xi32>
    %broadcast_in_dim3A = vector.shape_cast %argmax3A : vector<128xi32> to vector<128x1xi32>
    %eq3A = vector.broadcast %broadcast_in_dim3A : vector<128x1xi32> to vector<128x4096xi32>
    %eq3A_6 = arith.cmpi eq, %iota3A, %eq3A : vector<128x4096xi32>
    %jit3A = arith.constant 0xFF800000 : f32
    %broadcast_in_dim3A_7 = vector.broadcast %jit3A : f32 to vector<128x4096xf32>
    %select_n3A = arith.select %eq3A_6, %broadcast_in_dim3A_7, %sub3A_5 : vector<128x4096xi1>, vector<128x4096xf32>
    %argmax3A_8 = tpu.reduce_index %select_n3A {axis = 1 : i32, kind = #tpu.reduction_kind<arg_max>} : vector<128x4096xf32> -> vector<128xi32>
    %broadcast_in_dim3A_9 = vector.shape_cast %argmax3A_8 : vector<128xi32> to vector<128x1xi32>
    %eq3A_10 = vector.broadcast %broadcast_in_dim3A_9 : vector<128x1xi32> to vector<128x4096xi32>
    %eq3A_11 = arith.cmpi eq, %iota3A, %eq3A_10 : vector<128x4096xi32>
    %jit3A_12 = arith.constant 0xFF800000 : f32
    %broadcast_in_dim3A_13 = vector.broadcast %jit3A_12 : f32 to vector<128x4096xf32>
    %select_n3A_14 = arith.select %eq3A_11, %broadcast_in_dim3A_13, %select_n3A : vector<128x4096xi1>, vector<128x4096xf32>
    %argmax3A_15 = tpu.reduce_index %select_n3A_14 {axis = 1 : i32, kind = #tpu.reduction_kind<arg_max>} : vector<128x4096xf32> -> vector<128xi32>
    %broadcast_in_dim3A_16 = vector.shape_cast %argmax3A_15 : vector<128xi32> to vector<128x1xi32>
    %eq3A_17 = vector.broadcast %broadcast_in_dim3A_16 : vector<128x1xi32> to vector<128x4096xi32>
    %eq3A_18 = arith.cmpi eq, %iota3A, %eq3A_17 : vector<128x4096xi32>
    %jit3A_19 = arith.constant 0xFF800000 : f32
    %broadcast_in_dim3A_20 = vector.broadcast %jit3A_19 : f32 to vector<128x4096xf32>
    %select_n3A_21 = arith.select %eq3A_18, %broadcast_in_dim3A_20, %select_n3A_14 : vector<128x4096xi1>, vector<128x4096xf32>
    %argmax3A_22 = tpu.reduce_index %select_n3A_21 {axis = 1 : i32, kind = #tpu.reduction_kind<arg_max>} : vector<128x4096xf32> -> vector<128xi32>
    %broadcast_in_dim3A_23 = vector.shape_cast %argmax3A_22 : vector<128xi32> to vector<128x1xi32>
    %eq3A_24 = vector.broadcast %broadcast_in_dim3A_23 : vector<128x1xi32> to vector<128x4096xi32>
    %eq3A_25 = arith.cmpi eq, %iota3A, %eq3A_24 : vector<128x4096xi32>
    %jit3A_26 = arith.constant 0xFF800000 : f32
    %broadcast_in_dim3A_27 = vector.broadcast %jit3A_26 : f32 to vector<128x4096xf32>
    %select_n3A_28 = arith.select %eq3A_25, %broadcast_in_dim3A_27, %select_n3A_21 : vector<128x4096xi1>, vector<128x4096xf32>
    %argmax3A_29 = tpu.reduce_index %select_n3A_28 {axis = 1 : i32, kind = #tpu.reduction_kind<arg_max>} : vector<128x4096xf32> -> vector<128xi32>
    %broadcast_in_dim3A_30 = vector.shape_cast %argmax3A_29 : vector<128xi32> to vector<128x1xi32>
    %eq3A_31 = vector.broadcast %broadcast_in_dim3A_30 : vector<128x1xi32> to vector<128x4096xi32>
    %eq3A_32 = arith.cmpi eq, %iota3A, %eq3A_31 : vector<128x4096xi32>
    %jit3A_33 = arith.constant 0xFF800000 : f32
    %broadcast_in_dim3A_34 = vector.broadcast %jit3A_33 : f32 to vector<128x4096xf32>
    %select_n3A_35 = arith.select %eq3A_32, %broadcast_in_dim3A_34, %select_n3A_28 : vector<128x4096xi1>, vector<128x4096xf32>
    %argmax3A_36 = tpu.reduce_index %select_n3A_35 {axis = 1 : i32, kind = #tpu.reduction_kind<arg_max>} : vector<128x4096xf32> -> vector<128xi32>
    %broadcast_in_dim3A_37 = vector.shape_cast %argmax3A_36 : vector<128xi32> to vector<128x1xi32>
    %eq3A_38 = vector.broadcast %broadcast_in_dim3A_37 : vector<128x1xi32> to vector<128x4096xi32>
    %eq3A_39 = arith.cmpi eq, %iota3A, %eq3A_38 : vector<128x4096xi32>
    %jit3A_40 = arith.constant 0xFF800000 : f32
    %broadcast_in_dim3A_41 = vector.broadcast %jit3A_40 : f32 to vector<128x4096xf32>
    %select_n3A_42 = arith.select %eq3A_39, %broadcast_in_dim3A_41, %select_n3A_35 : vector<128x4096xi1>, vector<128x4096xf32>
    %argmax3A_43 = tpu.reduce_index %select_n3A_42 {axis = 1 : i32, kind = #tpu.reduction_kind<arg_max>} : vector<128x4096xf32> -> vector<128xi32>
    %broadcast_in_dim3A_44 = vector.shape_cast %argmax3A_43 : vector<128xi32> to vector<128x1xi32>
    %eq3A_45 = vector.broadcast %broadcast_in_dim3A_44 : vector<128x1xi32> to vector<128x4096xi32>
    %eq3A_46 = arith.cmpi eq, %iota3A, %eq3A_45 : vector<128x4096xi32>
    %jit3A_47 = arith.constant 0xFF800000 : f32
    %broadcast_in_dim3A_48 = vector.broadcast %jit3A_47 : f32 to vector<128x4096xf32>
    %select_n3A_49 = arith.select %eq3A_46, %broadcast_in_dim3A_48, %select_n3A_42 : vector<128x4096xi1>, vector<128x4096xf32>
    %argmax3A_50 = tpu.reduce_index %select_n3A_49 {axis = 1 : i32, kind = #tpu.reduction_kind<arg_max>} : vector<128x4096xf32> -> vector<128xi32>
    %broadcast_in_dim3A_51 = vector.shape_cast %argmax3A_50 : vector<128xi32> to vector<128x1xi32>
    %eq3A_52 = vector.broadcast %broadcast_in_dim3A_51 : vector<128x1xi32> to vector<128x4096xi32>
    %eq3A_53 = arith.cmpi eq, %iota3A, %eq3A_52 : vector<128x4096xi32>
    %jit3A_54 = arith.constant 0xFF800000 : f32
    %broadcast_in_dim3A_55 = vector.broadcast %jit3A_54 : f32 to vector<128x4096xf32>
    %select_n3A_56 = arith.select %eq3A_53, %broadcast_in_dim3A_55, %select_n3A_49 : vector<128x4096xi1>, vector<128x4096xf32>
    %argmax3A_57 = tpu.reduce_index %select_n3A_56 {axis = 1 : i32, kind = #tpu.reduction_kind<arg_max>} : vector<128x4096xf32> -> vector<128xi32>
    %broadcast_in_dim3A_58 = vector.shape_cast %argmax3A_57 : vector<128xi32> to vector<128x1xi32>
    %eq3A_59 = vector.broadcast %broadcast_in_dim3A_58 : vector<128x1xi32> to vector<128x4096xi32>
    %eq3A_60 = arith.cmpi eq, %iota3A, %eq3A_59 : vector<128x4096xi32>
    %jit3A_61 = arith.constant 0xFF800000 : f32
    %broadcast_in_dim3A_62 = vector.broadcast %jit3A_61 : f32 to vector<128x4096xf32>
    %select_n3A_63 = arith.select %eq3A_60, %broadcast_in_dim3A_62, %select_n3A_56 : vector<128x4096xi1>, vector<128x4096xf32>
    %argmax3A_64 = tpu.reduce_index %select_n3A_63 {axis = 1 : i32, kind = #tpu.reduction_kind<arg_max>} : vector<128x4096xf32> -> vector<128xi32>
    %broadcast_in_dim3A_65 = vector.shape_cast %argmax3A_64 : vector<128xi32> to vector<128x1xi32>
    %eq3A_66 = vector.broadcast %broadcast_in_dim3A_65 : vector<128x1xi32> to vector<128x4096xi32>
    %eq3A_67 = arith.cmpi eq, %iota3A, %eq3A_66 : vector<128x4096xi32>
    %jit3A_68 = arith.constant 0xFF800000 : f32
    %broadcast_in_dim3A_69 = vector.broadcast %jit3A_68 : f32 to vector<128x4096xf32>
    %select_n3A_70 = arith.select %eq3A_67, %broadcast_in_dim3A_69, %select_n3A_63 : vector<128x4096xi1>, vector<128x4096xf32>
    %argmax3A_71 = tpu.reduce_index %select_n3A_70 {axis = 1 : i32, kind = #tpu.reduction_kind<arg_max>} : vector<128x4096xf32> -> vector<128xi32>
    %broadcast_in_dim3A_72 = vector.shape_cast %argmax3A_71 : vector<128xi32> to vector<128x1xi32>
    %eq3A_73 = vector.broadcast %broadcast_in_dim3A_72 : vector<128x1xi32> to vector<128x4096xi32>
    %eq3A_74 = arith.cmpi eq, %iota3A, %eq3A_73 : vector<128x4096xi32>
    %jit3A_75 = arith.constant 0xFF800000 : f32
    %broadcast_in_dim3A_76 = vector.broadcast %jit3A_75 : f32 to vector<128x4096xf32>
    %select_n3A_77 = arith.select %eq3A_74, %broadcast_in_dim3A_76, %select_n3A_70 : vector<128x4096xi1>, vector<128x4096xf32>
    %argmax3A_78 = tpu.reduce_index %select_n3A_77 {axis = 1 : i32, kind = #tpu.reduction_kind<arg_max>} : vector<128x4096xf32> -> vector<128xi32>
    %broadcast_in_dim3A_79 = vector.shape_cast %argmax3A_78 : vector<128xi32> to vector<128x1xi32>
    %eq3A_80 = vector.broadcast %broadcast_in_dim3A_79 : vector<128x1xi32> to vector<128x4096xi32>
    %eq3A_81 = arith.cmpi eq, %iota3A, %eq3A_80 : vector<128x4096xi32>
    %jit3A_82 = arith.constant 0xFF800000 : f32
    %broadcast_in_dim3A_83 = vector.broadcast %jit3A_82 : f32 to vector<128x4096xf32>
    %select_n3A_84 = arith.select %eq3A_81, %broadcast_in_dim3A_83, %select_n3A_77 : vector<128x4096xi1>, vector<128x4096xf32>
    %argmax3A_85 = tpu.reduce_index %select_n3A_84 {axis = 1 : i32, kind = #tpu.reduction_kind<arg_max>} : vector<128x4096xf32> -> vector<128xi32>
    %broadcast_in_dim3A_86 = vector.shape_cast %argmax3A_85 : vector<128xi32> to vector<128x1xi32>
    %eq3A_87 = vector.broadcast %broadcast_in_dim3A_86 : vector<128x1xi32> to vector<128x4096xi32>
    %eq3A_88 = arith.cmpi eq, %iota3A, %eq3A_87 : vector<128x4096xi32>
    %jit3A_89 = arith.constant 0xFF800000 : f32
    %broadcast_in_dim3A_90 = vector.broadcast %jit3A_89 : f32 to vector<128x4096xf32>
    %select_n3A_91 = arith.select %eq3A_88, %broadcast_in_dim3A_90, %select_n3A_84 : vector<128x4096xi1>, vector<128x4096xf32>
    %argmax3A_92 = tpu.reduce_index %select_n3A_91 {axis = 1 : i32, kind = #tpu.reduction_kind<arg_max>} : vector<128x4096xf32> -> vector<128xi32>
    %broadcast_in_dim3A_93 = vector.shape_cast %argmax3A_92 : vector<128xi32> to vector<128x1xi32>
    %eq3A_94 = vector.broadcast %broadcast_in_dim3A_93 : vector<128x1xi32> to vector<128x4096xi32>
    %eq3A_95 = arith.cmpi eq, %iota3A, %eq3A_94 : vector<128x4096xi32>
    %jit3A_96 = arith.constant 0xFF800000 : f32
    %broadcast_in_dim3A_97 = vector.broadcast %jit3A_96 : f32 to vector<128x4096xf32>
    %select_n3A_98 = arith.select %eq3A_95, %broadcast_in_dim3A_97, %select_n3A_91 : vector<128x4096xi1>, vector<128x4096xf32>
    %argmax3A_99 = tpu.reduce_index %select_n3A_98 {axis = 1 : i32, kind = #tpu.reduction_kind<arg_max>} : vector<128x4096xf32> -> vector<128xi32>
    %broadcast_in_dim3A_100 = vector.shape_cast %argmax3A_99 : vector<128xi32> to vector<128x1xi32>
    %eq3A_101 = vector.broadcast %broadcast_in_dim3A_100 : vector<128x1xi32> to vector<128x4096xi32>
    %eq3A_102 = arith.cmpi eq, %iota3A, %eq3A_101 : vector<128x4096xi32>
    %jit3A_103 = arith.constant 0xFF800000 : f32
    %broadcast_in_dim3A_104 = vector.broadcast %jit3A_103 : f32 to vector<128x4096xf32>
    %select_n3A_105 = arith.select %eq3A_102, %broadcast_in_dim3A_104, %select_n3A_98 : vector<128x4096xi1>, vector<128x4096xf32>
    %argmax3A_106 = tpu.reduce_index %select_n3A_105 {axis = 1 : i32, kind = #tpu.reduction_kind<arg_max>} : vector<128x4096xf32> -> vector<128xi32>
    %broadcast_in_dim3A_107 = vector.shape_cast %argmax3A_106 : vector<128xi32> to vector<128x1xi32>
    %concatenate3A = tpu.concatenate %broadcast_in_dim3A, %broadcast_in_dim3A_9, %broadcast_in_dim3A_16, %broadcast_in_dim3A_23, %broadcast_in_dim3A_30, %broadcast_in_dim3A_37, %broadcast_in_dim3A_44, %broadcast_in_dim3A_51, %broadcast_in_dim3A_58, %broadcast_in_dim3A_65, %broadcast_in_dim3A_72, %broadcast_in_dim3A_79, %broadcast_in_dim3A_86, %broadcast_in_dim3A_93, %broadcast_in_dim3A_100, %broadcast_in_dim3A_107 in 1 : vector<128x1xi32>, vector<128x1xi32>, vector<128x1xi32>, vector<128x1xi32>, vector<128x1xi32>, vector<128x1xi32>, vector<128x1xi32>, vector<128x1xi32>, vector<128x1xi32>, vector<128x1xi32>, vector<128x1xi32>, vector<128x1xi32>, vector<128x1xi32>, vector<128x1xi32>, vector<128x1xi32>, vector<128x1xi32> -> vector<128x16xi32>
    %swap3A = arith.constant 0 : index
    %swap3A_108 = arith.constant 0 : index
    %swap3A_109 = vector.load %arg3[%swap3A, %swap3A_108] : memref<128x16xi32, #tpu.memory_space<vmem>>, vector<128x16xi32>
    tpu.vector_store %arg3[%swap3A, %swap3A_108], %concatenate3A {strides = array<i32>} : memref<128x16xi32, #tpu.memory_space<vmem>>, vector<128x16xi32>,
    return
  }
  func.func @transform_0(%arg0: i32) -> (i32, i32) {
    %c0_i32 = arith.constant 0 : i32
    %c0_i32_0 = arith.constant 0 : i32
    return %arg0, %c0_i32 : i32, i32
  }
  func.func @transform_1(%arg0: i32) -> (i32, i32) {
    %c0_i32 = arith.constant 0 : i32
    %c0_i32_0 = arith.constant 0 : i32
    %c0_i32_1 = arith.constant 0 : i32
    return %c0_i32, %c0_i32_0 : i32, i32
  }
  func.func @transform_2(%arg0: i32) -> (i32, i32) {
    %c0_i32 = arith.constant 0 : i32
    %c0_i32_0 = arith.constant 0 : i32
    return %arg0, %c0_i32 : i32, i32
  }
}

module attributes {stable_mosaic.version = 14 : i64} {
  func.func @_knn_body(%arg0: i32, %arg1: memref<256x16xf32, #tpu.memory_space<vmem>>, %arg2: memref<16x4096xf32, #tpu.memory_space<vmem>>, %arg3: memref<256x16xi32, #tpu.memory_space<vmem>>, %arg4: memref<256x1xi32, #tpu.memory_space<vmem>>) attributes {dimension_semantics = [#tpu.dimension_semantics<arbitrary>], iteration_bounds = array<i64: 16>, scalar_prefetch = 0 : i64, scratch_operands = 0 : i64, tpu.core_type = #tpu.core_type<tc>, window_params = [{transform_indices = @transform_0, window_bounds = array<i64: 256, 16>}, {pipeline_mode = #tpu.pipeline_mode<synchronous>, transform_indices = @transform_1, window_bounds = array<i64: 16, 4096>}, {transform_indices = @transform_2, window_bounds = array<i64: 256, 16>}, {transform_indices = @transform_3, window_bounds = array<i64: 256, 1>}]} {
    %mul3A = arith.constant 256 : i32
    %mul3A_0 = arith.muli %arg0, %mul3A : i32
    %get3A = arith.constant 0 : index
    %get3A_1 = arith.constant 0 : index
    %get3A_2 = vector.load %arg1[%get3A, %get3A_1] : memref<256x16xf32, #tpu.memory_space<vmem>>, vector<256x16xf32>
    %get3A_3 = arith.constant 0 : index
    %get3A_4 = arith.constant 0 : index
    %get3A_5 = vector.load %arg2[%get3A_3, %get3A_4] : memref<16x4096xf32, #tpu.memory_space<vmem>>, vector<16x4096xf32>
    %mul3A_6 = arith.mulf %get3A_2, %get3A_2 : vector<256x16xf32>
    %reduce_sum3A = arith.constant dense<0.000000e+00> : vector<256xf32>
    %reduce_sum3A_7 = vector.multi_reduction <add>, %mul3A_6, %reduce_sum3A [1] : vector<256x16xf32> to vector<256xf32>
    %broadcast_in_dim3A = vector.shape_cast %reduce_sum3A_7 : vector<256xf32> to vector<256x1xf32>
    %mul3A_8 = arith.mulf %get3A_5, %get3A_5 : vector<16x4096xf32>
    %reduce_sum3A_9 = arith.constant dense<0.000000e+00> : vector<4096xf32>
    %reduce_sum3A_10 = vector.multi_reduction <add>, %mul3A_8, %reduce_sum3A_9 [0] : vector<16x4096xf32> to vector<4096xf32>
    %broadcast_in_dim3A_11 = vector.shape_cast %reduce_sum3A_10 : vector<4096xf32> to vector<1x4096xf32>
    %add3A = vector.broadcast %broadcast_in_dim3A : vector<256x1xf32> to vector<256x4096xf32>
    %add3A_12 = vector.broadcast %broadcast_in_dim3A_11 : vector<1x4096xf32> to vector<256x4096xf32>
    %add3A_13 = arith.addf %add3A, %add3A_12 : vector<256x4096xf32>
    %dot_general3A = arith.constant dense<0.000000e+00> : vector<256x4096xf32>
    %dot_general3A_14 = tpu.matmul %get3A_2, %get3A_5, %dot_general3A {dimension_numbers = #tpu.dot_dimension_numbers<[1], [0], [0], [1], [0, 0, 1, 1], [], []>, precision = #tpu.contract_precision<fp32>, transpose_lhs_hint = false} : vector<256x16xf32>, vector<16x4096xf32>, vector<256x4096xf32> -> vector<256x4096xf32>
    %mul3A_15 = arith.constant 2.000000e+00 : f32
    %mul3A_16 = vector.broadcast %mul3A_15 : f32 to vector<256x4096xf32>
    %mul3A_17 = arith.mulf %mul3A_16, %dot_general3A_14 : vector<256x4096xf32>
    %sub3A = arith.subf %add3A_13, %mul3A_17 : vector<256x4096xf32>
    %iota3A = tpu.iota {dimensions = array<i32: 0>} : vector<256x4096xi32>
    %add3A_18 = vector.broadcast %mul3A_0 : i32 to vector<256x4096xi32>
    %add3A_19 = arith.addi %add3A_18, %iota3A : vector<256x4096xi32>
    %iota3A_20 = tpu.iota {dimensions = array<i32: 1>} : vector<256x4096xi32>
    %eq3A = arith.cmpi eq, %add3A_19, %iota3A_20 : vector<256x4096xi32>
    %add3A_21 = arith.constant 1.000000e+10 : f32
    %add3A_22 = vector.broadcast %add3A_21 : f32 to vector<256x4096xf32>
    %add3A_23 = arith.addf %sub3A, %add3A_22 : vector<256x4096xf32>
    %select_n3A = arith.select %eq3A, %add3A_23, %sub3A : vector<256x4096xi1>, vector<256x4096xf32>
    %argmin3A = tpu.reduce_index %select_n3A {axis = 1 : i32, kind = #tpu.reduction_kind<arg_min>} : vector<256x4096xf32> -> vector<256xi32>
    %broadcast_in_dim3A_24 = vector.shape_cast %argmin3A : vector<256xi32> to vector<256x1xi32>
    %eq3A_25 = vector.broadcast %broadcast_in_dim3A_24 : vector<256x1xi32> to vector<256x4096xi32>
    %eq3A_26 = arith.cmpi eq, %iota3A_20, %eq3A_25 : vector<256x4096xi32>
    %jit3A = arith.constant 0x7F800000 : f32
    %broadcast_in_dim3A_27 = vector.broadcast %jit3A : f32 to vector<256x4096xf32>
    %select_n3A_28 = arith.select %eq3A_26, %broadcast_in_dim3A_27, %select_n3A : vector<256x4096xi1>, vector<256x4096xf32>
    %argmin3A_29 = tpu.reduce_index %select_n3A_28 {axis = 1 : i32, kind = #tpu.reduction_kind<arg_min>} : vector<256x4096xf32> -> vector<256xi32>
    %broadcast_in_dim3A_30 = vector.shape_cast %argmin3A_29 : vector<256xi32> to vector<256x1xi32>
    %eq3A_31 = vector.broadcast %broadcast_in_dim3A_30 : vector<256x1xi32> to vector<256x4096xi32>
    %eq3A_32 = arith.cmpi eq, %iota3A_20, %eq3A_31 : vector<256x4096xi32>
    %jit3A_33 = arith.constant 0x7F800000 : f32
    %broadcast_in_dim3A_34 = vector.broadcast %jit3A_33 : f32 to vector<256x4096xf32>
    %select_n3A_35 = arith.select %eq3A_32, %broadcast_in_dim3A_34, %select_n3A_28 : vector<256x4096xi1>, vector<256x4096xf32>
    %argmin3A_36 = tpu.reduce_index %select_n3A_35 {axis = 1 : i32, kind = #tpu.reduction_kind<arg_min>} : vector<256x4096xf32> -> vector<256xi32>
    %broadcast_in_dim3A_37 = vector.shape_cast %argmin3A_36 : vector<256xi32> to vector<256x1xi32>
    %eq3A_38 = vector.broadcast %broadcast_in_dim3A_37 : vector<256x1xi32> to vector<256x4096xi32>
    %eq3A_39 = arith.cmpi eq, %iota3A_20, %eq3A_38 : vector<256x4096xi32>
    %jit3A_40 = arith.constant 0x7F800000 : f32
    %broadcast_in_dim3A_41 = vector.broadcast %jit3A_40 : f32 to vector<256x4096xf32>
    %select_n3A_42 = arith.select %eq3A_39, %broadcast_in_dim3A_41, %select_n3A_35 : vector<256x4096xi1>, vector<256x4096xf32>
    %argmin3A_43 = tpu.reduce_index %select_n3A_42 {axis = 1 : i32, kind = #tpu.reduction_kind<arg_min>} : vector<256x4096xf32> -> vector<256xi32>
    %broadcast_in_dim3A_44 = vector.shape_cast %argmin3A_43 : vector<256xi32> to vector<256x1xi32>
    %eq3A_45 = vector.broadcast %broadcast_in_dim3A_44 : vector<256x1xi32> to vector<256x4096xi32>
    %eq3A_46 = arith.cmpi eq, %iota3A_20, %eq3A_45 : vector<256x4096xi32>
    %jit3A_47 = arith.constant 0x7F800000 : f32
    %broadcast_in_dim3A_48 = vector.broadcast %jit3A_47 : f32 to vector<256x4096xf32>
    %select_n3A_49 = arith.select %eq3A_46, %broadcast_in_dim3A_48, %select_n3A_42 : vector<256x4096xi1>, vector<256x4096xf32>
    %argmin3A_50 = tpu.reduce_index %select_n3A_49 {axis = 1 : i32, kind = #tpu.reduction_kind<arg_min>} : vector<256x4096xf32> -> vector<256xi32>
    %broadcast_in_dim3A_51 = vector.shape_cast %argmin3A_50 : vector<256xi32> to vector<256x1xi32>
    %eq3A_52 = vector.broadcast %broadcast_in_dim3A_51 : vector<256x1xi32> to vector<256x4096xi32>
    %eq3A_53 = arith.cmpi eq, %iota3A_20, %eq3A_52 : vector<256x4096xi32>
    %jit3A_54 = arith.constant 0x7F800000 : f32
    %broadcast_in_dim3A_55 = vector.broadcast %jit3A_54 : f32 to vector<256x4096xf32>
    %select_n3A_56 = arith.select %eq3A_53, %broadcast_in_dim3A_55, %select_n3A_49 : vector<256x4096xi1>, vector<256x4096xf32>
    %argmin3A_57 = tpu.reduce_index %select_n3A_56 {axis = 1 : i32, kind = #tpu.reduction_kind<arg_min>} : vector<256x4096xf32> -> vector<256xi32>
    %broadcast_in_dim3A_58 = vector.shape_cast %argmin3A_57 : vector<256xi32> to vector<256x1xi32>
    %eq3A_59 = vector.broadcast %broadcast_in_dim3A_58 : vector<256x1xi32> to vector<256x4096xi32>
    %eq3A_60 = arith.cmpi eq, %iota3A_20, %eq3A_59 : vector<256x4096xi32>
    %jit3A_61 = arith.constant 0x7F800000 : f32
    %broadcast_in_dim3A_62 = vector.broadcast %jit3A_61 : f32 to vector<256x4096xf32>
    %select_n3A_63 = arith.select %eq3A_60, %broadcast_in_dim3A_62, %select_n3A_56 : vector<256x4096xi1>, vector<256x4096xf32>
    %argmin3A_64 = tpu.reduce_index %select_n3A_63 {axis = 1 : i32, kind = #tpu.reduction_kind<arg_min>} : vector<256x4096xf32> -> vector<256xi32>
    %broadcast_in_dim3A_65 = vector.shape_cast %argmin3A_64 : vector<256xi32> to vector<256x1xi32>
    %eq3A_66 = vector.broadcast %broadcast_in_dim3A_65 : vector<256x1xi32> to vector<256x4096xi32>
    %eq3A_67 = arith.cmpi eq, %iota3A_20, %eq3A_66 : vector<256x4096xi32>
    %jit3A_68 = arith.constant 0x7F800000 : f32
    %broadcast_in_dim3A_69 = vector.broadcast %jit3A_68 : f32 to vector<256x4096xf32>
    %select_n3A_70 = arith.select %eq3A_67, %broadcast_in_dim3A_69, %select_n3A_63 : vector<256x4096xi1>, vector<256x4096xf32>
    %argmin3A_71 = tpu.reduce_index %select_n3A_70 {axis = 1 : i32, kind = #tpu.reduction_kind<arg_min>} : vector<256x4096xf32> -> vector<256xi32>
    %broadcast_in_dim3A_72 = vector.shape_cast %argmin3A_71 : vector<256xi32> to vector<256x1xi32>
    %eq3A_73 = vector.broadcast %broadcast_in_dim3A_72 : vector<256x1xi32> to vector<256x4096xi32>
    %eq3A_74 = arith.cmpi eq, %iota3A_20, %eq3A_73 : vector<256x4096xi32>
    %jit3A_75 = arith.constant 0x7F800000 : f32
    %broadcast_in_dim3A_76 = vector.broadcast %jit3A_75 : f32 to vector<256x4096xf32>
    %select_n3A_77 = arith.select %eq3A_74, %broadcast_in_dim3A_76, %select_n3A_70 : vector<256x4096xi1>, vector<256x4096xf32>
    %argmin3A_78 = tpu.reduce_index %select_n3A_77 {axis = 1 : i32, kind = #tpu.reduction_kind<arg_min>} : vector<256x4096xf32> -> vector<256xi32>
    %broadcast_in_dim3A_79 = vector.shape_cast %argmin3A_78 : vector<256xi32> to vector<256x1xi32>
    %eq3A_80 = vector.broadcast %broadcast_in_dim3A_79 : vector<256x1xi32> to vector<256x4096xi32>
    %eq3A_81 = arith.cmpi eq, %iota3A_20, %eq3A_80 : vector<256x4096xi32>
    %jit3A_82 = arith.constant 0x7F800000 : f32
    %broadcast_in_dim3A_83 = vector.broadcast %jit3A_82 : f32 to vector<256x4096xf32>
    %select_n3A_84 = arith.select %eq3A_81, %broadcast_in_dim3A_83, %select_n3A_77 : vector<256x4096xi1>, vector<256x4096xf32>
    %argmin3A_85 = tpu.reduce_index %select_n3A_84 {axis = 1 : i32, kind = #tpu.reduction_kind<arg_min>} : vector<256x4096xf32> -> vector<256xi32>
    %broadcast_in_dim3A_86 = vector.shape_cast %argmin3A_85 : vector<256xi32> to vector<256x1xi32>
    %eq3A_87 = vector.broadcast %broadcast_in_dim3A_86 : vector<256x1xi32> to vector<256x4096xi32>
    %eq3A_88 = arith.cmpi eq, %iota3A_20, %eq3A_87 : vector<256x4096xi32>
    %jit3A_89 = arith.constant 0x7F800000 : f32
    %broadcast_in_dim3A_90 = vector.broadcast %jit3A_89 : f32 to vector<256x4096xf32>
    %select_n3A_91 = arith.select %eq3A_88, %broadcast_in_dim3A_90, %select_n3A_84 : vector<256x4096xi1>, vector<256x4096xf32>
    %argmin3A_92 = tpu.reduce_index %select_n3A_91 {axis = 1 : i32, kind = #tpu.reduction_kind<arg_min>} : vector<256x4096xf32> -> vector<256xi32>
    %broadcast_in_dim3A_93 = vector.shape_cast %argmin3A_92 : vector<256xi32> to vector<256x1xi32>
    %eq3A_94 = vector.broadcast %broadcast_in_dim3A_93 : vector<256x1xi32> to vector<256x4096xi32>
    %eq3A_95 = arith.cmpi eq, %iota3A_20, %eq3A_94 : vector<256x4096xi32>
    %jit3A_96 = arith.constant 0x7F800000 : f32
    %broadcast_in_dim3A_97 = vector.broadcast %jit3A_96 : f32 to vector<256x4096xf32>
    %select_n3A_98 = arith.select %eq3A_95, %broadcast_in_dim3A_97, %select_n3A_91 : vector<256x4096xi1>, vector<256x4096xf32>
    %argmin3A_99 = tpu.reduce_index %select_n3A_98 {axis = 1 : i32, kind = #tpu.reduction_kind<arg_min>} : vector<256x4096xf32> -> vector<256xi32>
    %broadcast_in_dim3A_100 = vector.shape_cast %argmin3A_99 : vector<256xi32> to vector<256x1xi32>
    %eq3A_101 = vector.broadcast %broadcast_in_dim3A_100 : vector<256x1xi32> to vector<256x4096xi32>
    %eq3A_102 = arith.cmpi eq, %iota3A_20, %eq3A_101 : vector<256x4096xi32>
    %jit3A_103 = arith.constant 0x7F800000 : f32
    %broadcast_in_dim3A_104 = vector.broadcast %jit3A_103 : f32 to vector<256x4096xf32>
    %select_n3A_105 = arith.select %eq3A_102, %broadcast_in_dim3A_104, %select_n3A_98 : vector<256x4096xi1>, vector<256x4096xf32>
    %argmin3A_106 = tpu.reduce_index %select_n3A_105 {axis = 1 : i32, kind = #tpu.reduction_kind<arg_min>} : vector<256x4096xf32> -> vector<256xi32>
    %broadcast_in_dim3A_107 = vector.shape_cast %argmin3A_106 : vector<256xi32> to vector<256x1xi32>
    %eq3A_108 = vector.broadcast %broadcast_in_dim3A_107 : vector<256x1xi32> to vector<256x4096xi32>
    %eq3A_109 = arith.cmpi eq, %iota3A_20, %eq3A_108 : vector<256x4096xi32>
    %jit3A_110 = arith.constant 0x7F800000 : f32
    %broadcast_in_dim3A_111 = vector.broadcast %jit3A_110 : f32 to vector<256x4096xf32>
    %select_n3A_112 = arith.select %eq3A_109, %broadcast_in_dim3A_111, %select_n3A_105 : vector<256x4096xi1>, vector<256x4096xf32>
    %argmin3A_113 = tpu.reduce_index %select_n3A_112 {axis = 1 : i32, kind = #tpu.reduction_kind<arg_min>} : vector<256x4096xf32> -> vector<256xi32>
    %broadcast_in_dim3A_114 = vector.shape_cast %argmin3A_113 : vector<256xi32> to vector<256x1xi32>
    %eq3A_115 = vector.broadcast %broadcast_in_dim3A_114 : vector<256x1xi32> to vector<256x4096xi32>
    %eq3A_116 = arith.cmpi eq, %iota3A_20, %eq3A_115 : vector<256x4096xi32>
    %jit3A_117 = arith.constant 0x7F800000 : f32
    %broadcast_in_dim3A_118 = vector.broadcast %jit3A_117 : f32 to vector<256x4096xf32>
    %select_n3A_119 = arith.select %eq3A_116, %broadcast_in_dim3A_118, %select_n3A_112 : vector<256x4096xi1>, vector<256x4096xf32>
    %argmin3A_120 = tpu.reduce_index %select_n3A_119 {axis = 1 : i32, kind = #tpu.reduction_kind<arg_min>} : vector<256x4096xf32> -> vector<256xi32>
    %broadcast_in_dim3A_121 = vector.shape_cast %argmin3A_120 : vector<256xi32> to vector<256x1xi32>
    %eq3A_122 = vector.broadcast %broadcast_in_dim3A_121 : vector<256x1xi32> to vector<256x4096xi32>
    %eq3A_123 = arith.cmpi eq, %iota3A_20, %eq3A_122 : vector<256x4096xi32>
    %jit3A_124 = arith.constant 0x7F800000 : f32
    %broadcast_in_dim3A_125 = vector.broadcast %jit3A_124 : f32 to vector<256x4096xf32>
    %select_n3A_126 = arith.select %eq3A_123, %broadcast_in_dim3A_125, %select_n3A_119 : vector<256x4096xi1>, vector<256x4096xf32>
    %argmin3A_127 = tpu.reduce_index %select_n3A_126 {axis = 1 : i32, kind = #tpu.reduction_kind<arg_min>} : vector<256x4096xf32> -> vector<256xi32>
    %broadcast_in_dim3A_128 = vector.shape_cast %argmin3A_127 : vector<256xi32> to vector<256x1xi32>
    %concatenate3A = tpu.concatenate %broadcast_in_dim3A_24, %broadcast_in_dim3A_30, %broadcast_in_dim3A_37, %broadcast_in_dim3A_44, %broadcast_in_dim3A_51, %broadcast_in_dim3A_58, %broadcast_in_dim3A_65, %broadcast_in_dim3A_72, %broadcast_in_dim3A_79, %broadcast_in_dim3A_86, %broadcast_in_dim3A_93, %broadcast_in_dim3A_100, %broadcast_in_dim3A_107, %broadcast_in_dim3A_114, %broadcast_in_dim3A_121, %broadcast_in_dim3A_128 in 1 : vector<256x1xi32>, vector<256x1xi32>, vector<256x1xi32>, vector<256x1xi32>, vector<256x1xi32>, vector<256x1xi32>, vector<256x1xi32>, vector<256x1xi32>, vector<256x1xi32>, vector<256x1xi32>, vector<256x1xi32>, vector<256x1xi32>, vector<256x1xi32>, vector<256x1xi32>, vector<256x1xi32>, vector<256x1xi32> -> vector<256x16xi32>
    %swap3A = arith.constant 0 : index
    %swap3A_129 = arith.constant 0 : index
    %swap3A_130 = vector.load %arg3[%swap3A, %swap3A_129] : memref<256x16xi32, #tpu.memory_space<vmem>>, vector<256x16xi32>
    tpu.vector_store %arg3[%swap3A, %swap3A_129], %concatenate3A {strides = array<i32>} : memref<256x16xi32, #tpu.memory_space<vmem>>, vector<256x16xi32>,
    %div3A = arith.constant 2.500000e-01 : f32
    %div3A_131 = vector.broadcast %div3A : f32 to vector<256x16xf32>
    %div3A_132 = arith.divf %get3A_2, %div3A_131 : vector<256x16xf32>
    %floor3A = math.floor %div3A_132 : vector<256x16xf32>
    %convert_element_type3A = arith.fptosi %floor3A : vector<256x16xf32> to vector<256x16xi32>
    %slice3A = vector.extract_strided_slice %convert_element_type3A {offsets = [0, 0], sizes = [256, 1], strides = [1, 1]} : vector<256x16xi32> to vector<256x1xi32>
    %mul3A_133 = arith.constant 73856093 : i32
    %mul3A_134 = vector.broadcast %mul3A_133 : i32 to vector<256x1xi32>
    %mul3A_135 = arith.muli %slice3A, %mul3A_134 : vector<256x1xi32>
    %slice3A_136 = vector.extract_strided_slice %convert_element_type3A {offsets = [0, 1], sizes = [256, 1], strides = [1, 1]} : vector<256x16xi32> to vector<256x1xi32>
    %mul3A_137 = arith.constant 19349663 : i32
    %mul3A_138 = vector.broadcast %mul3A_137 : i32 to vector<256x1xi32>
    %mul3A_139 = arith.muli %slice3A_136, %mul3A_138 : vector<256x1xi32>
    %xor3A = arith.xori %mul3A_135, %mul3A_139 : vector<256x1xi32>
    %slice3A_140 = vector.extract_strided_slice %convert_element_type3A {offsets = [0, 2], sizes = [256, 1], strides = [1, 1]} : vector<256x16xi32> to vector<256x1xi32>
    %mul3A_141 = arith.constant 83492791 : i32
    %mul3A_142 = vector.broadcast %mul3A_141 : i32 to vector<256x1xi32>
    %mul3A_143 = arith.muli %slice3A_140, %mul3A_142 : vector<256x1xi32>
    %xor3A_144 = arith.xori %xor3A, %mul3A_143 : vector<256x1xi32>
    %and3A = arith.constant 4095 : i32
    %and3A_145 = vector.broadcast %and3A : i32 to vector<256x1xi32>
    %and3A_146 = arith.andi %xor3A_144, %and3A_145 : vector<256x1xi32>
    %swap3A_147 = arith.constant 0 : index
    %swap3A_148 = arith.constant 0 : index
    %swap3A_149 = vector.load %arg4[%swap3A_147, %swap3A_148] : memref<256x1xi32, #tpu.memory_space<vmem>>, vector<256x1xi32>
    tpu.vector_store %arg4[%swap3A_147, %swap3A_148], %and3A_146 {strides = array<i32>} : memref<256x1xi32, #tpu.memory_space<vmem>>, vector<256x1xi32>,
    return
  }
  func.func @transform_0(%arg0: i32) -> (i32, i32) {
    %c0_i32 = arith.constant 0 : i32
    %c0_i32_0 = arith.constant 0 : i32
    return %arg0, %c0_i32 : i32, i32
  }
  func.func @transform_1(%arg0: i32) -> (i32, i32) {
    %c0_i32 = arith.constant 0 : i32
    %c0_i32_0 = arith.constant 0 : i32
    %c0_i32_1 = arith.constant 0 : i32
    return %c0_i32, %c0_i32_0 : i32, i32
  }
  func.func @transform_2(%arg0: i32) -> (i32, i32) {
    %c0_i32 = arith.constant 0 : i32
    %c0_i32_0 = arith.constant 0 : i32
    return %arg0, %c0_i32 : i32, i32
  }
  func.func @transform_3(%arg0: i32) -> (i32, i32) {
    %c0_i32 = arith.constant 0 : i32
    %c0_i32_0 = arith.constant 0 : i32
    return %arg0, %c0_i32 : i32, i32
  }
}

module attributes {stable_mosaic.version = 14 : i64} {
  func.func @_edge_body(%arg0: i32, %arg1: memref<1024x256xf32, #tpu.memory_space<vmem>>, %arg2: memref<1024x256xf32, #tpu.memory_space<vmem>>, %arg3: memref<64x128xf32, #tpu.memory_space<vmem>>, %arg4: memref<64x16xf32, #tpu.memory_space<vmem>>, %arg5: memref<128x128xf32, #tpu.memory_space<vmem>>, %arg6: memref<1x128xf32, #tpu.memory_space<vmem>>, %arg7: memref<128x128xf32, #tpu.memory_space<vmem>>, %arg8: memref<1x128xf32, #tpu.memory_space<vmem>>, %arg9: memref<16x128xf32, #tpu.memory_space<vmem>>, %arg10: memref<1x128xf32, #tpu.memory_space<vmem>>, %arg11: memref<128x128xf32, #tpu.memory_space<vmem>>, %arg12: memref<1x128xf32, #tpu.memory_space<vmem>>, %arg13: memref<128x128xf32, #tpu.memory_space<vmem>>, %arg14: memref<1x128xf32, #tpu.memory_space<vmem>>, %arg15: memref<128x128xf32, #tpu.memory_space<vmem>>, %arg16: memref<1x128xf32, #tpu.memory_space<vmem>>, %arg17: memref<64x128xf32, #tpu.memory_space<vmem>>) attributes {dimension_semantics = [#tpu.dimension_semantics<arbitrary>], iteration_bounds = array<i64: 64>, scalar_prefetch = 0 : i64, scratch_operands = 0 : i64, tpu.core_type = #tpu.core_type<tc>, window_params = [{transform_indices = @transform_0, window_bounds = array<i64: 1024, 256>}, {transform_indices = @transform_1, window_bounds = array<i64: 1024, 256>}, {transform_indices = @transform_2, window_bounds = array<i64: 64, 128>}, {transform_indices = @transform_3, window_bounds = array<i64: 64, 16>}, {pipeline_mode = #tpu.pipeline_mode<synchronous>, transform_indices = @transform_4, window_bounds = array<i64: 128, 128>}, {pipeline_mode = #tpu.pipeline_mode<synchronous>, transform_indices = @transform_5, window_bounds = array<i64: 1, 128>}, {pipeline_mode = #tpu.pipeline_mode<synchronous>, transform_indices = @transform_6, window_bounds = array<i64: 128, 128>}, {pipeline_mode = #tpu.pipeline_mode<synchronous>, transform_indices = @transform_7, window_bounds = array<i64: 1, 128>}, {pipeline_mode = #tpu.pipeline_mode<synchronous>, transform_indices = @transform_8, window_bounds = array<i64: 16, 128>}, {pipeline_mode = #tpu.pipeline_mode<synchronous>, transform_indices = @transform_9, window_bounds = array<i64: 1, 128>}, {pipeline_mode = #tpu.pipeline_mode<synchronous>, transform_indices = @transform_10, window_bounds = array<i64: 128, 128>}, {pipeline_mode = #tpu.pipeline_mode<synchronous>, transform_indices = @transform_11, window_bounds = array<i64: 1, 128>}, {pipeline_mode = #tpu.pipeline_mode<synchronous>, transform_indices = @transform_12, window_bounds = array<i64: 128, 128>}, {pipeline_mode = #tpu.pipeline_mode<synchronous>, transform_indices = @transform_13, window_bounds = array<i64: 1, 128>}, {pipeline_mode = #tpu.pipeline_mode<synchronous>, transform_indices = @transform_14, window_bounds = array<i64: 128, 128>}, {pipeline_mode = #tpu.pipeline_mode<synchronous>, transform_indices = @transform_15, window_bounds = array<i64: 1, 128>}, {transform_indices = @transform_16, window_bounds = array<i64: 64, 128>}]} {
    %get3A = arith.constant 0 : index
    %get3A_0 = arith.constant 0 : index
    %get3A_1 = vector.load %arg1[%get3A, %get3A_0] : memref<1024x256xf32, #tpu.memory_space<vmem>>, vector<1024x256xf32>
    %slice3A = vector.extract_strided_slice %get3A_1 {offsets = [0, 0], sizes = [1024, 128], strides = [1, 1]} : vector<1024x256xf32> to vector<1024x128xf32>
    %get3A_2 = arith.constant 0 : index
    %get3A_3 = arith.constant 0 : index
    %get3A_4 = vector.load %arg7[%get3A_2, %get3A_3] : memref<128x128xf32, #tpu.memory_space<vmem>>, vector<128x128xf32>
    %dot_general3A = arith.constant dense<0.000000e+00> : vector<1024x128xf32>
    %dot_general3A_5 = tpu.matmul %slice3A, %get3A_4, %dot_general3A {dimension_numbers = #tpu.dot_dimension_numbers<[1], [0], [0], [1], [0, 0, 1, 1], [], []>, transpose_lhs_hint = false} : vector<1024x128xf32>, vector<128x128xf32>, vector<1024x128xf32> -> vector<1024x128xf32>
    %get3A_6 = arith.constant 0 : index
    %get3A_7 = arith.constant 0 : index
    %get3A_8 = vector.load %arg8[%get3A_6, %get3A_7] : memref<1x128xf32, #tpu.memory_space<vmem>>, vector<1x128xf32>
    %add3A = vector.broadcast %get3A_8 : vector<1x128xf32> to vector<1024x128xf32>
    %add3A_9 = arith.addf %dot_general3A_5, %add3A : vector<1024x128xf32>
    %get3A_10 = arith.constant 0 : index
    %get3A_11 = arith.constant 0 : index
    %get3A_12 = vector.load %arg5[%get3A_10, %get3A_11] : memref<128x128xf32, #tpu.memory_space<vmem>>, vector<128x128xf32>
    %dot_general3A_13 = arith.constant dense<0.000000e+00> : vector<1024x128xf32>
    %dot_general3A_14 = tpu.matmul %slice3A, %get3A_12, %dot_general3A_13 {dimension_numbers = #tpu.dot_dimension_numbers<[1], [0], [0], [1], [0, 0, 1, 1], [], []>, transpose_lhs_hint = false} : vector<1024x128xf32>, vector<128x128xf32>, vector<1024x128xf32> -> vector<1024x128xf32>
    %get3A_15 = arith.constant 0 : index
    %get3A_16 = arith.constant 0 : index
    %get3A_17 = vector.load %arg6[%get3A_15, %get3A_16] : memref<1x128xf32, #tpu.memory_space<vmem>>, vector<1x128xf32>
    %add3A_18 = vector.broadcast %get3A_17 : vector<1x128xf32> to vector<1024x128xf32>
    %add3A_19 = arith.addf %dot_general3A_14, %add3A_18 : vector<1024x128xf32>
    %slice3A_20 = vector.extract_strided_slice %get3A_1 {offsets = [0, 128], sizes = [1024, 16], strides = [1, 1]} : vector<1024x256xf32> to vector<1024x16xf32>
    %get3A_21 = arith.constant 0 : index
    %get3A_22 = arith.constant 0 : index
    %get3A_23 = vector.load %arg4[%get3A_21, %get3A_22] : memref<64x16xf32, #tpu.memory_space<vmem>>, vector<64x16xf32>
    %broadcast_in_dim3A = vector.shape_cast %get3A_23 : vector<64x16xf32> to vector<64x1x16xf32>
    %broadcast_in_dim3A_24 = vector.shape_cast %broadcast_in_dim3A : vector<64x1x16xf32> to vector<64x1x16xf32>
    %broadcast_in_dim3A_25 = vector.broadcast %broadcast_in_dim3A_24 : vector<64x1x16xf32> to vector<64x16x16xf32>
    %reshape3A = vector.shape_cast %broadcast_in_dim3A_25 : vector<64x16x16xf32> to vector<1024x16xf32>
    %sub3A = arith.subf %reshape3A, %slice3A_20 : vector<1024x16xf32>
    %get3A_26 = arith.constant 0 : index
    %get3A_27 = arith.constant 0 : index
    %get3A_28 = vector.load %arg9[%get3A_26, %get3A_27] : memref<16x128xf32, #tpu.memory_space<vmem>>, vector<16x128xf32>
    %dot_general3A_29 = arith.constant dense<0.000000e+00> : vector<1024x128xf32>
    %dot_general3A_30 = tpu.matmul %sub3A, %get3A_28, %dot_general3A_29 {dimension_numbers = #tpu.dot_dimension_numbers<[1], [0], [0], [1], [0, 0, 1, 1], [], []>, transpose_lhs_hint = false} : vector<1024x16xf32>, vector<16x128xf32>, vector<1024x128xf32> -> vector<1024x128xf32>
    %get3A_31 = arith.constant 0 : index
    %get3A_32 = arith.constant 0 : index
    %get3A_33 = vector.load %arg10[%get3A_31, %get3A_32] : memref<1x128xf32, #tpu.memory_space<vmem>>, vector<1x128xf32>
    %add3A_34 = vector.broadcast %get3A_33 : vector<1x128xf32> to vector<1024x128xf32>
    %add3A_35 = arith.addf %dot_general3A_30, %add3A_34 : vector<1024x128xf32>
    %max3A = arith.constant 0.000000e+00 : f32
    %max3A_36 = vector.broadcast %max3A : f32 to vector<1024x128xf32>
    %max3A_37 = arith.maximumf %add3A_35, %max3A_36 : vector<1024x128xf32>
    %get3A_38 = arith.constant 0 : index
    %get3A_39 = arith.constant 0 : index
    %get3A_40 = vector.load %arg11[%get3A_38, %get3A_39] : memref<128x128xf32, #tpu.memory_space<vmem>>, vector<128x128xf32>
    %dot_general3A_41 = arith.constant dense<0.000000e+00> : vector<1024x128xf32>
    %dot_general3A_42 = tpu.matmul %max3A_37, %get3A_40, %dot_general3A_41 {dimension_numbers = #tpu.dot_dimension_numbers<[1], [0], [0], [1], [0, 0, 1, 1], [], []>, transpose_lhs_hint = false} : vector<1024x128xf32>, vector<128x128xf32>, vector<1024x128xf32> -> vector<1024x128xf32>
    %get3A_43 = arith.constant 0 : index
    %get3A_44 = arith.constant 0 : index
    %get3A_45 = vector.load %arg12[%get3A_43, %get3A_44] : memref<1x128xf32, #tpu.memory_space<vmem>>, vector<1x128xf32>
    %add3A_46 = vector.broadcast %get3A_45 : vector<1x128xf32> to vector<1024x128xf32>
    %add3A_47 = arith.addf %dot_general3A_42, %add3A_46 : vector<1024x128xf32>
    %get3A_48 = arith.constant 0 : index
    %get3A_49 = arith.constant 0 : index
    %get3A_50 = vector.load %arg3[%get3A_48, %get3A_49] : memref<64x128xf32, #tpu.memory_space<vmem>>, vector<64x128xf32>
    %broadcast_in_dim3A_51 = vector.shape_cast %get3A_50 : vector<64x128xf32> to vector<64x1x128xf32>
    %broadcast_in_dim3A_52 = vector.shape_cast %broadcast_in_dim3A_51 : vector<64x1x128xf32> to vector<64x1x128xf32>
    %broadcast_in_dim3A_53 = vector.broadcast %broadcast_in_dim3A_52 : vector<64x1x128xf32> to vector<64x16x128xf32>
    %reshape3A_54 = vector.shape_cast %broadcast_in_dim3A_53 : vector<64x16x128xf32> to vector<1024x128xf32>
    %sub3A_55 = arith.subf %reshape3A_54, %add3A_9 : vector<1024x128xf32>
    %add3A_56 = arith.addf %sub3A_55, %add3A_47 : vector<1024x128xf32>
    %get3A_57 = arith.constant 0 : index
    %get3A_58 = arith.constant 0 : index
    %get3A_59 = vector.load %arg13[%get3A_57, %get3A_58] : memref<128x128xf32, #tpu.memory_space<vmem>>, vector<128x128xf32>
    %dot_general3A_60 = arith.constant dense<0.000000e+00> : vector<1024x128xf32>
    %dot_general3A_61 = tpu.matmul %add3A_56, %get3A_59, %dot_general3A_60 {dimension_numbers = #tpu.dot_dimension_numbers<[1], [0], [0], [1], [0, 0, 1, 1], [], []>, transpose_lhs_hint = false} : vector<1024x128xf32>, vector<128x128xf32>, vector<1024x128xf32> -> vector<1024x128xf32>
    %get3A_62 = arith.constant 0 : index
    %get3A_63 = arith.constant 0 : index
    %get3A_64 = vector.load %arg14[%get3A_62, %get3A_63] : memref<1x128xf32, #tpu.memory_space<vmem>>, vector<1x128xf32>
    %add3A_65 = vector.broadcast %get3A_64 : vector<1x128xf32> to vector<1024x128xf32>
    %add3A_66 = arith.addf %dot_general3A_61, %add3A_65 : vector<1024x128xf32>
    %max3A_67 = arith.constant 0.000000e+00 : f32
    %max3A_68 = vector.broadcast %max3A_67 : f32 to vector<1024x128xf32>
    %max3A_69 = arith.maximumf %add3A_66, %max3A_68 : vector<1024x128xf32>
    %get3A_70 = arith.constant 0 : index
    %get3A_71 = arith.constant 0 : index
    %get3A_72 = vector.load %arg15[%get3A_70, %get3A_71] : memref<128x128xf32, #tpu.memory_space<vmem>>, vector<128x128xf32>
    %dot_general3A_73 = arith.constant dense<0.000000e+00> : vector<1024x128xf32>
    %dot_general3A_74 = tpu.matmul %max3A_69, %get3A_72, %dot_general3A_73 {dimension_numbers = #tpu.dot_dimension_numbers<[1], [0], [0], [1], [0, 0, 1, 1], [], []>, transpose_lhs_hint = false} : vector<1024x128xf32>, vector<128x128xf32>, vector<1024x128xf32> -> vector<1024x128xf32>
    %get3A_75 = arith.constant 0 : index
    %get3A_76 = arith.constant 0 : index
    %get3A_77 = vector.load %arg16[%get3A_75, %get3A_76] : memref<1x128xf32, #tpu.memory_space<vmem>>, vector<1x128xf32>
    %add3A_78 = vector.broadcast %get3A_77 : vector<1x128xf32> to vector<1024x128xf32>
    %add3A_79 = arith.addf %dot_general3A_74, %add3A_78 : vector<1024x128xf32>
    %reshape3A_80 = vector.shape_cast %add3A_79 : vector<1024x128xf32> to vector<64x16x128xf32>
    %add3A_81 = arith.addf %add3A_19, %add3A_47 : vector<1024x128xf32>
    %reshape3A_82 = vector.shape_cast %add3A_81 : vector<1024x128xf32> to vector<64x16x128xf32>
    %get3A_83 = arith.constant 0 : index
    %get3A_84 = arith.constant 0 : index
    %get3A_85 = vector.load %arg2[%get3A_83, %get3A_84] : memref<1024x256xf32, #tpu.memory_space<vmem>>, vector<1024x256xf32>
    %slice3A_86 = vector.extract_strided_slice %get3A_85 {offsets = [0, 0], sizes = [1024, 128], strides = [1, 1]} : vector<1024x256xf32> to vector<1024x128xf32>
    %get3A_87 = arith.constant 0 : index
    %get3A_88 = arith.constant 0 : index
    %get3A_89 = vector.load %arg7[%get3A_87, %get3A_88] : memref<128x128xf32, #tpu.memory_space<vmem>>, vector<128x128xf32>
    %dot_general3A_90 = arith.constant dense<0.000000e+00> : vector<1024x128xf32>
    %dot_general3A_91 = tpu.matmul %slice3A_86, %get3A_89, %dot_general3A_90 {dimension_numbers = #tpu.dot_dimension_numbers<[1], [0], [0], [1], [0, 0, 1, 1], [], []>, transpose_lhs_hint = false} : vector<1024x128xf32>, vector<128x128xf32>, vector<1024x128xf32> -> vector<1024x128xf32>
    %get3A_92 = arith.constant 0 : index
    %get3A_93 = arith.constant 0 : index
    %get3A_94 = vector.load %arg8[%get3A_92, %get3A_93] : memref<1x128xf32, #tpu.memory_space<vmem>>, vector<1x128xf32>
    %add3A_95 = vector.broadcast %get3A_94 : vector<1x128xf32> to vector<1024x128xf32>
    %add3A_96 = arith.addf %dot_general3A_91, %add3A_95 : vector<1024x128xf32>
    %get3A_97 = arith.constant 0 : index
    %get3A_98 = arith.constant 0 : index
    %get3A_99 = vector.load %arg5[%get3A_97, %get3A_98] : memref<128x128xf32, #tpu.memory_space<vmem>>, vector<128x128xf32>
    %dot_general3A_100 = arith.constant dense<0.000000e+00> : vector<1024x128xf32>
    %dot_general3A_101 = tpu.matmul %slice3A_86, %get3A_99, %dot_general3A_100 {dimension_numbers = #tpu.dot_dimension_numbers<[1], [0], [0], [1], [0, 0, 1, 1], [], []>, transpose_lhs_hint = false} : vector<1024x128xf32>, vector<128x128xf32>, vector<1024x128xf32> -> vector<1024x128xf32>
    %get3A_102 = arith.constant 0 : index
    %get3A_103 = arith.constant 0 : index
    %get3A_104 = vector.load %arg6[%get3A_102, %get3A_103] : memref<1x128xf32, #tpu.memory_space<vmem>>, vector<1x128xf32>
    %add3A_105 = vector.broadcast %get3A_104 : vector<1x128xf32> to vector<1024x128xf32>
    %add3A_106 = arith.addf %dot_general3A_101, %add3A_105 : vector<1024x128xf32>
    %slice3A_107 = vector.extract_strided_slice %get3A_85 {offsets = [0, 128], sizes = [1024, 16], strides = [1, 1]} : vector<1024x256xf32> to vector<1024x16xf32>
    %get3A_108 = arith.constant 0 : index
    %get3A_109 = arith.constant 0 : index
    %get3A_110 = vector.load %arg4[%get3A_108, %get3A_109] : memref<64x16xf32, #tpu.memory_space<vmem>>, vector<64x16xf32>
    %broadcast_in_dim3A_111 = vector.shape_cast %get3A_110 : vector<64x16xf32> to vector<64x1x16xf32>
    %broadcast_in_dim3A_112 = vector.shape_cast %broadcast_in_dim3A_111 : vector<64x1x16xf32> to vector<64x1x16xf32>
    %broadcast_in_dim3A_113 = vector.broadcast %broadcast_in_dim3A_112 : vector<64x1x16xf32> to vector<64x16x16xf32>
    %reshape3A_114 = vector.shape_cast %broadcast_in_dim3A_113 : vector<64x16x16xf32> to vector<1024x16xf32>
    %sub3A_115 = arith.subf %reshape3A_114, %slice3A_107 : vector<1024x16xf32>
    %get3A_116 = arith.constant 0 : index
    %get3A_117 = arith.constant 0 : index
    %get3A_118 = vector.load %arg9[%get3A_116, %get3A_117] : memref<16x128xf32, #tpu.memory_space<vmem>>, vector<16x128xf32>
    %dot_general3A_119 = arith.constant dense<0.000000e+00> : vector<1024x128xf32>
    %dot_general3A_120 = tpu.matmul %sub3A_115, %get3A_118, %dot_general3A_119 {dimension_numbers = #tpu.dot_dimension_numbers<[1], [0], [0], [1], [0, 0, 1, 1], [], []>, transpose_lhs_hint = false} : vector<1024x16xf32>, vector<16x128xf32>, vector<1024x128xf32> -> vector<1024x128xf32>
    %get3A_121 = arith.constant 0 : index
    %get3A_122 = arith.constant 0 : index
    %get3A_123 = vector.load %arg10[%get3A_121, %get3A_122] : memref<1x128xf32, #tpu.memory_space<vmem>>, vector<1x128xf32>
    %add3A_124 = vector.broadcast %get3A_123 : vector<1x128xf32> to vector<1024x128xf32>
    %add3A_125 = arith.addf %dot_general3A_120, %add3A_124 : vector<1024x128xf32>
    %max3A_126 = arith.constant 0.000000e+00 : f32
    %max3A_127 = vector.broadcast %max3A_126 : f32 to vector<1024x128xf32>
    %max3A_128 = arith.maximumf %add3A_125, %max3A_127 : vector<1024x128xf32>
    %get3A_129 = arith.constant 0 : index
    %get3A_130 = arith.constant 0 : index
    %get3A_131 = vector.load %arg11[%get3A_129, %get3A_130] : memref<128x128xf32, #tpu.memory_space<vmem>>, vector<128x128xf32>
    %dot_general3A_132 = arith.constant dense<0.000000e+00> : vector<1024x128xf32>
    %dot_general3A_133 = tpu.matmul %max3A_128, %get3A_131, %dot_general3A_132 {dimension_numbers = #tpu.dot_dimension_numbers<[1], [0], [0], [1], [0, 0, 1, 1], [], []>, transpose_lhs_hint = false} : vector<1024x128xf32>, vector<128x128xf32>, vector<1024x128xf32> -> vector<1024x128xf32>
    %get3A_134 = arith.constant 0 : index
    %get3A_135 = arith.constant 0 : index
    %get3A_136 = vector.load %arg12[%get3A_134, %get3A_135] : memref<1x128xf32, #tpu.memory_space<vmem>>, vector<1x128xf32>
    %add3A_137 = vector.broadcast %get3A_136 : vector<1x128xf32> to vector<1024x128xf32>
    %add3A_138 = arith.addf %dot_general3A_133, %add3A_137 : vector<1024x128xf32>
    %get3A_139 = arith.constant 0 : index
    %get3A_140 = arith.constant 0 : index
    %get3A_141 = vector.load %arg3[%get3A_139, %get3A_140] : memref<64x128xf32, #tpu.memory_space<vmem>>, vector<64x128xf32>
    %broadcast_in_dim3A_142 = vector.shape_cast %get3A_141 : vector<64x128xf32> to vector<64x1x128xf32>
    %broadcast_in_dim3A_143 = vector.shape_cast %broadcast_in_dim3A_142 : vector<64x1x128xf32> to vector<64x1x128xf32>
    %broadcast_in_dim3A_144 = vector.broadcast %broadcast_in_dim3A_143 : vector<64x1x128xf32> to vector<64x16x128xf32>
    %reshape3A_145 = vector.shape_cast %broadcast_in_dim3A_144 : vector<64x16x128xf32> to vector<1024x128xf32>
    %sub3A_146 = arith.subf %reshape3A_145, %add3A_96 : vector<1024x128xf32>
    %add3A_147 = arith.addf %sub3A_146, %add3A_138 : vector<1024x128xf32>
    %get3A_148 = arith.constant 0 : index
    %get3A_149 = arith.constant 0 : index
    %get3A_150 = vector.load %arg13[%get3A_148, %get3A_149] : memref<128x128xf32, #tpu.memory_space<vmem>>, vector<128x128xf32>
    %dot_general3A_151 = arith.constant dense<0.000000e+00> : vector<1024x128xf32>
    %dot_general3A_152 = tpu.matmul %add3A_147, %get3A_150, %dot_general3A_151 {dimension_numbers = #tpu.dot_dimension_numbers<[1], [0], [0], [1], [0, 0, 1, 1], [], []>, transpose_lhs_hint = false} : vector<1024x128xf32>, vector<128x128xf32>, vector<1024x128xf32> -> vector<1024x128xf32>
    %get3A_153 = arith.constant 0 : index
    %get3A_154 = arith.constant 0 : index
    %get3A_155 = vector.load %arg14[%get3A_153, %get3A_154] : memref<1x128xf32, #tpu.memory_space<vmem>>, vector<1x128xf32>
    %add3A_156 = vector.broadcast %get3A_155 : vector<1x128xf32> to vector<1024x128xf32>
    %add3A_157 = arith.addf %dot_general3A_152, %add3A_156 : vector<1024x128xf32>
    %max3A_158 = arith.constant 0.000000e+00 : f32
    %max3A_159 = vector.broadcast %max3A_158 : f32 to vector<1024x128xf32>
    %max3A_160 = arith.maximumf %add3A_157, %max3A_159 : vector<1024x128xf32>
    %get3A_161 = arith.constant 0 : index
    %get3A_162 = arith.constant 0 : index
    %get3A_163 = vector.load %arg15[%get3A_161, %get3A_162] : memref<128x128xf32, #tpu.memory_space<vmem>>, vector<128x128xf32>
    %dot_general3A_164 = arith.constant dense<0.000000e+00> : vector<1024x128xf32>
    %dot_general3A_165 = tpu.matmul %max3A_160, %get3A_163, %dot_general3A_164 {dimension_numbers = #tpu.dot_dimension_numbers<[1], [0], [0], [1], [0, 0, 1, 1], [], []>, transpose_lhs_hint = false} : vector<1024x128xf32>, vector<128x128xf32>, vector<1024x128xf32> -> vector<1024x128xf32>
    %get3A_166 = arith.constant 0 : index
    %get3A_167 = arith.constant 0 : index
    %get3A_168 = vector.load %arg16[%get3A_166, %get3A_167] : memref<1x128xf32, #tpu.memory_space<vmem>>, vector<1x128xf32>
    %add3A_169 = vector.broadcast %get3A_168 : vector<1x128xf32> to vector<1024x128xf32>
    %add3A_170 = arith.addf %dot_general3A_165, %add3A_169 : vector<1024x128xf32>
    %reshape3A_171 = vector.shape_cast %add3A_170 : vector<1024x128xf32> to vector<64x16x128xf32>
    %add3A_172 = arith.addf %add3A_106, %add3A_138 : vector<1024x128xf32>
    %reshape3A_173 = vector.shape_cast %add3A_172 : vector<1024x128xf32> to vector<64x16x128xf32>
    %reduce_max3A = arith.constant dense<0xFF800000> : vector<64x128xf32>
    %reduce_max3A_174 = vector.multi_reduction <maximumf>, %reshape3A_80, %reduce_max3A [1] : vector<64x16x128xf32> to vector<64x128xf32>
    %broadcast_in_dim3A_175 = vector.shape_cast %reduce_max3A_174 : vector<64x128xf32> to vector<64x1x128xf32>
    %reduce_max3A_176 = arith.constant dense<0xFF800000> : vector<64x128xf32>
    %reduce_max3A_177 = vector.multi_reduction <maximumf>, %reshape3A_171, %reduce_max3A_176 [1] : vector<64x16x128xf32> to vector<64x128xf32>
    %broadcast_in_dim3A_178 = vector.shape_cast %reduce_max3A_177 : vector<64x128xf32> to vector<64x1x128xf32>
    %max3A_179 = arith.maximumf %broadcast_in_dim3A_175, %broadcast_in_dim3A_178 : vector<64x1x128xf32>
    %sub3A_180 = vector.broadcast %max3A_179 : vector<64x1x128xf32> to vector<64x16x128xf32>
    %sub3A_181 = arith.subf %reshape3A_80, %sub3A_180 : vector<64x16x128xf32>
    %exp3A = math.exp %sub3A_181 : vector<64x16x128xf32>
    %sub3A_182 = vector.broadcast %max3A_179 : vector<64x1x128xf32> to vector<64x16x128xf32>
    %sub3A_183 = arith.subf %reshape3A_171, %sub3A_182 : vector<64x16x128xf32>
    %exp3A_184 = math.exp %sub3A_183 : vector<64x16x128xf32>
    %reduce_sum3A = arith.constant dense<0.000000e+00> : vector<64x128xf32>
    %reduce_sum3A_185 = vector.multi_reduction <add>, %exp3A, %reduce_sum3A [1] : vector<64x16x128xf32> to vector<64x128xf32>
    %broadcast_in_dim3A_186 = vector.shape_cast %reduce_sum3A_185 : vector<64x128xf32> to vector<64x1x128xf32>
    %reduce_sum3A_187 = arith.constant dense<0.000000e+00> : vector<64x128xf32>
    %reduce_sum3A_188 = vector.multi_reduction <add>, %exp3A_184, %reduce_sum3A_187 [1] : vector<64x16x128xf32> to vector<64x128xf32>
    %broadcast_in_dim3A_189 = vector.shape_cast %reduce_sum3A_188 : vector<64x128xf32> to vector<64x1x128xf32>
    %add3A_190 = arith.addf %broadcast_in_dim3A_186, %broadcast_in_dim3A_189 : vector<64x1x128xf32>
    %add3A_191 = arith.constant 1.000000e-16 : f32
    %add3A_192 = vector.broadcast %add3A_191 : f32 to vector<64x1x128xf32>
    %add3A_193 = arith.addf %add3A_190, %add3A_192 : vector<64x1x128xf32>
    %mul3A = arith.mulf %exp3A, %reshape3A_82 : vector<64x16x128xf32>
    %reduce_sum3A_194 = arith.constant dense<0.000000e+00> : vector<64x128xf32>
    %reduce_sum3A_195 = vector.multi_reduction <add>, %mul3A, %reduce_sum3A_194 [1] : vector<64x16x128xf32> to vector<64x128xf32>
    %mul3A_196 = arith.mulf %exp3A_184, %reshape3A_173 : vector<64x16x128xf32>
    %reduce_sum3A_197 = arith.constant dense<0.000000e+00> : vector<64x128xf32>
    %reduce_sum3A_198 = vector.multi_reduction <add>, %mul3A_196, %reduce_sum3A_197 [1] : vector<64x16x128xf32> to vector<64x128xf32>
    %add3A_199 = arith.addf %reduce_sum3A_195, %reduce_sum3A_198 : vector<64x128xf32>
    %squeeze3A = vector.shape_cast %add3A_193 : vector<64x1x128xf32> to vector<64x128xf32>
    %div3A = arith.divf %add3A_199, %squeeze3A : vector<64x128xf32>
    %swap3A = arith.constant 0 : index
    %swap3A_200 = arith.constant 0 : index
    %swap3A_201 = vector.load %arg17[%swap3A, %swap3A_200] : memref<64x128xf32, #tpu.memory_space<vmem>>, vector<64x128xf32>
    tpu.vector_store %arg17[%swap3A, %swap3A_200], %div3A {strides = array<i32>} : memref<64x128xf32, #tpu.memory_space<vmem>>, vector<64x128xf32>,
    return
  }
  func.func @transform_0(%arg0: i32) -> (i32, i32) {
    %c0_i32 = arith.constant 0 : i32
    %c0_i32_0 = arith.constant 0 : i32
    return %arg0, %c0_i32 : i32, i32
  }
  func.func @transform_1(%arg0: i32) -> (i32, i32) {
    %c0_i32 = arith.constant 0 : i32
    %c0_i32_0 = arith.constant 0 : i32
    return %arg0, %c0_i32 : i32, i32
  }
  func.func @transform_2(%arg0: i32) -> (i32, i32) {
    %c0_i32 = arith.constant 0 : i32
    %c0_i32_0 = arith.constant 0 : i32
    return %arg0, %c0_i32 : i32, i32
  }
  func.func @transform_3(%arg0: i32) -> (i32, i32) {
    %c0_i32 = arith.constant 0 : i32
    %c0_i32_0 = arith.constant 0 : i32
    return %arg0, %c0_i32 : i32, i32
  }
  func.func @transform_4(%arg0: i32) -> (i32, i32) {
    %c0_i32 = arith.constant 0 : i32
    %c0_i32_0 = arith.constant 0 : i32
    %c0_i32_1 = arith.constant 0 : i32
    return %c0_i32, %c0_i32_0 : i32, i32
  }
  func.func @transform_5(%arg0: i32) -> (i32, i32) {
    %c0_i32 = arith.constant 0 : i32
    %c0_i32_0 = arith.constant 0 : i32
    %c0_i32_1 = arith.constant 0 : i32
    return %c0_i32, %c0_i32_0 : i32, i32
  }
  func.func @transform_6(%arg0: i32) -> (i32, i32) {
    %c0_i32 = arith.constant 0 : i32
    %c0_i32_0 = arith.constant 0 : i32
    %c0_i32_1 = arith.constant 0 : i32
    return %c0_i32, %c0_i32_0 : i32, i32
  }
  func.func @transform_7(%arg0: i32) -> (i32, i32) {
    %c0_i32 = arith.constant 0 : i32
    %c0_i32_0 = arith.constant 0 : i32
    %c0_i32_1 = arith.constant 0 : i32
    return %c0_i32, %c0_i32_0 : i32, i32
  }
  func.func @transform_8(%arg0: i32) -> (i32, i32) {
    %c0_i32 = arith.constant 0 : i32
    %c0_i32_0 = arith.constant 0 : i32
    %c0_i32_1 = arith.constant 0 : i32
    return %c0_i32, %c0_i32_0 : i32, i32
  }
  func.func @transform_9(%arg0: i32) -> (i32, i32) {
    %c0_i32 = arith.constant 0 : i32
    %c0_i32_0 = arith.constant 0 : i32
    %c0_i32_1 = arith.constant 0 : i32
    return %c0_i32, %c0_i32_0 : i32, i32
  }
  func.func @transform_10(%arg0: i32) -> (i32, i32) {
    %c0_i32 = arith.constant 0 : i32
    %c0_i32_0 = arith.constant 0 : i32
    %c0_i32_1 = arith.constant 0 : i32
    return %c0_i32, %c0_i32_0 : i32, i32
  }
  func.func @transform_11(%arg0: i32) -> (i32, i32) {
    %c0_i32 = arith.constant 0 : i32
    %c0_i32_0 = arith.constant 0 : i32
    %c0_i32_1 = arith.constant 0 : i32
    return %c0_i32, %c0_i32_0 : i32, i32
  }
  func.func @transform_12(%arg0: i32) -> (i32, i32) {
    %c0_i32 = arith.constant 0 : i32
    %c0_i32_0 = arith.constant 0 : i32
    %c0_i32_1 = arith.constant 0 : i32
    return %c0_i32, %c0_i32_0 : i32, i32
  }
  func.func @transform_13(%arg0: i32) -> (i32, i32) {
    %c0_i32 = arith.constant 0 : i32
    %c0_i32_0 = arith.constant 0 : i32
    %c0_i32_1 = arith.constant 0 : i32
    return %c0_i32, %c0_i32_0 : i32, i32
  }
  func.func @transform_14(%arg0: i32) -> (i32, i32) {
    %c0_i32 = arith.constant 0 : i32
    %c0_i32_0 = arith.constant 0 : i32
    %c0_i32_1 = arith.constant 0 : i32
    return %c0_i32, %c0_i32_0 : i32, i32
  }
  func.func @transform_15(%arg0: i32) -> (i32, i32) {
    %c0_i32 = arith.constant 0 : i32
    %c0_i32_0 = arith.constant 0 : i32
    %c0_i32_1 = arith.constant 0 : i32
    return %c0_i32, %c0_i32_0 : i32, i32
  }
  func.func @transform_16(%arg0: i32) -> (i32, i32) {
    %c0_i32 = arith.constant 0 : i32
    %c0_i32_0 = arith.constant 0 : i32
    return %arg0, %c0_i32 : i32, i32
  }
}

module attributes {stable_mosaic.version = 14 : i64} {
  func.func @_down_body(%arg0: i32, %arg1: memref<512x128xf32, #tpu.memory_space<vmem>>, %arg2: memref<128x128xf32, #tpu.memory_space<vmem>>, %arg3: memref<1x128xf32, #tpu.memory_space<vmem>>, %arg4: memref<512x128xf32, #tpu.memory_space<vmem>>, %arg5: memref<1x128xf32, #tpu.memory_space<vmem>>, %arg6: memref<1x128xf32, #tpu.memory_space<vmem>>) attributes {dimension_semantics = [#tpu.dimension_semantics<arbitrary>], iteration_bounds = array<i64: 8>, scalar_prefetch = 0 : i64, scratch_operands = 1 : i64, tpu.core_type = #tpu.core_type<tc>, window_params = [{transform_indices = @transform_0, window_bounds = array<i64: 512, 128>}, {pipeline_mode = #tpu.pipeline_mode<synchronous>, transform_indices = @transform_1, window_bounds = array<i64: 128, 128>}, {pipeline_mode = #tpu.pipeline_mode<synchronous>, transform_indices = @transform_2, window_bounds = array<i64: 1, 128>}, {transform_indices = @transform_3, window_bounds = array<i64: 512, 128>}, {pipeline_mode = #tpu.pipeline_mode<synchronous>, transform_indices = @transform_4, window_bounds = array<i64: 1, 128>}]} {
    %eq3A = arith.constant 0 : i32
    %eq3A_0 = arith.cmpi eq, %arg0, %eq3A : i32
    %convert_element_type3A = arith.extui %eq3A_0 : i1 to i32
    %cond3A = arith.constant 0 : i32
    %cond3A_1 = arith.cmpi ne, %convert_element_type3A, %cond3A : i32
    scf.if %cond3A_1 {
      %broadcast_in_dim3A_27 = arith.constant 0.000000e+00 : f32
      %broadcast_in_dim3A_28 = vector.broadcast %broadcast_in_dim3A_27 : f32 to vector<1x128xf32>
      %swap3A_29 = arith.constant 0 : index
      %swap3A_30 = arith.constant 0 : index
      %swap3A_31 = vector.load %arg6[%swap3A_29, %swap3A_30] : memref<1x128xf32, #tpu.memory_space<vmem>>, vector<1x128xf32>
      tpu.vector_store %arg6[%swap3A_29, %swap3A_30], %broadcast_in_dim3A_28 {strides = array<i32>} : memref<1x128xf32, #tpu.memory_space<vmem>>, vector<1x128xf32>,
    } else {
    }
    %get3A = arith.constant 0 : index
    %get3A_2 = arith.constant 0 : index
    %get3A_3 = vector.load %arg1[%get3A, %get3A_2] : memref<512x128xf32, #tpu.memory_space<vmem>>, vector<512x128xf32>
    %get3A_4 = arith.constant 0 : index
    %get3A_5 = arith.constant 0 : index
    %get3A_6 = vector.load %arg2[%get3A_4, %get3A_5] : memref<128x128xf32, #tpu.memory_space<vmem>>, vector<128x128xf32>
    %dot_general3A = arith.constant dense<0.000000e+00> : vector<512x128xf32>
    %dot_general3A_7 = tpu.matmul %get3A_3, %get3A_6, %dot_general3A {dimension_numbers = #tpu.dot_dimension_numbers<[1], [0], [0], [1], [0, 0, 1, 1], [], []>, transpose_lhs_hint = false} : vector<512x128xf32>, vector<128x128xf32>, vector<512x128xf32> -> vector<512x128xf32>
    %get3A_8 = arith.constant 0 : index
    %get3A_9 = arith.constant 0 : index
    %get3A_10 = vector.load %arg3[%get3A_8, %get3A_9] : memref<1x128xf32, #tpu.memory_space<vmem>>, vector<1x128xf32>
    %add3A = vector.broadcast %get3A_10 : vector<1x128xf32> to vector<512x128xf32>
    %add3A_11 = arith.addf %dot_general3A_7, %add3A : vector<512x128xf32>
    %swap3A = arith.constant 0 : index
    %swap3A_12 = arith.constant 0 : index
    %swap3A_13 = vector.load %arg4[%swap3A, %swap3A_12] : memref<512x128xf32, #tpu.memory_space<vmem>>, vector<512x128xf32>
    tpu.vector_store %arg4[%swap3A, %swap3A_12], %add3A_11 {strides = array<i32>} : memref<512x128xf32, #tpu.memory_space<vmem>>, vector<512x128xf32>,
    %get3A_14 = arith.constant 0 : index
    %get3A_15 = arith.constant 0 : index
    %get3A_16 = vector.load %arg6[%get3A_14, %get3A_15] : memref<1x128xf32, #tpu.memory_space<vmem>>, vector<1x128xf32>
    %reduce_sum3A = arith.constant dense<0.000000e+00> : vector<128xf32>
    %reduce_sum3A_17 = vector.multi_reduction <add>, %add3A_11, %reduce_sum3A [0] : vector<512x128xf32> to vector<128xf32>
    %broadcast_in_dim3A = vector.shape_cast %reduce_sum3A_17 : vector<128xf32> to vector<1x128xf32>
    %add3A_18 = arith.addf %get3A_16, %broadcast_in_dim3A : vector<1x128xf32>
    %swap3A_19 = arith.constant 0 : index
    %swap3A_20 = arith.constant 0 : index
    %swap3A_21 = vector.load %arg6[%swap3A_19, %swap3A_20] : memref<1x128xf32, #tpu.memory_space<vmem>>, vector<1x128xf32>
    tpu.vector_store %arg6[%swap3A_19, %swap3A_20], %add3A_18 {strides = array<i32>} : memref<1x128xf32, #tpu.memory_space<vmem>>, vector<1x128xf32>,
    %eq3A_22 = arith.constant 7 : i32
    %eq3A_23 = arith.cmpi eq, %arg0, %eq3A_22 : i32
    %convert_element_type3A_24 = arith.extui %eq3A_23 : i1 to i32
    %cond3A_25 = arith.constant 0 : i32
    %cond3A_26 = arith.cmpi ne, %convert_element_type3A_24, %cond3A_25 : i32
    scf.if %cond3A_26 {
      %get3A_27 = arith.constant 0 : index
      %get3A_28 = arith.constant 0 : index
      %get3A_29 = vector.load %arg6[%get3A_27, %get3A_28] : memref<1x128xf32, #tpu.memory_space<vmem>>, vector<1x128xf32>
      %div3A = arith.constant 4.096000e+03 : f32
      %div3A_30 = vector.broadcast %div3A : f32 to vector<1x128xf32>
      %div3A_31 = arith.divf %get3A_29, %div3A_30 : vector<1x128xf32>
      %swap3A_32 = arith.constant 0 : index
      %swap3A_33 = arith.constant 0 : index
      %swap3A_34 = vector.load %arg5[%swap3A_32, %swap3A_33] : memref<1x128xf32, #tpu.memory_space<vmem>>, vector<1x128xf32>
      tpu.vector_store %arg5[%swap3A_32, %swap3A_33], %div3A_31 {strides = array<i32>} : memref<1x128xf32, #tpu.memory_space<vmem>>, vector<1x128xf32>,
    } else {
    }
    return
  }
  func.func @transform_0(%arg0: i32) -> (i32, i32) {
    %c0_i32 = arith.constant 0 : i32
    %c0_i32_0 = arith.constant 0 : i32
    return %arg0, %c0_i32 : i32, i32
  }
  func.func @transform_1(%arg0: i32) -> (i32, i32) {
    %c0_i32 = arith.constant 0 : i32
    %c0_i32_0 = arith.constant 0 : i32
    %c0_i32_1 = arith.constant 0 : i32
    return %c0_i32, %c0_i32_0 : i32, i32
  }
  func.func @transform_2(%arg0: i32) -> (i32, i32) {
    %c0_i32 = arith.constant 0 : i32
    %c0_i32_0 = arith.constant 0 : i32
    %c0_i32_1 = arith.constant 0 : i32
    return %c0_i32, %c0_i32_0 : i32, i32
  }
  func.func @transform_3(%arg0: i32) -> (i32, i32) {
    %c0_i32 = arith.constant 0 : i32
    %c0_i32_0 = arith.constant 0 : i32
    return %arg0, %c0_i32 : i32, i32
  }
  func.func @transform_4(%arg0: i32) -> (i32, i32) {
    %c0_i32 = arith.constant 0 : i32
    %c0_i32_0 = arith.constant 0 : i32
    %c0_i32_1 = arith.constant 0 : i32
    return %c0_i32, %c0_i32_0 : i32, i32
  }
}

module attributes {stable_mosaic.version = 14 : i64} {
  func.func @_var_body(%arg0: i32, %arg1: memref<512x128xf32, #tpu.memory_space<vmem>>, %arg2: memref<1x128xf32, #tpu.memory_space<vmem>>, %arg3: memref<1x128xf32, #tpu.memory_space<vmem>>, %arg4: memref<1x128xf32, #tpu.memory_space<vmem>>) attributes {dimension_semantics = [#tpu.dimension_semantics<arbitrary>], iteration_bounds = array<i64: 8>, scalar_prefetch = 0 : i64, scratch_operands = 1 : i64, tpu.core_type = #tpu.core_type<tc>, window_params = [{transform_indices = @transform_0, window_bounds = array<i64: 512, 128>}, {pipeline_mode = #tpu.pipeline_mode<synchronous>, transform_indices = @transform_1, window_bounds = array<i64: 1, 128>}, {pipeline_mode = #tpu.pipeline_mode<synchronous>, transform_indices = @transform_2, window_bounds = array<i64: 1, 128>}]} {
    %eq3A = arith.constant 0 : i32
    %eq3A_0 = arith.cmpi eq, %arg0, %eq3A : i32
    %convert_element_type3A = arith.extui %eq3A_0 : i1 to i32
    %cond3A = arith.constant 0 : i32
    %cond3A_1 = arith.cmpi ne, %convert_element_type3A, %cond3A : i32
    scf.if %cond3A_1 {
      %broadcast_in_dim3A_19 = arith.constant 0.000000e+00 : f32
      %broadcast_in_dim3A_20 = vector.broadcast %broadcast_in_dim3A_19 : f32 to vector<1x128xf32>
      %swap3A_21 = arith.constant 0 : index
      %swap3A_22 = arith.constant 0 : index
      %swap3A_23 = vector.load %arg4[%swap3A_21, %swap3A_22] : memref<1x128xf32, #tpu.memory_space<vmem>>, vector<1x128xf32>
      tpu.vector_store %arg4[%swap3A_21, %swap3A_22], %broadcast_in_dim3A_20 {strides = array<i32>} : memref<1x128xf32, #tpu.memory_space<vmem>>, vector<1x128xf32>,
    } else {
    }
    %get3A = arith.constant 0 : index
    %get3A_2 = arith.constant 0 : index
    %get3A_3 = vector.load %arg1[%get3A, %get3A_2] : memref<512x128xf32, #tpu.memory_space<vmem>>, vector<512x128xf32>
    %get3A_4 = arith.constant 0 : index
    %get3A_5 = arith.constant 0 : index
    %get3A_6 = vector.load %arg2[%get3A_4, %get3A_5] : memref<1x128xf32, #tpu.memory_space<vmem>>, vector<1x128xf32>
    %sub3A = vector.broadcast %get3A_6 : vector<1x128xf32> to vector<512x128xf32>
    %sub3A_7 = arith.subf %get3A_3, %sub3A : vector<512x128xf32>
    %get3A_8 = arith.constant 0 : index
    %get3A_9 = arith.constant 0 : index
    %get3A_10 = vector.load %arg4[%get3A_8, %get3A_9] : memref<1x128xf32, #tpu.memory_space<vmem>>, vector<1x128xf32>
    %mul3A = arith.mulf %sub3A_7, %sub3A_7 : vector<512x128xf32>
    %reduce_sum3A = arith.constant dense<0.000000e+00> : vector<128xf32>
    %reduce_sum3A_11 = vector.multi_reduction <add>, %mul3A, %reduce_sum3A [0] : vector<512x128xf32> to vector<128xf32>
    %broadcast_in_dim3A = vector.shape_cast %reduce_sum3A_11 : vector<128xf32> to vector<1x128xf32>
    %add3A = arith.addf %get3A_10, %broadcast_in_dim3A : vector<1x128xf32>
    %swap3A = arith.constant 0 : index
    %swap3A_12 = arith.constant 0 : index
    %swap3A_13 = vector.load %arg4[%swap3A, %swap3A_12] : memref<1x128xf32, #tpu.memory_space<vmem>>, vector<1x128xf32>
    tpu.vector_store %arg4[%swap3A, %swap3A_12], %add3A {strides = array<i32>} : memref<1x128xf32, #tpu.memory_space<vmem>>, vector<1x128xf32>,
    %eq3A_14 = arith.constant 7 : i32
    %eq3A_15 = arith.cmpi eq, %arg0, %eq3A_14 : i32
    %convert_element_type3A_16 = arith.extui %eq3A_15 : i1 to i32
    %cond3A_17 = arith.constant 0 : i32
    %cond3A_18 = arith.cmpi ne, %convert_element_type3A_16, %cond3A_17 : i32
    scf.if %cond3A_18 {
      %get3A_19 = arith.constant 0 : index
      %get3A_20 = arith.constant 0 : index
      %get3A_21 = vector.load %arg4[%get3A_19, %get3A_20] : memref<1x128xf32, #tpu.memory_space<vmem>>, vector<1x128xf32>
      %div3A = arith.constant 4.096000e+03 : f32
      %div3A_22 = vector.broadcast %div3A : f32 to vector<1x128xf32>
      %div3A_23 = arith.divf %get3A_21, %div3A_22 : vector<1x128xf32>
      %swap3A_24 = arith.constant 0 : index
      %swap3A_25 = arith.constant 0 : index
      %swap3A_26 = vector.load %arg3[%swap3A_24, %swap3A_25] : memref<1x128xf32, #tpu.memory_space<vmem>>, vector<1x128xf32>
      tpu.vector_store %arg3[%swap3A_24, %swap3A_25], %div3A_23 {strides = array<i32>} : memref<1x128xf32, #tpu.memory_space<vmem>>, vector<1x128xf32>,
    } else {
    }
    return
  }
  func.func @transform_0(%arg0: i32) -> (i32, i32) {
    %c0_i32 = arith.constant 0 : i32
    %c0_i32_0 = arith.constant 0 : i32
    return %arg0, %c0_i32 : i32, i32
  }
  func.func @transform_1(%arg0: i32) -> (i32, i32) {
    %c0_i32 = arith.constant 0 : i32
    %c0_i32_0 = arith.constant 0 : i32
    %c0_i32_1 = arith.constant 0 : i32
    return %c0_i32, %c0_i32_0 : i32, i32
  }
  func.func @transform_2(%arg0: i32) -> (i32, i32) {
    %c0_i32 = arith.constant 0 : i32
    %c0_i32_0 = arith.constant 0 : i32
    %c0_i32_1 = arith.constant 0 : i32
    return %c0_i32, %c0_i32_0 : i32, i32
  }
}

module attributes {stable_mosaic.version = 14 : i64} {
  func.func @_norm_body(%arg0: i32, %arg1: memref<512x128xf32, #tpu.memory_space<vmem>>, %arg2: memref<1x128xf32, #tpu.memory_space<vmem>>, %arg3: memref<1x128xf32, #tpu.memory_space<vmem>>, %arg4: memref<1x128xf32, #tpu.memory_space<vmem>>, %arg5: memref<1x128xf32, #tpu.memory_space<vmem>>, %arg6: memref<512x128xf32, #tpu.memory_space<vmem>>) attributes {dimension_semantics = [#tpu.dimension_semantics<arbitrary>], iteration_bounds = array<i64: 8>, scalar_prefetch = 0 : i64, scratch_operands = 0 : i64, tpu.core_type = #tpu.core_type<tc>, window_params = [{transform_indices = @transform_0, window_bounds = array<i64: 512, 128>}, {pipeline_mode = #tpu.pipeline_mode<synchronous>, transform_indices = @transform_1, window_bounds = array<i64: 1, 128>}, {pipeline_mode = #tpu.pipeline_mode<synchronous>, transform_indices = @transform_2, window_bounds = array<i64: 1, 128>}, {pipeline_mode = #tpu.pipeline_mode<synchronous>, transform_indices = @transform_3, window_bounds = array<i64: 1, 128>}, {pipeline_mode = #tpu.pipeline_mode<synchronous>, transform_indices = @transform_4, window_bounds = array<i64: 1, 128>}, {transform_indices = @transform_5, window_bounds = array<i64: 512, 128>}]} {
    %get3A = arith.constant 0 : index
    %get3A_0 = arith.constant 0 : index
    %get3A_1 = vector.load %arg1[%get3A, %get3A_0] : memref<512x128xf32, #tpu.memory_space<vmem>>, vector<512x128xf32>
    %get3A_2 = arith.constant 0 : index
    %get3A_3 = arith.constant 0 : index
    %get3A_4 = vector.load %arg2[%get3A_2, %get3A_3] : memref<1x128xf32, #tpu.memory_space<vmem>>, vector<1x128xf32>
    %sub3A = vector.broadcast %get3A_4 : vector<1x128xf32> to vector<512x128xf32>
    %sub3A_5 = arith.subf %get3A_1, %sub3A : vector<512x128xf32>
    %get3A_6 = arith.constant 0 : index
    %get3A_7 = arith.constant 0 : index
    %get3A_8 = vector.load %arg3[%get3A_6, %get3A_7] : memref<1x128xf32, #tpu.memory_space<vmem>>, vector<1x128xf32>
    %add3A = arith.constant 9.99999974E-6 : f32
    %add3A_9 = vector.broadcast %add3A : f32 to vector<1x128xf32>
    %add3A_10 = arith.addf %get3A_8, %add3A_9 : vector<1x128xf32>
    %sqrt3A = math.sqrt %add3A_10 : vector<1x128xf32>
    %div3A = vector.broadcast %sqrt3A : vector<1x128xf32> to vector<512x128xf32>
    %div3A_11 = arith.divf %sub3A_5, %div3A : vector<512x128xf32>
    %get3A_12 = arith.constant 0 : index
    %get3A_13 = arith.constant 0 : index
    %get3A_14 = vector.load %arg4[%get3A_12, %get3A_13] : memref<1x128xf32, #tpu.memory_space<vmem>>, vector<1x128xf32>
    %mul3A = vector.broadcast %get3A_14 : vector<1x128xf32> to vector<512x128xf32>
    %mul3A_15 = arith.mulf %div3A_11, %mul3A : vector<512x128xf32>
    %get3A_16 = arith.constant 0 : index
    %get3A_17 = arith.constant 0 : index
    %get3A_18 = vector.load %arg5[%get3A_16, %get3A_17] : memref<1x128xf32, #tpu.memory_space<vmem>>, vector<1x128xf32>
    %add3A_19 = vector.broadcast %get3A_18 : vector<1x128xf32> to vector<512x128xf32>
    %add3A_20 = arith.addf %mul3A_15, %add3A_19 : vector<512x128xf32>
    %max3A = arith.constant 0.000000e+00 : f32
    %max3A_21 = vector.broadcast %max3A : f32 to vector<512x128xf32>
    %max3A_22 = arith.maximumf %add3A_20, %max3A_21 : vector<512x128xf32>
    %swap3A = arith.constant 0 : index
    %swap3A_23 = arith.constant 0 : index
    %swap3A_24 = vector.load %arg6[%swap3A, %swap3A_23] : memref<512x128xf32, #tpu.memory_space<vmem>>, vector<512x128xf32>
    tpu.vector_store %arg6[%swap3A, %swap3A_23], %max3A_22 {strides = array<i32>} : memref<512x128xf32, #tpu.memory_space<vmem>>, vector<512x128xf32>,
    return
  }
  func.func @transform_0(%arg0: i32) -> (i32, i32) {
    %c0_i32 = arith.constant 0 : i32
    %c0_i32_0 = arith.constant 0 : i32
    return %arg0, %c0_i32 : i32, i32
  }
  func.func @transform_1(%arg0: i32) -> (i32, i32) {
    %c0_i32 = arith.constant 0 : i32
    %c0_i32_0 = arith.constant 0 : i32
    %c0_i32_1 = arith.constant 0 : i32
    return %c0_i32, %c0_i32_0 : i32, i32
  }
  func.func @transform_2(%arg0: i32) -> (i32, i32) {
    %c0_i32 = arith.constant 0 : i32
    %c0_i32_0 = arith.constant 0 : i32
    %c0_i32_1 = arith.constant 0 : i32
    return %c0_i32, %c0_i32_0 : i32, i32
  }
  func.func @transform_3(%arg0: i32) -> (i32, i32) {
    %c0_i32 = arith.constant 0 : i32
    %c0_i32_0 = arith.constant 0 : i32
    %c0_i32_1 = arith.constant 0 : i32
    return %c0_i32, %c0_i32_0 : i32, i32
  }
  func.func @transform_4(%arg0: i32) -> (i32, i32) {
    %c0_i32 = arith.constant 0 : i32
    %c0_i32_0 = arith.constant 0 : i32
    %c0_i32_1 = arith.constant 0 : i32
    return %c0_i32, %c0_i32_0 : i32, i32
  }
  func.func @transform_5(%arg0: i32) -> (i32, i32) {
    %c0_i32 = arith.constant 0 : i32
    %c0_i32_0 = arith.constant 0 : i32
    return %arg0, %c0_i32 : i32, i32
  }
}

module attributes {stable_mosaic.version = 14 : i64} {
  func.func @_pool_body(%arg0: i32, %arg1: memref<2048x128xf32, #tpu.memory_space<vmem>>, %arg2: memref<2048x128xf32, #tpu.memory_space<vmem>>, %arg3: memref<128x128xf32, #tpu.memory_space<vmem>>, %arg4: memref<128x16xf32, #tpu.memory_space<vmem>>, %arg5: memref<128x128xf32, #tpu.memory_space<vmem>>, %arg6: memref<128x16xf32, #tpu.memory_space<vmem>>) attributes {dimension_semantics = [#tpu.dimension_semantics<arbitrary>], iteration_bounds = array<i64: 32>, scalar_prefetch = 0 : i64, scratch_operands = 0 : i64, tpu.core_type = #tpu.core_type<tc>, window_params = [{transform_indices = @transform_0, window_bounds = array<i64: 2048, 128>}, {transform_indices = @transform_1, window_bounds = array<i64: 2048, 128>}, {transform_indices = @transform_2, window_bounds = array<i64: 128, 128>}, {transform_indices = @transform_3, window_bounds = array<i64: 128, 16>}, {transform_indices = @transform_4, window_bounds = array<i64: 128, 128>}, {transform_indices = @transform_5, window_bounds = array<i64: 128, 16>}]} {
    %get3A = arith.constant 0 : index
    %get3A_0 = arith.constant 0 : index
    %get3A_1 = vector.load %arg1[%get3A, %get3A_0] : memref<2048x128xf32, #tpu.memory_space<vmem>>, vector<2048x128xf32>
    %reshape3A = vector.shape_cast %get3A_1 : vector<2048x128xf32> to vector<128x16x128xf32>
    %reduce_max3A = arith.constant dense<0xFF800000> : vector<128x128xf32>
    %reduce_max3A_2 = vector.multi_reduction <maximumf>, %reshape3A, %reduce_max3A [1] : vector<128x16x128xf32> to vector<128x128xf32>
    %get3A_3 = arith.constant 0 : index
    %get3A_4 = arith.constant 0 : index
    %get3A_5 = vector.load %arg2[%get3A_3, %get3A_4] : memref<2048x128xf32, #tpu.memory_space<vmem>>, vector<2048x128xf32>
    %reshape3A_6 = vector.shape_cast %get3A_5 : vector<2048x128xf32> to vector<128x16x128xf32>
    %reduce_max3A_7 = arith.constant dense<0xFF800000> : vector<128x128xf32>
    %reduce_max3A_8 = vector.multi_reduction <maximumf>, %reshape3A_6, %reduce_max3A_7 [1] : vector<128x16x128xf32> to vector<128x128xf32>
    %max3A = arith.maximumf %reduce_max3A_2, %reduce_max3A_8 : vector<128x128xf32>
    %get3A_9 = arith.constant 0 : index
    %get3A_10 = arith.constant 0 : index
    %get3A_11 = vector.load %arg3[%get3A_9, %get3A_10] : memref<128x128xf32, #tpu.memory_space<vmem>>, vector<128x128xf32>
    %max3A_12 = arith.maximumf %max3A, %get3A_11 : vector<128x128xf32>
    %swap3A = arith.constant 0 : index
    %swap3A_13 = arith.constant 0 : index
    %swap3A_14 = vector.load %arg5[%swap3A, %swap3A_13] : memref<128x128xf32, #tpu.memory_space<vmem>>, vector<128x128xf32>
    tpu.vector_store %arg5[%swap3A, %swap3A_13], %max3A_12 {strides = array<i32>} : memref<128x128xf32, #tpu.memory_space<vmem>>, vector<128x128xf32>,
    %iota3A = tpu.iota {dimensions = array<i32: 1>} : vector<128x16xi32>
    %eq3A = arith.constant 3 : i32
    %eq3A_15 = vector.broadcast %eq3A : i32 to vector<128x16xi32>
    %eq3A_16 = arith.cmpi eq, %iota3A, %eq3A_15 : vector<128x16xi32>
    %get3A_17 = arith.constant 0 : index
    %get3A_18 = arith.constant 0 : index
    %get3A_19 = vector.load %arg4[%get3A_17, %get3A_18] : memref<128x16xf32, #tpu.memory_space<vmem>>, vector<128x16xf32>
    %jit3A = arith.constant 1.000000e+00 : f32
    %broadcast_in_dim3A = vector.broadcast %jit3A : f32 to vector<128x16xf32>
    %select_n3A = arith.select %eq3A_16, %broadcast_in_dim3A, %get3A_19 : vector<128x16xi1>, vector<128x16xf32>
    %swap3A_20 = arith.constant 0 : index
    %swap3A_21 = arith.constant 0 : index
    %swap3A_22 = vector.load %arg6[%swap3A_20, %swap3A_21] : memref<128x16xf32, #tpu.memory_space<vmem>>, vector<128x16xf32>
    tpu.vector_store %arg6[%swap3A_20, %swap3A_21], %select_n3A {strides = array<i32>} : memref<128x16xf32, #tpu.memory_space<vmem>>, vector<128x16xf32>,
    return
  }
  func.func @transform_0(%arg0: i32) -> (i32, i32) {
    %c0_i32 = arith.constant 0 : i32
    %c0_i32_0 = arith.constant 0 : i32
    return %arg0, %c0_i32 : i32, i32
  }
  func.func @transform_1(%arg0: i32) -> (i32, i32) {
    %add3A = arith.constant 32 : i32
    %add3A_0 = arith.addi %arg0, %add3A : i32
    %c0_i32 = arith.constant 0 : i32
    %c0_i32_1 = arith.constant 0 : i32
    return %add3A_0, %c0_i32 : i32, i32
  }
  func.func @transform_2(%arg0: i32) -> (i32, i32) {
    %c0_i32 = arith.constant 0 : i32
    %c0_i32_0 = arith.constant 0 : i32
    return %arg0, %c0_i32 : i32, i32
  }
  func.func @transform_3(%arg0: i32) -> (i32, i32) {
    %c0_i32 = arith.constant 0 : i32
    %c0_i32_0 = arith.constant 0 : i32
    return %arg0, %c0_i32 : i32, i32
  }
  func.func @transform_4(%arg0: i32) -> (i32, i32) {
    %c0_i32 = arith.constant 0 : i32
    %c0_i32_0 = arith.constant 0 : i32
    return %arg0, %c0_i32 : i32, i32
  }
  func.func @transform_5(%arg0: i32) -> (i32, i32) {
    %c0_i32 = arith.constant 0 : i32
    %c0_i32_0 = arith.constant 0 : i32
    return %arg0, %c0_i32 : i32, i32
  }
}

module attributes {stable_mosaic.version = 14 : i64} {
  func.func @_gridpool_body(%arg0: i32, %arg1: memref<1x4096xi32, #tpu.memory_space<vmem>>, %arg2: memref<4096x256xf32, #tpu.memory_space<vmem>>, %arg3: memref<256x128xf32, #tpu.memory_space<vmem>>, %arg4: memref<256x16xf32, #tpu.memory_space<vmem>>) attributes {dimension_semantics = [#tpu.dimension_semantics<arbitrary>], iteration_bounds = array<i64: 16>, scalar_prefetch = 0 : i64, scratch_operands = 0 : i64, tpu.core_type = #tpu.core_type<tc>, window_params = [{pipeline_mode = #tpu.pipeline_mode<synchronous>, transform_indices = @transform_0, window_bounds = array<i64: 1, 4096>}, {pipeline_mode = #tpu.pipeline_mode<synchronous>, transform_indices = @transform_1, window_bounds = array<i64: 4096, 256>}, {transform_indices = @transform_2, window_bounds = array<i64: 256, 128>}, {transform_indices = @transform_3, window_bounds = array<i64: 256, 16>}]} {
    %mul3A = arith.constant 256 : i32
    %mul3A_0 = arith.muli %arg0, %mul3A : i32
    %iota3A = tpu.iota {dimensions = array<i32: 0>} : vector<256x1xi32>
    %add3A = vector.broadcast %mul3A_0 : i32 to vector<256x1xi32>
    %add3A_1 = arith.addi %add3A, %iota3A : vector<256x1xi32>
    %get3A = arith.constant 0 : index
    %get3A_2 = arith.constant 0 : index
    %get3A_3 = vector.load %arg1[%get3A, %get3A_2] : memref<1x4096xi32, #tpu.memory_space<vmem>>, vector<1x4096xi32>
    %eq3A = vector.broadcast %add3A_1 : vector<256x1xi32> to vector<256x4096xi32>
    %eq3A_4 = vector.broadcast %get3A_3 : vector<1x4096xi32> to vector<256x4096xi32>
    %eq3A_5 = arith.cmpi eq, %eq3A, %eq3A_4 : vector<256x4096xi32>
    %convert_element_type3A = arith.extui %eq3A_5 : vector<256x4096xi1> to vector<256x4096xi32>
    %convert_element_type3A_6 = arith.sitofp %convert_element_type3A : vector<256x4096xi32> to vector<256x4096xf32>
    %get3A_7 = arith.constant 0 : index
    %get3A_8 = arith.constant 0 : index
    %get3A_9 = vector.load %arg2[%get3A_7, %get3A_8] : memref<4096x256xf32, #tpu.memory_space<vmem>>, vector<4096x256xf32>
    %dot_general3A = arith.constant dense<0.000000e+00> : vector<256x256xf32>
    %dot_general3A_10 = tpu.matmul %convert_element_type3A_6, %get3A_9, %dot_general3A {dimension_numbers = #tpu.dot_dimension_numbers<[1], [0], [0], [1], [0, 0, 1, 1], [], []>, transpose_lhs_hint = false} : vector<256x4096xf32>, vector<4096x256xf32>, vector<256x256xf32> -> vector<256x256xf32>
    %slice3A = vector.extract_strided_slice %dot_general3A_10 {offsets = [0, 131], sizes = [256, 1], strides = [1, 1]} : vector<256x256xf32> to vector<256x1xf32>
    %max3A = arith.constant 1.000000e+00 : f32
    %max3A_11 = vector.broadcast %max3A : f32 to vector<256x1xf32>
    %max3A_12 = arith.maximumf %slice3A, %max3A_11 : vector<256x1xf32>
    %slice3A_13 = vector.extract_strided_slice %dot_general3A_10 {offsets = [0, 0], sizes = [256, 128], strides = [1, 1]} : vector<256x256xf32> to vector<256x128xf32>
    %div3A = vector.broadcast %max3A_12 : vector<256x1xf32> to vector<256x128xf32>
    %div3A_14 = arith.divf %slice3A_13, %div3A : vector<256x128xf32>
    %swap3A = arith.constant 0 : index
    %swap3A_15 = arith.constant 0 : index
    %swap3A_16 = vector.load %arg3[%swap3A, %swap3A_15] : memref<256x128xf32, #tpu.memory_space<vmem>>, vector<256x128xf32>
    tpu.vector_store %arg3[%swap3A, %swap3A_15], %div3A_14 {strides = array<i32>} : memref<256x128xf32, #tpu.memory_space<vmem>>, vector<256x128xf32>,
    %slice3A_17 = vector.extract_strided_slice %dot_general3A_10 {offsets = [0, 128], sizes = [256, 16], strides = [1, 1]} : vector<256x256xf32> to vector<256x16xf32>
    %div3A_18 = vector.broadcast %max3A_12 : vector<256x1xf32> to vector<256x16xf32>
    %div3A_19 = arith.divf %slice3A_17, %div3A_18 : vector<256x16xf32>
    %swap3A_20 = arith.constant 0 : index
    %swap3A_21 = arith.constant 0 : index
    %swap3A_22 = vector.load %arg4[%swap3A_20, %swap3A_21] : memref<256x16xf32, #tpu.memory_space<vmem>>, vector<256x16xf32>
    tpu.vector_store %arg4[%swap3A_20, %swap3A_21], %div3A_19 {strides = array<i32>} : memref<256x16xf32, #tpu.memory_space<vmem>>, vector<256x16xf32>,
    return
  }
  func.func @transform_0(%arg0: i32) -> (i32, i32) {
    %c0_i32 = arith.constant 0 : i32
    %c0_i32_0 = arith.constant 0 : i32
    %c0_i32_1 = arith.constant 0 : i32
    return %c0_i32, %c0_i32_0 : i32, i32
  }
  func.func @transform_1(%arg0: i32) -> (i32, i32) {
    %c0_i32 = arith.constant 0 : i32
    %c0_i32_0 = arith.constant 0 : i32
    %c0_i32_1 = arith.constant 0 : i32
    return %c0_i32, %c0_i32_0 : i32, i32
  }
  func.func @transform_2(%arg0: i32) -> (i32, i32) {
    %c0_i32 = arith.constant 0 : i32
    %c0_i32_0 = arith.constant 0 : i32
    return %arg0, %c0_i32 : i32, i32
  }
  func.func @transform_3(%arg0: i32) -> (i32, i32) {
    %c0_i32 = arith.constant 0 : i32
    %c0_i32_0 = arith.constant 0 : i32
    return %arg0, %c0_i32 : i32, i32
  }
}

</mosaic_0001>

<sc_bundles>
// kernel: kernel.17.cloned.1.call-start
scs
__scs_entry_jumppad:
0x0: {  	(pc) =	sbr.rel $0x88, $3  }
0x1: {  	(tag) =	ssettag $0x0;
	lr =	simm.s32 $0x1  }
0x2: {  	[smem:$0x3F89] =	sst lr;
	_ =	strace $0xD0000000  }
0x3: {  	_ = 	snop  }
0x4: {  	_ = 	snop  }
0x5: {  	_ = 	snop  }
0x6: {  	_ = 	snop  }
0x7: {  	_ = 	snop  }
__scs_overlays_trampoline_lowered:
0x8: {  	[smem:$0x3F98] =	sst s0  }
0x9: {  	[smem:$0x3F99] =	sst s1  }
0xa: {  	[smem:$0x3F9A] =	sst s2  }
0xb: {  	[smem:$0x3F9B] =	sst s3  }
0xc: {  	[smem:$0x3F9C] =	sst s4  }
0xd: {  	[smem:$0x3F9D] =	sst s5  }
0xe: {  	[smem:$0x3F9E] =	sst s6  }
0xf: {  	[smem:$0x3F9F] =	sst s7  }
0x10: {  	[smem:$0x3FA0] =	sst s8  }
0x11: {  	[smem:$0x3FA1] =	sst s9;
	s0 =	simm.s32 @!p0 $0x0  }
0x12: {  	s1 =	sld [smem:$0x3F87];
	s0 =	simm.s32 @p0 $0x1  }
0x13: {  	[smem:$0x3FA2] =	sst s0;
	s0 =	simm.s32 @!p1 $0x0  }
0x14: {  	s2 =	sld [smem:$0x3F86];
	s0 =	simm.s32 @p1 $0x1  }
0x15: {  	[smem:$0x3FA3] =	sst s0;
	s0 =	simm.s32 @!p2 $0x0  }
0x16: {  	s3 =	sld [smem:$0x3FDB];
	s0 =	simm.s32 @p2 $0x1  }
0x17: {  	s4 =	simm.s32 $0x1BF5;
	[smem:$0x3FA5] =	sst s0  }
0x18: {  	s0 =	sld [smem:$0x3F88];
	_ =	swait.ge [sflag:s4], $0x0  }
0x19: {  	s7 =	sld [smem:$0x3F89]  }
0x1a: {  	s8 =	sadd.s32 $0xFFFFE003, lr  }
0x1b: {  	s9 =	sadd.s32 $0xFFFFFEF7, lr;
	s5 =	simm.s32 $0xFFFFFFFF;
	p2 =	slt.u32 s8, $0xFFFFF086  }
0x1c: {  	p1 =	slt.u32 s9, $0xF7A;
	s5 =	simm.s32 @!p2 $0x0  }
0x1d: {  	s5 =	simm.s32 @p1 $0x1;
	p0 =	seq.s32 s7, s2  }
0x1e: {  	s7 =	smul.u32 @!p0 $0xF7A, s2;
	p2 =	seq.s32 @!p0 s5, $0x0  }
0x1f: {  	s9 =	smul.u32 $0xF7A, s1;
	s8 =	simm.s32 @!p0 $0x1BF5;
	p2 =	por !p2, p0  }
0x20: {  	[sflag:s8] =	ssyncset.s32 @!p0 $0xFFFFF086;
	s6 =	sadd.s32 @!p0 s3, s7;
	s7 =	simm.s32 @!p0 $0x108  }
0x21: {  	s3 =	sadd.s32 s3, s9;
	s6 =	sadd.s32 @!p0 $0x88, s6;
	s7 =	simm.s32 @p2 $0x1082  }
0x22: {  	[simem:s7], [sflag:s8] =	dma.local @!p0 [hbm:s6], $0xF7A  }
0x23: {  	s9 =	sor.u32 $0xD0000000, s2;
	s6 =	simm.s32 $0x108;
	_ =	swait.ge @!p0 [sflag:s8], $0x0  }
0x24: {  	s3 =	sadd.s32 $0x88, s3;
	s6 =	simm.s32 @!p1 $0x1082;
	[sflag:s4] =	ssyncset.s32 $0xFFFFF086  }
0x25: {  	[simem:s6], [sflag:s4] =	dma.local [hbm:s3], $0xF7A  }
0x26: {  	[smem:$0x3F89] =	sst s1;
	(tag) =	ssettag s2;
	_ =	strace s9  }
0x27: {  	s1 =	sld [smem:$0x3F99]  }
0x28: {  	s2 =	sld [smem:$0x3F9A]  }
0x29: {  	s4 =	sld [smem:$0x3F9C]  }
0x2a: {  	p0 =	seq.s32 s5, $0x0;
	s5 =	sld [smem:$0x3F9D]  }
0x2b: {  	s6 =	sld [smem:$0x3F9E]  }
0x2c: {  	s7 =	sld [smem:$0x3F9F]  }
0x2d: {  	s3 =	simm.s32 $0x108;
	s8 =	sld [smem:$0x3FA0]  }
0x2e: {  	s3 =	simm.s32 @!p0 $0x1082;
	s9 =	sld [smem:$0x3FA1]  }
0x2f: {  	lr =	sadd.s32 s0, s3;
	s0 =	sld [smem:$0x3F98]  }
0x30: {  	s3 =	sld [smem:$0x3F9B]  }
0x31: {  	[smem:$0x3FA4] =	sst s10  }
0x32: {  	s10 =	sld [smem:$0x3FA2];
	_ =	sdelay $0x3  }
0x33: {  	p0 =	seq.s32 s10, $0x1;
	s10 =	sld [smem:$0x3FA4];
	_ =	sdelay $0x3  }
0x34: {  	[smem:$0x3FA4] =	sst s10  }
0x35: {  	s10 =	sld [smem:$0x3FA3];
	_ =	sdelay $0x3  }
0x36: {  	p1 =	seq.s32 s10, $0x1;
	s10 =	sld [smem:$0x3FA4];
	_ =	sdelay $0x3  }
0x37: {  	[smem:$0x3FA4] =	sst s10  }
0x38: {  	s10 =	sld [smem:$0x3FA5]  }
0x39: {  	_ = 	snop;
	(pc) =	sbr.ind lr, $3  }
0x3a: {  	_ = 	snop  }
0x3b: {  	_ = 	snop  }
0x3c: {  	p2 =	seq.s32 s10, $0x1;
	s10 =	sld [smem:$0x3FA4]  }
0x3d: {  	_ =	shalt  }
0x3e: {  	_ =	shalt  }
0x3f: {  	_ =	shalt  }
0x40: {  	_ =	shalt  }
0x41: {  	_ =	shalt  }
0x42: {  	_ =	shalt  }
0x43: {  	_ =	shalt  }
0x44: {  	_ =	shalt  }
0x45: {  	_ =	shalt  }
0x46: {  	_ =	shalt  }
0x47: {  	_ =	shalt  }
0x48: {  	_ =	shalt  }
0x49: {  	_ =	shalt  }
0x4a: {  	_ =	shalt  }
0x4b: {  	_ =	shalt  }
0x4c: {  	_ =	shalt  }
0x4d: {  	_ =	shalt  }
0x4e: {  	_ =	shalt  }
0x4f: {  	_ =	shalt  }
0x50: {  	_ =	shalt  }
0x51: {  	_ =	shalt  }
0x52: {  	_ =	shalt  }
0x53: {  	_ =	shalt  }
0x54: {  	_ =	shalt  }
0x55: {  	_ =	shalt  }
0x56: {  	_ =	shalt  }
0x57: {  	_ =	shalt  }
0x58: {  	_ =	shalt  }
0x59: {  	_ =	shalt  }
0x5a: {  	_ =	shalt  }
0x5b: {  	_ =	shalt  }
0x5c: {  	_ =	shalt  }
0x5d: {  	_ =	shalt  }
0x5e: {  	_ =	shalt  }
0x5f: {  	_ =	shalt  }
0x60: {  	_ =	shalt  }
0x61: {  	_ =	shalt  }
0x62: {  	_ =	shalt  }
0x63: {  	_ =	shalt  }
0x64: {  	_ =	shalt  }
0x65: {  	_ =	shalt  }
0x66: {  	_ =	shalt  }
0x67: {  	_ =	shalt  }
0x68: {  	_ =	shalt  }
0x69: {  	_ =	shalt  }
0x6a: {  	_ =	shalt  }
0x6b: {  	_ =	shalt  }
0x6c: {  	_ =	shalt  }
0x6d: {  	_ =	shalt  }
0x6e: {  	_ =	shalt  }
0x6f: {  	_ =	shalt  }
0x70: {  	_ =	shalt  }
0x71: {  	_ =	shalt  }
0x72: {  	_ =	shalt  }
0x73: {  	_ =	shalt  }
0x74: {  	_ =	shalt  }
0x75: {  	_ =	shalt  }
0x76: {  	_ =	shalt  }
0x77: {  	_ =	shalt  }
0x78: {  	_ =	shalt  }
0x79: {  	_ =	shalt  }
0x7a: {  	_ =	shalt  }
0x7b: {  	_ =	shalt  }
0x7c: {  	_ =	shalt  }
0x7d: {  	_ =	shalt  }
0x7e: {  	_ =	shalt  }
0x7f: {  	_ =	shalt  }
0x80: {  	_ =	shalt  }
0x81: {  	_ =	shalt  }
0x82: {  	_ =	shalt  }
0x83: {  	_ =	shalt  }
0x84: {  	_ =	shalt  }
0x85: {  	_ =	shalt  }
0x86: {  	_ =	shalt  }
0x87: {  	_ =	shalt  }
.Lfunc_end0:
.L_simem_size_0:
called_computation_lowered:
.L_overlay_start_0:
0x88: {  	s2 =	sld [smem:$0x3FD9]  }
0x89: {  	s3 =	sld [smem:$0x3FFE];
	_ =	sdelay $0x1  }
0x8a: {  	s1 =	srdreg.scid  }
0x8b: {  	s0 =	sand.u32 $0x1, s1  }
0x8c: {  	s16 =	sshll.u32 s0, $0xA;
	s2 =	sadd.s32 s3, s2  }
0x8d: {  	s2 =	sadd.s32 s2, s16  }
0x8e: {  	[smem:$0x3FB0] =	sst s2  }
0x8f: {  	_ = 	snop  }
0x90: {  	(tm) =	ssettm $0x1  }
0x91: {  	s17 =	sld [smem:$0x3FFB];
	_ =	sdelay $0x3  }
0x92: {  	_ =	strace s17  }
0x93: {  	s2 =	sld [smem:$0x3FFC];
	_ =	sdelay $0x3  }
0x94: {  	_ =	strace s2  }
0x95: {  	s2 =	sld [smem:$0x3FFD];
	_ =	sdelay $0x3  }
0x96: {  	_ =	strace s2  }
0x97: {  	_ =	strace $0x8FFFFFFF  }
0x98: {  	s18 =	sld [smem:$0x3FDB];
	_ =	sdelay $0x1  }
0x99: {  	s19 =	simm.s32 $_scs_section_size  }
0x9a: {  	s4 =	simm.s32 $_size__tile_overlayer_lowered;
	s5 =	simm.s32 $_tile_overlayer_lowered  }
0x9b: {  	s22 =	simm.s32 $0x1BFF;
	s21 =	sshll.u32 s5, $0x1;
	s2 =	sadd.s32 s19, s18  }
0x9c: {  	s6 =	simm.s32 $0x0;
	s20 =	sshll.u32 s4, $0x1;
	s4 =	sadd.s32 s21, s2  }
0x9d: {  	[timem:s6], [sflag:s22] =	dma.local [hbm:s4], s20  }
0x9e: {  	_ =	swait.ge [sflag:s22], s20  }
0x9f: {  	s3 =	ssub.s32 $0x0, s20;
	[sflag:s22] =	ssyncset.done $0x0  }
0xa0: {  	[sflag:s22] =	ssyncadd.s32 s3;
	_ =	sdelay $0x1  }
0xa1: {  	s23 =	simm.s32 $0x1B8B  }
0xa2: {  	_ =	swait.ge [sflag:s23], $0x1  }
0xa3: {  	[sflag:s23] =	ssyncset.done $0x0  }
0xa4: {  	s25 =	simm.s32 $0x1B8E;
	s24 =	sld [smem:$0x3FFE];
	[sflag:s23] =	ssyncadd.s32 $0xFFFFFFFF  }
0xa5: {  	s26 =	simm.s32 $execute0_lowered;
	[smem:$0x3FD2] =	sst s25  }
0xa6: {  	s4 =	sshll.u32 s26, $0x1;
	_ =	strace $0x80000046;
	[dreg:$0x1] =	wrdreg $0xFFFFFFFF  }
0xa7: {  	s28 =	simm.s32 $_size_execute0_lowered;
	s2 =	sadd.s32 s2, s4;
	[dreg:$0x0] =	wrdreg $0x0  }
0xa8: {  	s4 =	sshll.u32 s28, $0x1;
	[dreg:$0x2] =	wrdreg s2  }
0xa9: {  	[dreg:$0x3] =	wrdreg s4  }
0xaa: {  	[dreg:$0x4] =	wrdreg $0xC0  }
0xab: {  	_ =	task [dreg:s6], $0x5FFFF  }
0xac: {  	[dreg:$0x1] =	wrdreg $0xFFFFFFFF  }
0xad: {  	[dreg:$0x0] =	wrdreg $0x60  }
0xae: {  	[dreg:$0x2] =	wrdreg s24  }
0xaf: {  	[dreg:$0x3] =	wrdreg $0x9  }
0xb0: {  	_ =	task.clear_ibuf [dreg:s6], $0x4FFFF;
	_ =	strace $0x90000046  }
0xb1: {  	s29 =	simm.s32 $0x9;
	_ =	strace $0x80000048  }
0xb2: {  	_ =	swait.ge [sflag:s29], $0x1  }
0xb3: {  	[sflag:s29] =	ssyncadd.s32 $0xFFFFFFFF  }
0xb4: {  	_ =	strace $0x90000048  }
0xb5: {  	_ =	sfence  }
0xb6: {  	s30 =	sld [smem:$0x0];
	_ =	sdelay $0x2  }
0xb7: {  	s31 =	sshll.u32 s1, $0xD;
	s1 =	sshrl.u32 s1, $0x2  }
0xb8: {  	s3 =	sand.u32 $0x4000, s31;
	s1 =	sadd.s32 s1, s30  }
0xb9: {  	s0 =	sor.u32 s3, s0;
	s1 =	sshll.u32 s1, $0x11  }
0xba: {  	s0 =	sor.u32 s1, s0  }
0xbb: {  	s0 =	sadd.s32 $0x8F2B, s0  }
0xbc: {  	[sflag:s0] =	ssyncadd.remote.s32 $0x1  }
0xbd: {  	_ =	sfence.sel $0xFFFF  }
0xbe: {  	[dreg:$0x0] =	wrdreg $0xFFFFFFFF;
	(pc) =	sbr.abs _section_cstart, $3  }
0xbf: {  	[dreg:$0x1] =	wrdreg $0xFFFFFFFF  }
0xc0: {  	_ =	task.clear_ibuf [dreg:s6], $0x2FFFF;
	_ =	strace $0x9FFFFFFF  }
0xc1: {  	(tm) =	ssettm $0x7FFFFFFF  }
tec
execute0_lowered:
.L_overlay_start_1:
0x0: {  	(tag) =	ssettag $0x1  }
0x1: {  	s0 =	rddreg [dreg:$0x0]  }
0x2: {  	s1 =	simm.s32 $0x0;
	s2 =	srdreg.scid;
	s9 =	stileid.u32  }
0x3: {  	s10 =	simm.s32 $0x100;
	s28 =	simm.s32 $0x8100;
	s29 =	simm.s32 $0x8900  }
0x4: {  	s30 =	simm.s32 $0x9100;
	s31 =	simm.s32 $0x9900;
	s11 =	simm.s32 $0xD100  }
0x5: {  	s12 =	simm.s32 $0xD900;
	s13 =	simm.s32 $0xE100;
	s14 =	simm.s32 $0xE900  }
0x6: {  	s15 =	simm.s32 $0xF100;
	s16 =	simm.s32 $0xF900;
	s17 =	simm.s32 $0x1  }
0x7: {  	s18 =	simm.s32 $0x3;
	[smem:$0x7FF] =	sst s1;
	s3 =	sadd.s32 $0x17E00, s0  }
0x8: {  	s2 =	sand.u32 $0x1, s2;
	s5 =	sshll.u32 s9, $0xC;
	s7 =	sadd.s32 $0x15E00, s0  }
0x9: {  	s19 =	sshll.u32 s9, $0x11;
	s9 =	simm.s32 $0x5;
	_ =	strace $0x80000047  }
0xa: {  	s4 =	ssub.s32 $0x2, s2;
	s6 =	sshll.u32 s2, $0xB;
	s0 =	sadd.s32 s19, s0  }
0xb: {  	s2 =	sshll.u32 s2, $0x10;
	s19 =	simm.s32 $0x2;
	s8 =	sshrl.u32 s4, $0x1  }
0xc: {  	s5 =	sor.u32 s6, s5;
	s0 =	sadd.s32 s2, s0;
	s2 =	simm.s32 $0xA900  }
0xd: {  	s4 =	ssub.s32 s4, s8;
	s20 =	sshrl.u32 s5, $0x3;
	s22 =	sor.u32 $0x80, s5  }
0xe: {  	s5 =	sor.u32 $0x100, s5;
	s6 =	sadd.s32 $0x37E00, s0;
	s0 =	simm.s32 $0xA100  }
0xf: {  	s8 =	simm.s32 $0xC900;
	s21 =	sadd.s32 s7, s20;
	s4 =	smax.u32 s4, $0x1  }
.Ltmp0:
0x10: {  	s23 =	sshrl.u32 s22, $0x3;
	s24 =	sshrl.u32 s5, $0x3;
	(pc) =	sbr.rel .LBB2_1-.Ltmp0, $4  }
0x11: {  	s5 =	simm.s32 $0xB900;
	s22 =	simm.s32 $0x0;
	[dreg:$0x2] =	wrdreg s21  }
0x12: {  	v2 =	vlaneseq.u32;
	[dreg:$0x3] =	wrdreg s4;
	s25 =	sadd.s32 s23, s7;
	s26 =	sadd.s32 s24, s7  }
0x13: {  	vm0 =	vmmov $0xffff;
	v1 =	vshrl.u32 v2, $0x3;
	s4 =	simm.s32 $0xB100;
	s7 =	simm.s32 $0xC100;
	[dreg:$0x4] =	wrdreg s25  }
0x14: {  	v0 =	vand.u32 $0x7, v2;
	v2 =	vor.u32 $0x8, v2;
	v1 =	vmul.u32 $0x8, v1;
	[dreg:$0x5] =	wrdreg s26;
	s25 =	simm.s32 $0x7900;
	s26 =	simm.s32 $0x80  }
.LBB2_5:
0x15: {  	s21 =	simm.s32 $0x4  }
0x16: {  	_ =	swait.ge [sflag:s21], $0x8000  }
0x17: {  	s22 =	rddreg [dreg:$0x6]  }
0x18: {  	s20 =	rddreg [dreg:$0x3];
	s22 =	sadd.s32 $0x1, s22  }
0x19: {  	p0 =	sne.s32 s22, s20  }
.Ltmp1:
0x1a: {  	_ = 	snop;
	(pc) =	sbr.rel @!p0 .LBB2_6-.Ltmp1, $3  }
0x1b: {  	_ =	sdelay $0x1  }
0x1c: {  	[sflag:s21] =	ssyncset.done $0x0  }
0x1d: {  	[sflag:s21] =	ssyncadd.s32 $0xFFFF8000  }
.LBB2_1:
0x1e: {  	[dreg:$0x6] =	wrdreg s22  }
0x1f: {  	s20 =	rddreg [dreg:$0x2]  }
0x20: {  	[tilespmem:s1], [sflag:$0x5] =	stream.linear.gather [hbm4b:s20+s1], $0x80, $0x38;
	[tilespmem:$0x10100] =	vst v63  }
0x21: {  	_ =	swait.ge [sflag:s9], $0x80  }
0x22: {  	[sflag:s9] =	ssyncset.done $0x0  }
0x23: {  	[sflag:s9] =	ssyncadd.s32 $0xFFFFFF80  }
0x24: {  	v3 =	vld [tilespmem:$0x0];
	_ =	sdelay $0x4  }
0x25: {  	v4 =	vshll.u32 v3, $0x1  }
0x26: {  	v3 =	vand.u32 $0x7, v3;
	v4 =	vand.u32 $0xFFFFFFF0, v4  }
0x27: {  	v3 =	vor.u32 v3, v4  }
0x28: {  	v4 =	vperm.xlane v3, v0;
	_ =	sdelay $0x1  }
0x29: {  	v3 =	vperm.xlane v3, v2;
	v4 =	vadd.s32 v1, v4;
	_ =	sdelay $0x1  }
0x2a: {  	v3 =	vadd.s32 v1, v3;
	_ =	sdelay $0x2  }
0x2b: {  	[tilespmem:s10], [sflag:$0x1] =	stream.indirect_vreg.gather [hbm4b:s3+s1], $0x80, v4, vm0, $0xb8;
	[tilespmem:$0x10100] =	vst v63  }
0x2c: {  	s23 =	simm.s32 $0x900  }
0x2d: {  	[tilespmem:s23], [sflag:$0x1] =	stream.indirect_vreg.gather [hbm4b:s3+s1], $0x80, v3, vm0, $0xb8;
	[tilespmem:$0x10100] =	vst v63  }
0x2e: {  	v3 =	vld [tilespmem:$0x10];
	_ =	sdelay $0x4  }
0x2f: {  	v57 =	vshll.u32 v3, $0x1  }
0x30: {  	v3 =	vand.u32 $0x7, v3;
	v4 =	vand.u32 $0xFFFFFFF0, v57  }
0x31: {  	v3 =	vor.u32 v3, v4  }
0x32: {  	v4 =	vperm.xlane v3, v0;
	_ =	sdelay $0x1  }
0x33: {  	v3 =	vperm.xlane v3, v2;
	v4 =	vadd.s32 v1, v4;
	_ =	sdelay $0x1  }
0x34: {  	v3 =	vadd.s32 v1, v3;
	_ =	sdelay $0x1  }
0x35: {  	s24 =	simm.s32 $0x1100  }
0x36: {  	[tilespmem:s24], [sflag:$0x1] =	stream.indirect_vreg.gather [hbm4b:s3+s1], $0x80, v4, vm0, $0xb8;
	[tilespmem:$0x10100] =	vst v63  }
0x37: {  	s21 =	simm.s32 $0x1900  }
0x38: {  	[tilespmem:s21], [sflag:$0x1] =	stream.indirect_vreg.gather [hbm4b:s3+s1], $0x80, v3, vm0, $0xb8;
	[tilespmem:$0x10100] =	vst v63  }
0x39: {  	v3 =	vld [tilespmem:$0x20];
	_ =	sdelay $0x4  }
0x3a: {  	v58 =	vshll.u32 v3, $0x1  }
0x3b: {  	v3 =	vand.u32 $0x7, v3;
	v4 =	vand.u32 $0xFFFFFFF0, v58  }
0x3c: {  	v3 =	vor.u32 v3, v4  }
0x3d: {  	v4 =	vperm.xlane v3, v0;
	_ =	sdelay $0x1  }
0x3e: {  	v3 =	vperm.xlane v3, v2;
	v4 =	vadd.s32 v1, v4;
	_ =	sdelay $0x1  }
0x3f: {  	v3 =	vadd.s32 v1, v3;
	_ =	sdelay $0x1  }
0x40: {  	s22 =	simm.s32 $0x2100  }
0x41: {  	[tilespmem:s22], [sflag:$0x1] =	stream.indirect_vreg.gather [hbm4b:s3+s1], $0x80, v4, vm0, $0xb8;
	[tilespmem:$0x10100] =	vst v63  }
0x42: {  	s23 =	simm.s32 $0x2900  }
0x43: {  	[tilespmem:s23], [sflag:$0x1] =	stream.indirect_vreg.gather [hbm4b:s3+s1], $0x80, v3, vm0, $0xb8;
	[tilespmem:$0x10100] =	vst v63  }
0x44: {  	v3 =	vld [tilespmem:$0x30];
	_ =	sdelay $0x4  }
0x45: {  	v59 =	vshll.u32 v3, $0x1  }
0x46: {  	v3 =	vand.u32 $0x7, v3;
	v4 =	vand.u32 $0xFFFFFFF0, v59  }
0x47: {  	v3 =	vor.u32 v3, v4  }
0x48: {  	v4 =	vperm.xlane v3, v0;
	_ =	sdelay $0x1  }
0x49: {  	v3 =	vperm.xlane v3, v2;
	v4 =	vadd.s32 v1, v4;
	_ =	sdelay $0x1  }
0x4a: {  	v3 =	vadd.s32 v1, v3;
	_ =	sdelay $0x1  }
0x4b: {  	s24 =	simm.s32 $0x3100  }
0x4c: {  	[tilespmem:s24], [sflag:$0x1] =	stream.indirect_vreg.gather [hbm4b:s3+s1], $0x80, v4, vm0, $0xb8;
	[tilespmem:$0x10100] =	vst v63  }
0x4d: {  	s21 =	simm.s32 $0x3900  }
0x4e: {  	[tilespmem:s21], [sflag:$0x1] =	stream.indirect_vreg.gather [hbm4b:s3+s1], $0x80, v3, vm0, $0xb8;
	[tilespmem:$0x10100] =	vst v63  }
0x4f: {  	v3 =	vld [tilespmem:$0x40];
	_ =	sdelay $0x4  }
0x50: {  	v60 =	vshll.u32 v3, $0x1  }
0x51: {  	v3 =	vand.u32 $0x7, v3;
	v4 =	vand.u32 $0xFFFFFFF0, v60  }
0x52: {  	v3 =	vor.u32 v3, v4  }
0x53: {  	v4 =	vperm.xlane v3, v0;
	_ =	sdelay $0x1  }
0x54: {  	v3 =	vperm.xlane v3, v2;
	v4 =	vadd.s32 v1, v4;
	_ =	sdelay $0x1  }
0x55: {  	v3 =	vadd.s32 v1, v3;
	_ =	sdelay $0x1  }
0x56: {  	s22 =	simm.s32 $0x4100  }
0x57: {  	[tilespmem:s22], [sflag:$0x1] =	stream.indirect_vreg.gather [hbm4b:s3+s1], $0x80, v4, vm0, $0xb8;
	[tilespmem:$0x10100] =	vst v63  }
0x58: {  	s23 =	simm.s32 $0x4900  }
0x59: {  	[tilespmem:s23], [sflag:$0x1] =	stream.indirect_vreg.gather [hbm4b:s3+s1], $0x80, v3, vm0, $0xb8;
	[tilespmem:$0x10100] =	vst v63  }
0x5a: {  	v3 =	vld [tilespmem:$0x50];
	_ =	sdelay $0x4  }
0x5b: {  	v61 =	vshll.u32 v3, $0x1  }
0x5c: {  	v3 =	vand.u32 $0x7, v3;
	v4 =	vand.u32 $0xFFFFFFF0, v61  }
0x5d: {  	v3 =	vor.u32 v3, v4  }
0x5e: {  	v4 =	vperm.xlane v3, v0;
	_ =	sdelay $0x1  }
0x5f: {  	v3 =	vperm.xlane v3, v2;
	v4 =	vadd.s32 v1, v4;
	_ =	sdelay $0x1  }
0x60: {  	v3 =	vadd.s32 v1, v3;
	_ =	sdelay $0x1  }
0x61: {  	s24 =	simm.s32 $0x5100  }
0x62: {  	[tilespmem:s24], [sflag:$0x1] =	stream.indirect_vreg.gather [hbm4b:s3+s1], $0x80, v4, vm0, $0xb8;
	[tilespmem:$0x10100] =	vst v63  }
0x63: {  	s21 =	simm.s32 $0x5900  }
0x64: {  	[tilespmem:s21], [sflag:$0x1] =	stream.indirect_vreg.gather [hbm4b:s3+s1], $0x80, v3, vm0, $0xb8;
	[tilespmem:$0x10100] =	vst v63  }
0x65: {  	v3 =	vld [tilespmem:$0x60];
	_ =	sdelay $0x4  }
0x66: {  	v62 =	vshll.u32 v3, $0x1  }
0x67: {  	v3 =	vand.u32 $0x7, v3;
	v4 =	vand.u32 $0xFFFFFFF0, v62  }
0x68: {  	v3 =	vor.u32 v3, v4  }
0x69: {  	v4 =	vperm.xlane v3, v0;
	_ =	sdelay $0x1  }
0x6a: {  	v3 =	vperm.xlane v3, v2;
	v4 =	vadd.s32 v1, v4;
	_ =	sdelay $0x1  }
0x6b: {  	v3 =	vadd.s32 v1, v3;
	_ =	sdelay $0x1  }
0x6c: {  	s22 =	simm.s32 $0x6100  }
0x6d: {  	[tilespmem:s22], [sflag:$0x1] =	stream.indirect_vreg.gather [hbm4b:s3+s1], $0x80, v4, vm0, $0xb8;
	[tilespmem:$0x10100] =	vst v63  }
0x6e: {  	s23 =	simm.s32 $0x6900  }
0x6f: {  	[tilespmem:s23], [sflag:$0x1] =	stream.indirect_vreg.gather [hbm4b:s3+s1], $0x80, v3, vm0, $0xb8;
	[tilespmem:$0x10100] =	vst v63  }
0x70: {  	v3 =	vld [tilespmem:$0x70];
	_ =	sdelay $0x4  }
0x71: {  	v63 =	vshll.u32 v3, $0x1  }
0x72: {  	v3 =	vand.u32 $0x7, v3;
	v4 =	vand.u32 $0xFFFFFFF0, v63  }
0x73: {  	v3 =	vor.u32 v3, v4  }
0x74: {  	v4 =	vperm.xlane v3, v0;
	_ =	sdelay $0x1  }
0x75: {  	v3 =	vperm.xlane v3, v2;
	v4 =	vadd.s32 v1, v4;
	_ =	sdelay $0x1  }
0x76: {  	v3 =	vadd.s32 v1, v3  }
.Ltmp2:
0x77: {  	_ = 	snop;
	(pc) =	sbr.rel .LBB2_2-.Ltmp2, $4  }
0x78: {  	s20 =	rddreg [dreg:$0x5];
	s24 =	simm.s32 $0x7100  }
0x79: {  	[tilespmem:s24], [sflag:$0x1] =	stream.indirect_vreg.gather [hbm4b:s3+s1], $0x80, v4, vm0, $0xb8;
	[tilespmem:$0x10100] =	vst v63  }
0x7a: {  	s21 =	rddreg [dreg:$0x4];
	s22 =	simm.s32 $0x0  }
0x7b: {  	[tilespmem:s25], [sflag:$0x1] =	stream.indirect_vreg.gather [hbm4b:s3+s1], $0x80, v3, vm0, $0xb8;
	[tilespmem:$0x10100] =	vst v63  }
.LBB2_4:
0x7c: {  	s22 =	sadd.s32 $0x2000, s22  }
0x7d: {  	p0 =	sne.s32 s22, $0x10000  }
.Ltmp3:
0x7e: {  	_ = 	snop;
	(pc) =	sbr.rel @!p0 .LBB2_5-.Ltmp3, $4  }
0x7f: {  	_ =	swait.ge [sflag:s19], $0x8000  }
0x80: {  	s23 =	sadd.s32 $0x1000, s23;
	[sflag:s19] =	ssyncset.done $0x0  }
0x81: {  	s21 =	sadd.s32 $0x20, s21;
	s20 =	sadd.s32 $0x20, s20;
	[sflag:s19] =	ssyncadd.s32 $0xFFFF8000  }
0x82: {  	[hbm4b:s23+s1] =	stream.linear.scatter [tilespmem:s28], [sflag:$0x4], $0x8000, $0x38;
	[tilespmem:$0x10100] =	vst v63  }
.LBB2_2:
0x83: {  	p0 =	seq.s32 s22, $0x0  }
0x84: {  	s23 =	simm.s32 @!p0 $0x4  }
0x85: {  	_ =	swait.ge @!p0 [sflag:s23], $0x8000  }
0x86: {  	[sflag:s23] =	ssyncset.done @!p0 $0x0  }
0x87: {  	[sflag:s23] =	ssyncadd.s32 @!p0 $0xFFFF8000  }
0x88: {  	[tilespmem:s26], [sflag:$0x5] =	stream.linear.gather [hbm4b:s21+s1], $0x80, $0x38;
	[tilespmem:$0x10100] =	vst v63  }
0x89: {  	_ =	swait.ge [sflag:s9], $0x80  }
0x8a: {  	[sflag:s9] =	ssyncset.done $0x0  }
0x8b: {  	[sflag:s9] =	ssyncadd.s32 $0xFFFFFF80  }
0x8c: {  	v3 =	vld [tilespmem:$0x80];
	_ =	sdelay $0x4  }
0x8d: {  	v4 =	vshll.u32 v3, $0x1  }
0x8e: {  	v3 =	vand.u32 $0x7, v3;
	v4 =	vand.u32 $0xFFFFFFF0, v4  }
0x8f: {  	v3 =	vor.u32 v3, v4  }
0x90: {  	v4 =	vperm.xlane v3, v0;
	_ =	sdelay $0x1  }
0x91: {  	v3 =	vperm.xlane v3, v2;
	v4 =	vadd.s32 v1, v4;
	_ =	sdelay $0x1  }
0x92: {  	v3 =	vadd.s32 v1, v3;
	_ =	sdelay $0x2  }
0x93: {  	[tilespmem:s28], [sflag:$0x2] =	stream.indirect_vreg.gather [hbm4b:s3+s1], $0x80, v4, vm0, $0xb8;
	[tilespmem:$0x10100] =	vst v63  }
0x94: {  	_ = 	snop  }
0x95: {  	[tilespmem:s29], [sflag:$0x2] =	stream.indirect_vreg.gather [hbm4b:s3+s1], $0x80, v3, vm0, $0xb8;
	[tilespmem:$0x10100] =	vst v63  }
0x96: {  	v3 =	vld [tilespmem:$0x90];
	_ =	sdelay $0x4  }
0x97: {  	v57 =	vshll.u32 v3, $0x1  }
0x98: {  	v3 =	vand.u32 $0x7, v3;
	v4 =	vand.u32 $0xFFFFFFF0, v57  }
0x99: {  	v3 =	vor.u32 v3, v4  }
0x9a: {  	v4 =	vperm.xlane v3, v0;
	_ =	sdelay $0x1  }
0x9b: {  	v3 =	vperm.xlane v3, v2;
	v4 =	vadd.s32 v1, v4;
	_ =	sdelay $0x1  }
0x9c: {  	v3 =	vadd.s32 v1, v3;
	_ =	sdelay $0x2  }
0x9d: {  	[tilespmem:s30], [sflag:$0x2] =	stream.indirect_vreg.gather [hbm4b:s3+s1], $0x80, v4, vm0, $0xb8;
	[tilespmem:$0x10100] =	vst v63  }
0x9e: {  	_ = 	snop  }
0x9f: {  	[tilespmem:s31], [sflag:$0x2] =	stream.indirect_vreg.gather [hbm4b:s3+s1], $0x80, v3, vm0, $0xb8;
	[tilespmem:$0x10100] =	vst v63  }
0xa0: {  	v3 =	vld [tilespmem:$0xA0];
	_ =	sdelay $0x4  }
0xa1: {  	v58 =	vshll.u32 v3, $0x1  }
0xa2: {  	v3 =	vand.u32 $0x7, v3;
	v4 =	vand.u32 $0xFFFFFFF0, v58  }
0xa3: {  	v3 =	vor.u32 v3, v4  }
0xa4: {  	v4 =	vperm.xlane v3, v0;
	_ =	sdelay $0x1  }
0xa5: {  	v3 =	vperm.xlane v3, v2;
	v4 =	vadd.s32 v1, v4;
	_ =	sdelay $0x1  }
0xa6: {  	v3 =	vadd.s32 v1, v3;
	_ =	sdelay $0x2  }
0xa7: {  	[tilespmem:s0], [sflag:$0x2] =	stream.indirect_vreg.gather [hbm4b:s3+s1], $0x80, v4, vm0, $0xb8;
	[tilespmem:$0x10100] =	vst v63  }
0xa8: {  	_ = 	snop  }
0xa9: {  	[tilespmem:s2], [sflag:$0x2] =	stream.indirect_vreg.gather [hbm4b:s3+s1], $0x80, v3, vm0, $0xb8;
	[tilespmem:$0x10100] =	vst v63  }
0xaa: {  	v3 =	vld [tilespmem:$0xB0];
	_ =	sdelay $0x4  }
0xab: {  	v59 =	vshll.u32 v3, $0x1  }
0xac: {  	v3 =	vand.u32 $0x7, v3;
	v4 =	vand.u32 $0xFFFFFFF0, v59  }
0xad: {  	v3 =	vor.u32 v3, v4  }
0xae: {  	v4 =	vperm.xlane v3, v0;
	_ =	sdelay $0x1  }
0xaf: {  	v3 =	vperm.xlane v3, v2;
	v4 =	vadd.s32 v1, v4;
	_ =	sdelay $0x1  }
0xb0: {  	v3 =	vadd.s32 v1, v3;
	_ =	sdelay $0x2  }
0xb1: {  	[tilespmem:s4], [sflag:$0x2] =	stream.indirect_vreg.gather [hbm4b:s3+s1], $0x80, v4, vm0, $0xb8;
	[tilespmem:$0x10100] =	vst v63  }
0xb2: {  	_ = 	snop  }
0xb3: {  	[tilespmem:s5], [sflag:$0x2] =	stream.indirect_vreg.gather [hbm4b:s3+s1], $0x80, v3, vm0, $0xb8;
	[tilespmem:$0x10100] =	vst v63  }
0xb4: {  	v3 =	vld [tilespmem:$0xC0];
	_ =	sdelay $0x4  }
0xb5: {  	v60 =	vshll.u32 v3, $0x1  }
0xb6: {  	v3 =	vand.u32 $0x7, v3;
	v4 =	vand.u32 $0xFFFFFFF0, v60  }
0xb7: {  	v3 =	vor.u32 v3, v4  }
0xb8: {  	v4 =	vperm.xlane v3, v0;
	_ =	sdelay $0x1  }
0xb9: {  	v3 =	vperm.xlane v3, v2;
	v4 =	vadd.s32 v1, v4;
	_ =	sdelay $0x1  }
0xba: {  	v3 =	vadd.s32 v1, v3;
	_ =	sdelay $0x2  }
0xbb: {  	[tilespmem:s7], [sflag:$0x2] =	stream.indirect_vreg.gather [hbm4b:s3+s1], $0x80, v4, vm0, $0xb8;
	[tilespmem:$0x10100] =	vst v63  }
0xbc: {  	_ = 	snop  }
0xbd: {  	[tilespmem:s8], [sflag:$0x2] =	stream.indirect_vreg.gather [hbm4b:s3+s1], $0x80, v3, vm0, $0xb8;
	[tilespmem:$0x10100] =	vst v63  }
0xbe: {  	v3 =	vld [tilespmem:$0xD0];
	_ =	sdelay $0x4  }
0xbf: {  	v61 =	vshll.u32 v3, $0x1  }
0xc0: {  	v3 =	vand.u32 $0x7, v3;
	v4 =	vand.u32 $0xFFFFFFF0, v61  }
0xc1: {  	v3 =	vor.u32 v3, v4  }
0xc2: {  	v4 =	vperm.xlane v3, v0;
	_ =	sdelay $0x1  }
0xc3: {  	v3 =	vperm.xlane v3, v2;
	v4 =	vadd.s32 v1, v4;
	_ =	sdelay $0x1  }
0xc4: {  	v3 =	vadd.s32 v1, v3;
	_ =	sdelay $0x2  }
0xc5: {  	[tilespmem:s11], [sflag:$0x2] =	stream.indirect_vreg.gather [hbm4b:s3+s1], $0x80, v4, vm0, $0xb8;
	[tilespmem:$0x10100] =	vst v63  }
0xc6: {  	_ = 	snop  }
0xc7: {  	[tilespmem:s12], [sflag:$0x2] =	stream.indirect_vreg.gather [hbm4b:s3+s1], $0x80, v3, vm0, $0xb8;
	[tilespmem:$0x10100] =	vst v63  }
0xc8: {  	v3 =	vld [tilespmem:$0xE0];
	_ =	sdelay $0x4  }
0xc9: {  	v62 =	vshll.u32 v3, $0x1  }
0xca: {  	v3 =	vand.u32 $0x7, v3;
	v4 =	vand.u32 $0xFFFFFFF0, v62  }
0xcb: {  	v3 =	vor.u32 v3, v4  }
0xcc: {  	v4 =	vperm.xlane v3, v0;
	_ =	sdelay $0x1  }
0xcd: {  	v3 =	vperm.xlane v3, v2;
	v4 =	vadd.s32 v1, v4;
	_ =	sdelay $0x1  }
0xce: {  	v3 =	vadd.s32 v1, v3;
	_ =	sdelay $0x2  }
0xcf: {  	[tilespmem:s13], [sflag:$0x2] =	stream.indirect_vreg.gather [hbm4b:s3+s1], $0x80, v4, vm0, $0xb8;
	[tilespmem:$0x10100] =	vst v63  }
0xd0: {  	_ = 	snop  }
0xd1: {  	[tilespmem:s14], [sflag:$0x2] =	stream.indirect_vreg.gather [hbm4b:s3+s1], $0x80, v3, vm0, $0xb8;
	[tilespmem:$0x10100] =	vst v63  }
0xd2: {  	v3 =	vld [tilespmem:$0xF0];
	_ =	sdelay $0x4  }
0xd3: {  	v63 =	vshll.u32 v3, $0x1  }
0xd4: {  	v3 =	vand.u32 $0x7, v3;
	v4 =	vand.u32 $0xFFFFFFF0, v63  }
0xd5: {  	v3 =	vor.u32 v3, v4  }
0xd6: {  	v4 =	vperm.xlane v3, v0;
	_ =	sdelay $0x1  }
0xd7: {  	v3 =	vperm.xlane v3, v2;
	v4 =	vadd.s32 v1, v4;
	_ =	sdelay $0x1  }
0xd8: {  	v3 =	vadd.s32 v1, v3;
	_ =	sdelay $0x2  }
0xd9: {  	[tilespmem:s15], [sflag:$0x2] =	stream.indirect_vreg.gather [hbm4b:s3+s1], $0x80, v4, vm0, $0xb8;
	[tilespmem:$0x10100] =	vst v63  }
0xda: {  	_ = 	snop  }
0xdb: {  	[tilespmem:s16], [sflag:$0x2] =	stream.indirect_vreg.gather [hbm4b:s3+s1], $0x80, v3, vm0, $0xb8;
	[tilespmem:$0x10100] =	vst v63  }
0xdc: {  	_ =	swait.ge [sflag:s17], $0x8000  }
0xdd: {  	p0 =	seq.s32 s22, $0xE000;
	[sflag:s17] =	ssyncset.done $0x0  }
.Ltmp4:
0xde: {  	s23 =	sadd.s32 s22, s6;
	[sflag:s17] =	ssyncadd.s32 $0xFFFF8000;
	(pc) =	sbr.rel @p0 .LBB2_4-.Ltmp4, $4  }
0xdf: {  	[hbm4b:s23+s1] =	stream.linear.scatter [tilespmem:s10], [sflag:$0x3], $0x8000, $0x38;
	[tilespmem:$0x10100] =	vst v63  }
0xe0: {  	_ =	swait.ge [sflag:s18], $0x8000  }
0xe1: {  	[sflag:s18] =	ssyncset.done $0x0  }
0xe2: {  	[sflag:s18] =	ssyncadd.s32 $0xFFFF8000  }
0xe3: {  	[tilespmem:s1], [sflag:$0x5] =	stream.linear.gather [hbm4b:s20+s1], $0x80, $0x38;
	[tilespmem:$0x10100] =	vst v63  }
0xe4: {  	_ =	swait.ge [sflag:s9], $0x80  }
0xe5: {  	[sflag:s9] =	ssyncset.done $0x0  }
0xe6: {  	[sflag:s9] =	ssyncadd.s32 $0xFFFFFF80  }
0xe7: {  	v3 =	vld [tilespmem:$0x0];
	_ =	sdelay $0x4  }
0xe8: {  	v4 =	vshll.u32 v3, $0x1  }
0xe9: {  	v3 =	vand.u32 $0x7, v3;
	v4 =	vand.u32 $0xFFFFFFF0, v4  }
0xea: {  	v3 =	vor.u32 v3, v4  }
0xeb: {  	v4 =	vperm.xlane v3, v0;
	_ =	sdelay $0x1  }
0xec: {  	v3 =	vperm.xlane v3, v2;
	v4 =	vadd.s32 v1, v4;
	_ =	sdelay $0x1  }
0xed: {  	v3 =	vadd.s32 v1, v3;
	_ =	sdelay $0x2  }
0xee: {  	[tilespmem:s10], [sflag:$0x1] =	stream.indirect_vreg.gather [hbm4b:s3+s1], $0x80, v4, vm0, $0xb8;
	[tilespmem:$0x10100] =	vst v63  }
0xef: {  	s24 =	simm.s32 $0x900  }
0xf0: {  	[tilespmem:s24], [sflag:$0x1] =	stream.indirect_vreg.gather [hbm4b:s3+s1], $0x80, v3, vm0, $0xb8;
	[tilespmem:$0x10100] =	vst v63  }
0xf1: {  	v3 =	vld [tilespmem:$0x10];
	_ =	sdelay $0x4  }
0xf2: {  	v57 =	vshll.u32 v3, $0x1  }
0xf3: {  	v3 =	vand.u32 $0x7, v3;
	v4 =	vand.u32 $0xFFFFFFF0, v57  }
0xf4: {  	v3 =	vor.u32 v3, v4  }
0xf5: {  	v4 =	vperm.xlane v3, v0;
	_ =	sdelay $0x1  }
0xf6: {  	v3 =	vperm.xlane v3, v2;
	v4 =	vadd.s32 v1, v4;
	_ =	sdelay $0x1  }
0xf7: {  	v3 =	vadd.s32 v1, v3;
	_ =	sdelay $0x1  }
0xf8: {  	s24 =	simm.s32 $0x1100  }
0xf9: {  	[tilespmem:s24], [sflag:$0x1] =	stream.indirect_vreg.gather [hbm4b:s3+s1], $0x80, v4, vm0, $0xb8;
	[tilespmem:$0x10100] =	vst v63  }
0xfa: {  	s24 =	simm.s32 $0x1900  }
0xfb: {  	[tilespmem:s24], [sflag:$0x1] =	stream.indirect_vreg.gather [hbm4b:s3+s1], $0x80, v3, vm0, $0xb8;
	[tilespmem:$0x10100] =	vst v63  }
0xfc: {  	v3 =	vld [tilespmem:$0x20];
	_ =	sdelay $0x4  }
0xfd: {  	v58 =	vshll.u32 v3, $0x1  }
0xfe: {  	v3 =	vand.u32 $0x7, v3;
	v4 =	vand.u32 $0xFFFFFFF0, v58  }
0xff: {  	v3 =	vor.u32 v3, v4  }
0x100: {  	v4 =	vperm.xlane v3, v0;
	_ =	sdelay $0x1  }
0x101: {  	v3 =	vperm.xlane v3, v2;
	v4 =	vadd.s32 v1, v4;
	_ =	sdelay $0x1  }
0x102: {  	v3 =	vadd.s32 v1, v3;
	_ =	sdelay $0x1  }
0x103: {  	s24 =	simm.s32 $0x2100  }
0x104: {  	[tilespmem:s24], [sflag:$0x1] =	stream.indirect_vreg.gather [hbm4b:s3+s1], $0x80, v4, vm0, $0xb8;
	[tilespmem:$0x10100] =	vst v63  }
0x105: {  	s24 =	simm.s32 $0x2900  }
0x106: {  	[tilespmem:s24], [sflag:$0x1] =	stream.indirect_vreg.gather [hbm4b:s3+s1], $0x80, v3, vm0, $0xb8;
	[tilespmem:$0x10100] =	vst v63  }
0x107: {  	v3 =	vld [tilespmem:$0x30];
	_ =	sdelay $0x4  }
0x108: {  	v59 =	vshll.u32 v3, $0x1  }
0x109: {  	v3 =	vand.u32 $0x7, v3;
	v4 =	vand.u32 $0xFFFFFFF0, v59  }
0x10a: {  	v3 =	vor.u32 v3, v4  }
0x10b: {  	v4 =	vperm.xlane v3, v0;
	_ =	sdelay $0x1  }
0x10c: {  	v3 =	vperm.xlane v3, v2;
	v4 =	vadd.s32 v1, v4;
	_ =	sdelay $0x1  }
0x10d: {  	v3 =	vadd.s32 v1, v3;
	_ =	sdelay $0x1  }
0x10e: {  	s24 =	simm.s32 $0x3100  }
0x10f: {  	[tilespmem:s24], [sflag:$0x1] =	stream.indirect_vreg.gather [hbm4b:s3+s1], $0x80, v4, vm0, $0xb8;
	[tilespmem:$0x10100] =	vst v63  }
0x110: {  	s24 =	simm.s32 $0x3900  }
0x111: {  	[tilespmem:s24], [sflag:$0x1] =	stream.indirect_vreg.gather [hbm4b:s3+s1], $0x80, v3, vm0, $0xb8;
	[tilespmem:$0x10100] =	vst v63  }
0x112: {  	v3 =	vld [tilespmem:$0x40];
	_ =	sdelay $0x4  }
0x113: {  	v60 =	vshll.u32 v3, $0x1  }
0x114: {  	v3 =	vand.u32 $0x7, v3;
	v4 =	vand.u32 $0xFFFFFFF0, v60  }
0x115: {  	v3 =	vor.u32 v3, v4  }
0x116: {  	v4 =	vperm.xlane v3, v0;
	_ =	sdelay $0x1  }
0x117: {  	v3 =	vperm.xlane v3, v2;
	v4 =	vadd.s32 v1, v4;
	_ =	sdelay $0x1  }
0x118: {  	v3 =	vadd.s32 v1, v3;
	_ =	sdelay $0x1  }
0x119: {  	s24 =	simm.s32 $0x4100  }
0x11a: {  	[tilespmem:s24], [sflag:$0x1] =	stream.indirect_vreg.gather [hbm4b:s3+s1], $0x80, v4, vm0, $0xb8;
	[tilespmem:$0x10100] =	vst v63  }
0x11b: {  	s24 =	simm.s32 $0x4900  }
0x11c: {  	[tilespmem:s24], [sflag:$0x1] =	stream.indirect_vreg.gather [hbm4b:s3+s1], $0x80, v3, vm0, $0xb8;
	[tilespmem:$0x10100] =	vst v63  }
0x11d: {  	v3 =	vld [tilespmem:$0x50];
	_ =	sdelay $0x4  }
0x11e: {  	v61 =	vshll.u32 v3, $0x1  }
0x11f: {  	v3 =	vand.u32 $0x7, v3;
	v4 =	vand.u32 $0xFFFFFFF0, v61  }
0x120: {  	v3 =	vor.u32 v3, v4  }
0x121: {  	v4 =	vperm.xlane v3, v0;
	_ =	sdelay $0x1  }
0x122: {  	v3 =	vperm.xlane v3, v2;
	v4 =	vadd.s32 v1, v4;
	_ =	sdelay $0x1  }
0x123: {  	v3 =	vadd.s32 v1, v3;
	_ =	sdelay $0x1  }
0x124: {  	s24 =	simm.s32 $0x5100  }
0x125: {  	[tilespmem:s24], [sflag:$0x1] =	stream.indirect_vreg.gather [hbm4b:s3+s1], $0x80, v4, vm0, $0xb8;
	[tilespmem:$0x10100] =	vst v63  }
0x126: {  	s24 =	simm.s32 $0x5900  }
0x127: {  	[tilespmem:s24], [sflag:$0x1] =	stream.indirect_vreg.gather [hbm4b:s3+s1], $0x80, v3, vm0, $0xb8;
	[tilespmem:$0x10100] =	vst v63  }
0x128: {  	v3 =	vld [tilespmem:$0x60];
	_ =	sdelay $0x4  }
0x129: {  	v62 =	vshll.u32 v3, $0x1  }
0x12a: {  	v3 =	vand.u32 $0x7, v3;
	v4 =	vand.u32 $0xFFFFFFF0, v62  }
0x12b: {  	v3 =	vor.u32 v3, v4  }
0x12c: {  	v4 =	vperm.xlane v3, v0;
	_ =	sdelay $0x1  }
0x12d: {  	v3 =	vperm.xlane v3, v2;
	v4 =	vadd.s32 v1, v4;
	_ =	sdelay $0x1  }
0x12e: {  	v3 =	vadd.s32 v1, v3;
	_ =	sdelay $0x1  }
0x12f: {  	s24 =	simm.s32 $0x6100  }
0x130: {  	[tilespmem:s24], [sflag:$0x1] =	stream.indirect_vreg.gather [hbm4b:s3+s1], $0x80, v4, vm0, $0xb8;
	[tilespmem:$0x10100] =	vst v63  }
0x131: {  	s24 =	simm.s32 $0x6900  }
0x132: {  	[tilespmem:s24], [sflag:$0x1] =	stream.indirect_vreg.gather [hbm4b:s3+s1], $0x80, v3, vm0, $0xb8;
	[tilespmem:$0x10100] =	vst v63  }
0x133: {  	v3 =	vld [tilespmem:$0x70];
	_ =	sdelay $0x4  }
0x134: {  	v63 =	vshll.u32 v3, $0x1  }
0x135: {  	v3 =	vand.u32 $0x7, v3;
	v4 =	vand.u32 $0xFFFFFFF0, v63  }
0x136: {  	v3 =	vor.u32 v3, v4  }
0x137: {  	v4 =	vperm.xlane v3, v0;
	_ =	sdelay $0x1  }
0x138: {  	v3 =	vperm.xlane v3, v2;
	v4 =	vadd.s32 v1, v4;
	_ =	sdelay $0x1  }
0x139: {  	v3 =	vadd.s32 v1, v3  }
.Ltmp5:
0x13a: {  	_ = 	snop;
	(pc) =	sbr.rel .LBB2_4-.Ltmp5, $4  }
0x13b: {  	s24 =	simm.s32 $0x7100  }
0x13c: {  	[tilespmem:s24], [sflag:$0x1] =	stream.indirect_vreg.gather [hbm4b:s3+s1], $0x80, v4, vm0, $0xb8;
	[tilespmem:$0x10100] =	vst v63  }
0x13d: {  	_ = 	snop  }
0x13e: {  	[tilespmem:s25], [sflag:$0x1] =	stream.indirect_vreg.gather [hbm4b:s3+s1], $0x80, v3, vm0, $0xb8;
	[tilespmem:$0x10100] =	vst v63  }
.LBB2_6:
0x13f: {  	_ =	sfence.sel $0x180000  }
0x140: {  	[bflag:$0x0] =	sbarrier.arrive $0xFFFF  }
0x141: {  	_ =	strace $0x90000047  }
0x142: {  	s0 =	stileid.u32;
	[bflag:$0x2] =	sbarrier.arrive $0xFFFF  }
0x143: {  	p0 =	sne.s32 s0, $0x0;
	s0 =	rddreg [dreg:$0x1]  }
0x144: {  	s0 =	sadd.s32 @!p0 $0x100000, s0  }
0x145: {  	[sflag:s0] =	ssyncadd.tile.s32 @!p0 $0x1;
	_ =	shalt  }
.Lfunc_end2:
_tile_overlayer_lowered:
.L_overlay_start_2:
0x146: {  	(tag) =	ssettag $0x2  }
0x147: {  	s0 =	rddreg [dreg:$0x0];
	s2 =	stileid.u32  }
0x148: {  	s1 =	rddreg [dreg:$0x1];
	p0 =	sne.s32 s2, $0x0  }
0x149: {  	s3 =	rddreg [dreg:$0x2];
	[bflag:$0x3] =	sbarrier.arrive $0xFFFF;
	s2 =	simm.s32 @!p0 $0x1C05  }
0x14a: {  	[timem:s3], [sflag:s2] =	dma.local @!p0 [hbm:s0], s1  }
0x14b: {  	s0 =	simm.s32 @!p0 $0x5  }
0x14c: {  	_ =	swait.ge @!p0 [sflag:s0], s1  }
0x14d: {  	s1 =	ssub.s32 @!p0 $0x0, s1;
	[sflag:s0] =	ssyncset.done @!p0 $0x0  }
0x14e: {  	[sflag:s0] =	ssyncadd.s32 @!p0 s1  }
0x14f: {  	[bflag:$0x3] =	sbarrier.arrive $0xFFFF  }
0x150: {  	_ =	shalt  }

// kernel: kernel.20.cloned.1.call-start
scs
__scs_entry_jumppad:
0x0: {  	(pc) =	sbr.rel $0x88, $3  }
0x1: {  	(tag) =	ssettag $0x0;
	lr =	simm.s32 $0x1  }
0x2: {  	[smem:$0x3F89] =	sst lr;
	_ =	strace $0xD0000000  }
0x3: {  	_ = 	snop  }
0x4: {  	_ = 	snop  }
0x5: {  	_ = 	snop  }
0x6: {  	_ = 	snop  }
0x7: {  	_ = 	snop  }
__scs_overlays_trampoline_lowered:
0x8: {  	[smem:$0x3F98] =	sst s0  }
0x9: {  	[smem:$0x3F99] =	sst s1  }
0xa: {  	[smem:$0x3F9A] =	sst s2  }
0xb: {  	[smem:$0x3F9B] =	sst s3  }
0xc: {  	[smem:$0x3F9C] =	sst s4  }
0xd: {  	[smem:$0x3F9D] =	sst s5  }
0xe: {  	[smem:$0x3F9E] =	sst s6  }
0xf: {  	[smem:$0x3F9F] =	sst s7  }
0x10: {  	[smem:$0x3FA0] =	sst s8  }
0x11: {  	[smem:$0x3FA1] =	sst s9;
	s0 =	simm.s32 @!p0 $0x0  }
0x12: {  	s1 =	sld [smem:$0x3F87];
	s0 =	simm.s32 @p0 $0x1  }
0x13: {  	[smem:$0x3FA2] =	sst s0;
	s0 =	simm.s32 @!p1 $0x0  }
0x14: {  	s2 =	sld [smem:$0x3F86];
	s0 =	simm.s32 @p1 $0x1  }
0x15: {  	[smem:$0x3FA3] =	sst s0;
	s0 =	simm.s32 @!p2 $0x0  }
0x16: {  	s3 =	sld [smem:$0x3FDB];
	s0 =	simm.s32 @p2 $0x1  }
0x17: {  	s4 =	simm.s32 $0x1BF5;
	[smem:$0x3FA5] =	sst s0  }
0x18: {  	s0 =	sld [smem:$0x3F88];
	_ =	swait.ge [sflag:s4], $0x0  }
0x19: {  	s7 =	sld [smem:$0x3F89]  }
0x1a: {  	s8 =	sadd.s32 $0xFFFFE003, lr  }
0x1b: {  	s9 =	sadd.s32 $0xFFFFFEF7, lr;
	s5 =	simm.s32 $0xFFFFFFFF;
	p2 =	slt.u32 s8, $0xFFFFF086  }
0x1c: {  	p1 =	slt.u32 s9, $0xF7A;
	s5 =	simm.s32 @!p2 $0x0  }
0x1d: {  	s5 =	simm.s32 @p1 $0x1;
	p0 =	seq.s32 s7, s2  }
0x1e: {  	s7 =	smul.u32 @!p0 $0xF7A, s2;
	p2 =	seq.s32 @!p0 s5, $0x0  }
0x1f: {  	s9 =	smul.u32 $0xF7A, s1;
	s8 =	simm.s32 @!p0 $0x1BF5;
	p2 =	por !p2, p0  }
0x20: {  	[sflag:s8] =	ssyncset.s32 @!p0 $0xFFFFF086;
	s6 =	sadd.s32 @!p0 s3, s7;
	s7 =	simm.s32 @!p0 $0x108  }
0x21: {  	s3 =	sadd.s32 s3, s9;
	s6 =	sadd.s32 @!p0 $0x88, s6;
	s7 =	simm.s32 @p2 $0x1082  }
0x22: {  	[simem:s7], [sflag:s8] =	dma.local @!p0 [hbm:s6], $0xF7A  }
0x23: {  	s9 =	sor.u32 $0xD0000000, s2;
	s6 =	simm.s32 $0x108;
	_ =	swait.ge @!p0 [sflag:s8], $0x0  }
0x24: {  	s3 =	sadd.s32 $0x88, s3;
	s6 =	simm.s32 @!p1 $0x1082;
	[sflag:s4] =	ssyncset.s32 $0xFFFFF086  }
0x25: {  	[simem:s6], [sflag:s4] =	dma.local [hbm:s3], $0xF7A  }
0x26: {  	[smem:$0x3F89] =	sst s1;
	(tag) =	ssettag s2;
	_ =	strace s9  }
0x27: {  	s1 =	sld [smem:$0x3F99]  }
0x28: {  	s2 =	sld [smem:$0x3F9A]  }
0x29: {  	s4 =	sld [smem:$0x3F9C]  }
0x2a: {  	p0 =	seq.s32 s5, $0x0;
	s5 =	sld [smem:$0x3F9D]  }
0x2b: {  	s6 =	sld [smem:$0x3F9E]  }
0x2c: {  	s7 =	sld [smem:$0x3F9F]  }
0x2d: {  	s3 =	simm.s32 $0x108;
	s8 =	sld [smem:$0x3FA0]  }
0x2e: {  	s3 =	simm.s32 @!p0 $0x1082;
	s9 =	sld [smem:$0x3FA1]  }
0x2f: {  	lr =	sadd.s32 s0, s3;
	s0 =	sld [smem:$0x3F98]  }
0x30: {  	s3 =	sld [smem:$0x3F9B]  }
0x31: {  	[smem:$0x3FA4] =	sst s10  }
0x32: {  	s10 =	sld [smem:$0x3FA2];
	_ =	sdelay $0x3  }
0x33: {  	p0 =	seq.s32 s10, $0x1;
	s10 =	sld [smem:$0x3FA4];
	_ =	sdelay $0x3  }
0x34: {  	[smem:$0x3FA4] =	sst s10  }
0x35: {  	s10 =	sld [smem:$0x3FA3];
	_ =	sdelay $0x3  }
0x36: {  	p1 =	seq.s32 s10, $0x1;
	s10 =	sld [smem:$0x3FA4];
	_ =	sdelay $0x3  }
0x37: {  	[smem:$0x3FA4] =	sst s10  }
0x38: {  	s10 =	sld [smem:$0x3FA5]  }
0x39: {  	_ = 	snop;
	(pc) =	sbr.ind lr, $3  }
0x3a: {  	_ = 	snop  }
0x3b: {  	_ = 	snop  }
0x3c: {  	p2 =	seq.s32 s10, $0x1;
	s10 =	sld [smem:$0x3FA4]  }
0x3d: {  	_ =	shalt  }
0x3e: {  	_ =	shalt  }
0x3f: {  	_ =	shalt  }
0x40: {  	_ =	shalt  }
0x41: {  	_ =	shalt  }
0x42: {  	_ =	shalt  }
0x43: {  	_ =	shalt  }
0x44: {  	_ =	shalt  }
0x45: {  	_ =	shalt  }
0x46: {  	_ =	shalt  }
0x47: {  	_ =	shalt  }
0x48: {  	_ =	shalt  }
0x49: {  	_ =	shalt  }
0x4a: {  	_ =	shalt  }
0x4b: {  	_ =	shalt  }
0x4c: {  	_ =	shalt  }
0x4d: {  	_ =	shalt  }
0x4e: {  	_ =	shalt  }
0x4f: {  	_ =	shalt  }
0x50: {  	_ =	shalt  }
0x51: {  	_ =	shalt  }
0x52: {  	_ =	shalt  }
0x53: {  	_ =	shalt  }
0x54: {  	_ =	shalt  }
0x55: {  	_ =	shalt  }
0x56: {  	_ =	shalt  }
0x57: {  	_ =	shalt  }
0x58: {  	_ =	shalt  }
0x59: {  	_ =	shalt  }
0x5a: {  	_ =	shalt  }
0x5b: {  	_ =	shalt  }
0x5c: {  	_ =	shalt  }
0x5d: {  	_ =	shalt  }
0x5e: {  	_ =	shalt  }
0x5f: {  	_ =	shalt  }
0x60: {  	_ =	shalt  }
0x61: {  	_ =	shalt  }
0x62: {  	_ =	shalt  }
0x63: {  	_ =	shalt  }
0x64: {  	_ =	shalt  }
0x65: {  	_ =	shalt  }
0x66: {  	_ =	shalt  }
0x67: {  	_ =	shalt  }
0x68: {  	_ =	shalt  }
0x69: {  	_ =	shalt  }
0x6a: {  	_ =	shalt  }
0x6b: {  	_ =	shalt  }
0x6c: {  	_ =	shalt  }
0x6d: {  	_ =	shalt  }
0x6e: {  	_ =	shalt  }
0x6f: {  	_ =	shalt  }
0x70: {  	_ =	shalt  }
0x71: {  	_ =	shalt  }
0x72: {  	_ =	shalt  }
0x73: {  	_ =	shalt  }
0x74: {  	_ =	shalt  }
0x75: {  	_ =	shalt  }
0x76: {  	_ =	shalt  }
0x77: {  	_ =	shalt  }
0x78: {  	_ =	shalt  }
0x79: {  	_ =	shalt  }
0x7a: {  	_ =	shalt  }
0x7b: {  	_ =	shalt  }
0x7c: {  	_ =	shalt  }
0x7d: {  	_ =	shalt  }
0x7e: {  	_ =	shalt  }
0x7f: {  	_ =	shalt  }
0x80: {  	_ =	shalt  }
0x81: {  	_ =	shalt  }
0x82: {  	_ =	shalt  }
0x83: {  	_ =	shalt  }
0x84: {  	_ =	shalt  }
0x85: {  	_ =	shalt  }
0x86: {  	_ =	shalt  }
0x87: {  	_ =	shalt  }
.Lfunc_end0:
.L_simem_size_0:
called_computation.1_lowered:
.L_overlay_start_0:
0x88: {  	s2 =	sld [smem:$0x3FD9]  }
0x89: {  	s3 =	sld [smem:$0x3FFE];
	_ =	sdelay $0x1  }
0x8a: {  	s1 =	srdreg.scid  }
0x8b: {  	s0 =	sand.u32 $0x1, s1  }
0x8c: {  	s17 =	sshll.u32 s0, $0xA;
	s2 =	sadd.s32 s3, s2  }
0x8d: {  	s2 =	sadd.s32 s2, s17  }
0x8e: {  	[smem:$0x3FB0] =	sst s2  }
0x8f: {  	_ = 	snop  }
0x90: {  	(tm) =	ssettm $0x1  }
0x91: {  	s18 =	sld [smem:$0x3FFB];
	_ =	sdelay $0x3  }
0x92: {  	_ =	strace s18  }
0x93: {  	s2 =	sld [smem:$0x3FFC];
	_ =	sdelay $0x3  }
0x94: {  	_ =	strace s2  }
0x95: {  	s2 =	sld [smem:$0x3FFD];
	_ =	sdelay $0x3  }
0x96: {  	_ =	strace s2  }
0x97: {  	_ =	strace $0x8FFFFFFF  }
0x98: {  	s19 =	sld [smem:$0x3FDB];
	_ =	sdelay $0x1  }
0x99: {  	s20 =	simm.s32 $_scs_section_size  }
0x9a: {  	s4 =	simm.s32 $_size__tile_overlayer_lowered;
	s5 =	simm.s32 $_tile_overlayer_lowered  }
0x9b: {  	s6 =	simm.s32 $0x1BFF;
	s21 =	sshll.u32 s5, $0x1;
	s3 =	sadd.s32 s20, s19  }
0x9c: {  	s22 =	simm.s32 $0x0;
	s4 =	sshll.u32 s4, $0x1;
	s5 =	sadd.s32 s21, s3  }
0x9d: {  	[timem:s22], [sflag:s6] =	dma.local [hbm:s5], s4  }
0x9e: {  	_ =	swait.ge [sflag:s6], s4  }
0x9f: {  	s4 =	ssub.s32 $0x0, s4;
	[sflag:s6] =	ssyncset.done $0x0  }
0xa0: {  	[sflag:s6] =	ssyncadd.s32 s4;
	_ =	sdelay $0x1  }
0xa1: {  	s23 =	simm.s32 $0x1B8B  }
0xa2: {  	_ =	swait.ge [sflag:s23], $0x1  }
0xa3: {  	[sflag:s23] =	ssyncset.done $0x0  }
0xa4: {  	[sflag:s23] =	ssyncadd.s32 $0xFFFFFFFF  }
0xa5: {  	s4 =	sld [smem:$0x0]  }
0xa6: {  	s5 =	sand.u32 $0xFFFFFFFE, s1  }
0xa7: {  	p0 =	sne.s32 s1, s5  }
0xa8: {  	s5 =	sshll.u32 @p0 s5, $0xE  }
0xa9: {  	s5 =	sadd.s32 @p0 $0x11B8D, s5;
	s6 =	sshll.u32 @p0 s4, $0x11  }
0xaa: {  	s5 =	sor.u32 @p0 s6, s5  }
0xab: {  	[sflag:s5] =	ssyncadd.remote.s32 @p0 $0x1;
	_ =	sdelay $0x1  }
0xac: {  	s5 =	simm.s32 @p0 $0x1B8D  }
0xad: {  	_ =	swait.eq @p0 [sflag:s5], $0x1  }
0xae: {  	[sflag:s5] =	ssyncadd.s32 @p0 $0xFFFFFFFF  }
0xaf: {  	s6 =	sshll.u32 @!p0 s1, $0xE  }
0xb0: {  	s6 =	sor.u32 @!p0 $0x4000, s6;
	s5 =	simm.s32 @!p0 $0x1B8D  }
0xb1: {  	s4 =	sshll.u32 @!p0 s4, $0x11;
	s6 =	sadd.s32 @!p0 $0x11B8D, s6;
	_ =	swait.eq @!p0 [sflag:s5], $0x1  }
0xb2: {  	s4 =	sor.u32 @!p0 s4, s6;
	[sflag:s5] =	ssyncadd.s32 @!p0 $0xFFFFFFFF  }
0xb3: {  	s25 =	simm.s32 $0x1B8E;
	s24 =	sld [smem:$0x3FFE];
	[sflag:s4] =	ssyncadd.remote.s32 @!p0 $0x1  }
0xb4: {  	s26 =	simm.s32 $execute0_lowered;
	[smem:$0x3FD2] =	sst s25  }
0xb5: {  	s5 =	sshll.u32 s26, $0x1;
	_ =	strace $0x80000049;
	[dreg:$0x1] =	wrdreg $0xFFFFFFFF  }
0xb6: {  	s28 =	simm.s32 $_size_execute0_lowered;
	s3 =	sadd.s32 s3, s5;
	[dreg:$0x0] =	wrdreg $0x0  }
0xb7: {  	s5 =	sshll.u32 s28, $0x1;
	[dreg:$0x2] =	wrdreg s3  }
0xb8: {  	[dreg:$0x3] =	wrdreg s5  }
0xb9: {  	[dreg:$0x4] =	wrdreg $0xC0  }
0xba: {  	_ =	task [dreg:s22], $0x5FFFF  }
0xbb: {  	[dreg:$0x1] =	wrdreg $0xFFFFFFFF  }
0xbc: {  	[dreg:$0x0] =	wrdreg $0x60  }
0xbd: {  	[dreg:$0x2] =	wrdreg s24  }
0xbe: {  	[dreg:$0x3] =	wrdreg $0xA  }
0xbf: {  	_ =	task.clear_ibuf [dreg:s22], $0x4FFFF;
	_ =	strace $0x90000049  }
0xc0: {  	s29 =	simm.s32 $0xA;
	_ =	strace $0x8000004B  }
0xc1: {  	_ =	swait.ge [sflag:s29], $0x1  }
0xc2: {  	[sflag:s29] =	ssyncadd.s32 $0xFFFFFFFF  }
0xc3: {  	_ =	strace $0x9000004B  }
0xc4: {  	_ =	sfence  }
0xc5: {  	s30 =	sld [smem:$0x0];
	_ =	sdelay $0x2  }
0xc6: {  	s31 =	sshll.u32 s1, $0xD;
	s1 =	sshrl.u32 s1, $0x2  }
0xc7: {  	s4 =	sand.u32 $0x4000, s31;
	s1 =	sadd.s32 s1, s30  }
0xc8: {  	s0 =	sor.u32 s4, s0;
	s1 =	sshll.u32 s1, $0x11  }
0xc9: {  	s0 =	sor.u32 s1, s0  }
0xca: {  	s0 =	sadd.s32 $0x8F2B, s0  }
0xcb: {  	[sflag:s0] =	ssyncadd.remote.s32 $0x1  }
0xcc: {  	_ =	sfence.sel $0xFFFF  }
0xcd: {  	[dreg:$0x0] =	wrdreg $0xFFFFFFFF;
	(pc) =	sbr.abs _section_cstart, $3  }
0xce: {  	[dreg:$0x1] =	wrdreg $0xFFFFFFFF  }
0xcf: {  	_ =	task.clear_ibuf [dreg:s22], $0x2FFFF;
	_ =	strace $0x9FFFFFFF  }
0xd0: {  	(tm) =	ssettm $0x7FFFFFFF  }
0xd1: {  	_ =	shalt  }
tec
execute0_lowered:
.L_overlay_start_1:
0x0: {  	(tag) =	ssettag $0x1  }
0x1: {  	s0 =	rddreg [dreg:$0x0]  }
0x2: {  	s1 =	simm.s32 $0x0;
	s2 =	srdreg.scid;
	s9 =	stileid.u32  }
0x3: {  	s10 =	simm.s32 $0x100;
	s28 =	simm.s32 $0x8100;
	s29 =	simm.s32 $0x8900  }
0x4: {  	s30 =	simm.s32 $0x9100;
	s31 =	simm.s32 $0x9900;
	s11 =	simm.s32 $0xD100  }
0x5: {  	s12 =	simm.s32 $0xD900;
	s13 =	simm.s32 $0xE100;
	s14 =	simm.s32 $0xE900  }
0x6: {  	s15 =	simm.s32 $0xF100;
	s16 =	simm.s32 $0xF900;
	s17 =	simm.s32 $0x1  }
0x7: {  	s18 =	simm.s32 $0x3;
	[smem:$0x7FF] =	sst s1;
	s3 =	sadd.s32 $0x17E00, s0  }
0x8: {  	s2 =	sand.u32 $0x1, s2;
	s5 =	sshll.u32 s9, $0xC;
	s7 =	sadd.s32 $0x237E00, s0  }
0x9: {  	s19 =	sshll.u32 s9, $0x11;
	s9 =	simm.s32 $0x5;
	_ =	strace $0x8000004A  }
0xa: {  	s4 =	ssub.s32 $0x2, s2;
	s6 =	sshll.u32 s2, $0xB;
	s0 =	sadd.s32 s19, s0  }
0xb: {  	s2 =	sshll.u32 s2, $0x10;
	s19 =	simm.s32 $0x2;
	s8 =	sshrl.u32 s4, $0x1  }
0xc: {  	s5 =	sor.u32 s6, s5;
	s0 =	sadd.s32 s2, s0;
	s2 =	simm.s32 $0xA900  }
0xd: {  	s4 =	ssub.s32 s4, s8;
	s20 =	sshrl.u32 s5, $0x3;
	s22 =	sor.u32 $0x80, s5  }
0xe: {  	s5 =	sor.u32 $0x100, s5;
	s6 =	sadd.s32 $0x239E00, s0;
	s0 =	simm.s32 $0xA100  }
0xf: {  	s8 =	simm.s32 $0xC900;
	s21 =	sadd.s32 s7, s20;
	s4 =	smax.u32 s4, $0x1  }
.Ltmp0:
0x10: {  	s23 =	sshrl.u32 s22, $0x3;
	s24 =	sshrl.u32 s5, $0x3;
	(pc) =	sbr.rel .LBB2_1-.Ltmp0, $4  }
0x11: {  	s5 =	simm.s32 $0xB900;
	s22 =	simm.s32 $0x0;
	[dreg:$0x2] =	wrdreg s21  }
0x12: {  	v2 =	vlaneseq.u32;
	[dreg:$0x3] =	wrdreg s4;
	s25 =	sadd.s32 s23, s7;
	s26 =	sadd.s32 s24, s7  }
0x13: {  	vm0 =	vmmov $0xffff;
	v1 =	vshrl.u32 v2, $0x3;
	s4 =	simm.s32 $0xB100;
	s7 =	simm.s32 $0xC100;
	[dreg:$0x4] =	wrdreg s25  }
0x14: {  	v0 =	vand.u32 $0x7, v2;
	v2 =	vor.u32 $0x8, v2;
	v1 =	vmul.u32 $0x8, v1;
	[dreg:$0x5] =	wrdreg s26;
	s25 =	simm.s32 $0x7900;
	s26 =	simm.s32 $0x80  }
.LBB2_5:
0x15: {  	s21 =	simm.s32 $0x4  }
0x16: {  	_ =	swait.ge [sflag:s21], $0x8000  }
0x17: {  	s22 =	rddreg [dreg:$0x6]  }
0x18: {  	s20 =	rddreg [dreg:$0x3];
	s22 =	sadd.s32 $0x1, s22  }
0x19: {  	p0 =	sne.s32 s22, s20  }
.Ltmp1:
0x1a: {  	_ = 	snop;
	(pc) =	sbr.rel @!p0 .LBB2_6-.Ltmp1, $3  }
0x1b: {  	_ =	sdelay $0x1  }
0x1c: {  	[sflag:s21] =	ssyncset.done $0x0  }
0x1d: {  	[sflag:s21] =	ssyncadd.s32 $0xFFFF8000  }
.LBB2_1:
0x1e: {  	[dreg:$0x6] =	wrdreg s22  }
0x1f: {  	s20 =	rddreg [dreg:$0x2]  }
0x20: {  	[tilespmem:s1], [sflag:$0x5] =	stream.linear.gather [hbm4b:s20+s1], $0x80, $0x38;
	[tilespmem:$0x10100] =	vst v63  }
0x21: {  	_ =	swait.ge [sflag:s9], $0x80  }
0x22: {  	[sflag:s9] =	ssyncset.done $0x0  }
0x23: {  	[sflag:s9] =	ssyncadd.s32 $0xFFFFFF80  }
0x24: {  	v3 =	vld [tilespmem:$0x0];
	_ =	sdelay $0x4  }
0x25: {  	v4 =	vshll.u32 v3, $0x1  }
0x26: {  	v3 =	vand.u32 $0x7, v3;
	v4 =	vand.u32 $0xFFFFFFF0, v4  }
0x27: {  	v3 =	vor.u32 v3, v4  }
0x28: {  	v4 =	vperm.xlane v3, v0;
	_ =	sdelay $0x1  }
0x29: {  	v3 =	vperm.xlane v3, v2;
	v4 =	vadd.s32 v1, v4;
	_ =	sdelay $0x1  }
0x2a: {  	v3 =	vadd.s32 v1, v3;
	_ =	sdelay $0x2  }
0x2b: {  	[tilespmem:s10], [sflag:$0x1] =	stream.indirect_vreg.gather [hbm4b:s3+s1], $0x80, v4, vm0, $0xb8;
	[tilespmem:$0x10100] =	vst v63  }
0x2c: {  	s23 =	simm.s32 $0x900  }
0x2d: {  	[tilespmem:s23], [sflag:$0x1] =	stream.indirect_vreg.gather [hbm4b:s3+s1], $0x80, v3, vm0, $0xb8;
	[tilespmem:$0x10100] =	vst v63  }
0x2e: {  	v3 =	vld [tilespmem:$0x10];
	_ =	sdelay $0x4  }
0x2f: {  	v57 =	vshll.u32 v3, $0x1  }
0x30: {  	v3 =	vand.u32 $0x7, v3;
	v4 =	vand.u32 $0xFFFFFFF0, v57  }
0x31: {  	v3 =	vor.u32 v3, v4  }
0x32: {  	v4 =	vperm.xlane v3, v0;
	_ =	sdelay $0x1  }
0x33: {  	v3 =	vperm.xlane v3, v2;
	v4 =	vadd.s32 v1, v4;
	_ =	sdelay $0x1  }
0x34: {  	v3 =	vadd.s32 v1, v3;
	_ =	sdelay $0x1  }
0x35: {  	s24 =	simm.s32 $0x1100  }
0x36: {  	[tilespmem:s24], [sflag:$0x1] =	stream.indirect_vreg.gather [hbm4b:s3+s1], $0x80, v4, vm0, $0xb8;
	[tilespmem:$0x10100] =	vst v63  }
0x37: {  	s21 =	simm.s32 $0x1900  }
0x38: {  	[tilespmem:s21], [sflag:$0x1] =	stream.indirect_vreg.gather [hbm4b:s3+s1], $0x80, v3, vm0, $0xb8;
	[tilespmem:$0x10100] =	vst v63  }
0x39: {  	v3 =	vld [tilespmem:$0x20];
	_ =	sdelay $0x4  }
0x3a: {  	v58 =	vshll.u32 v3, $0x1  }
0x3b: {  	v3 =	vand.u32 $0x7, v3;
	v4 =	vand.u32 $0xFFFFFFF0, v58  }
0x3c: {  	v3 =	vor.u32 v3, v4  }
0x3d: {  	v4 =	vperm.xlane v3, v0;
	_ =	sdelay $0x1  }
0x3e: {  	v3 =	vperm.xlane v3, v2;
	v4 =	vadd.s32 v1, v4;
	_ =	sdelay $0x1  }
0x3f: {  	v3 =	vadd.s32 v1, v3;
	_ =	sdelay $0x1  }
0x40: {  	s22 =	simm.s32 $0x2100  }
0x41: {  	[tilespmem:s22], [sflag:$0x1] =	stream.indirect_vreg.gather [hbm4b:s3+s1], $0x80, v4, vm0, $0xb8;
	[tilespmem:$0x10100] =	vst v63  }
0x42: {  	s23 =	simm.s32 $0x2900  }
0x43: {  	[tilespmem:s23], [sflag:$0x1] =	stream.indirect_vreg.gather [hbm4b:s3+s1], $0x80, v3, vm0, $0xb8;
	[tilespmem:$0x10100] =	vst v63  }
0x44: {  	v3 =	vld [tilespmem:$0x30];
	_ =	sdelay $0x4  }
0x45: {  	v59 =	vshll.u32 v3, $0x1  }
0x46: {  	v3 =	vand.u32 $0x7, v3;
	v4 =	vand.u32 $0xFFFFFFF0, v59  }
0x47: {  	v3 =	vor.u32 v3, v4  }
0x48: {  	v4 =	vperm.xlane v3, v0;
	_ =	sdelay $0x1  }
0x49: {  	v3 =	vperm.xlane v3, v2;
	v4 =	vadd.s32 v1, v4;
	_ =	sdelay $0x1  }
0x4a: {  	v3 =	vadd.s32 v1, v3;
	_ =	sdelay $0x1  }
0x4b: {  	s24 =	simm.s32 $0x3100  }
0x4c: {  	[tilespmem:s24], [sflag:$0x1] =	stream.indirect_vreg.gather [hbm4b:s3+s1], $0x80, v4, vm0, $0xb8;
	[tilespmem:$0x10100] =	vst v63  }
0x4d: {  	s21 =	simm.s32 $0x3900  }
0x4e: {  	[tilespmem:s21], [sflag:$0x1] =	stream.indirect_vreg.gather [hbm4b:s3+s1], $0x80, v3, vm0, $0xb8;
	[tilespmem:$0x10100] =	vst v63  }
0x4f: {  	v3 =	vld [tilespmem:$0x40];
	_ =	sdelay $0x4  }
0x50: {  	v60 =	vshll.u32 v3, $0x1  }
0x51: {  	v3 =	vand.u32 $0x7, v3;
	v4 =	vand.u32 $0xFFFFFFF0, v60  }
0x52: {  	v3 =	vor.u32 v3, v4  }
0x53: {  	v4 =	vperm.xlane v3, v0;
	_ =	sdelay $0x1  }
0x54: {  	v3 =	vperm.xlane v3, v2;
	v4 =	vadd.s32 v1, v4;
	_ =	sdelay $0x1  }
0x55: {  	v3 =	vadd.s32 v1, v3;
	_ =	sdelay $0x1  }
0x56: {  	s22 =	simm.s32 $0x4100  }
0x57: {  	[tilespmem:s22], [sflag:$0x1] =	stream.indirect_vreg.gather [hbm4b:s3+s1], $0x80, v4, vm0, $0xb8;
	[tilespmem:$0x10100] =	vst v63  }
0x58: {  	s23 =	simm.s32 $0x4900  }
0x59: {  	[tilespmem:s23], [sflag:$0x1] =	stream.indirect_vreg.gather [hbm4b:s3+s1], $0x80, v3, vm0, $0xb8;
	[tilespmem:$0x10100] =	vst v63  }
0x5a: {  	v3 =	vld [tilespmem:$0x50];
	_ =	sdelay $0x4  }
0x5b: {  	v61 =	vshll.u32 v3, $0x1  }
0x5c: {  	v3 =	vand.u32 $0x7, v3;
	v4 =	vand.u32 $0xFFFFFFF0, v61  }
0x5d: {  	v3 =	vor.u32 v3, v4  }
0x5e: {  	v4 =	vperm.xlane v3, v0;
	_ =	sdelay $0x1  }
0x5f: {  	v3 =	vperm.xlane v3, v2;
	v4 =	vadd.s32 v1, v4;
	_ =	sdelay $0x1  }
0x60: {  	v3 =	vadd.s32 v1, v3;
	_ =	sdelay $0x1  }
0x61: {  	s24 =	simm.s32 $0x5100  }
0x62: {  	[tilespmem:s24], [sflag:$0x1] =	stream.indirect_vreg.gather [hbm4b:s3+s1], $0x80, v4, vm0, $0xb8;
	[tilespmem:$0x10100] =	vst v63  }
0x63: {  	s21 =	simm.s32 $0x5900  }
0x64: {  	[tilespmem:s21], [sflag:$0x1] =	stream.indirect_vreg.gather [hbm4b:s3+s1], $0x80, v3, vm0, $0xb8;
	[tilespmem:$0x10100] =	vst v63  }
0x65: {  	v3 =	vld [tilespmem:$0x60];
	_ =	sdelay $0x4  }
0x66: {  	v62 =	vshll.u32 v3, $0x1  }
0x67: {  	v3 =	vand.u32 $0x7, v3;
	v4 =	vand.u32 $0xFFFFFFF0, v62  }
0x68: {  	v3 =	vor.u32 v3, v4  }
0x69: {  	v4 =	vperm.xlane v3, v0;
	_ =	sdelay $0x1  }
0x6a: {  	v3 =	vperm.xlane v3, v2;
	v4 =	vadd.s32 v1, v4;
	_ =	sdelay $0x1  }
0x6b: {  	v3 =	vadd.s32 v1, v3;
	_ =	sdelay $0x1  }
0x6c: {  	s22 =	simm.s32 $0x6100  }
0x6d: {  	[tilespmem:s22], [sflag:$0x1] =	stream.indirect_vreg.gather [hbm4b:s3+s1], $0x80, v4, vm0, $0xb8;
	[tilespmem:$0x10100] =	vst v63  }
0x6e: {  	s23 =	simm.s32 $0x6900  }
0x6f: {  	[tilespmem:s23], [sflag:$0x1] =	stream.indirect_vreg.gather [hbm4b:s3+s1], $0x80, v3, vm0, $0xb8;
	[tilespmem:$0x10100] =	vst v63  }
0x70: {  	v3 =	vld [tilespmem:$0x70];
	_ =	sdelay $0x4  }
0x71: {  	v63 =	vshll.u32 v3, $0x1  }
0x72: {  	v3 =	vand.u32 $0x7, v3;
	v4 =	vand.u32 $0xFFFFFFF0, v63  }
0x73: {  	v3 =	vor.u32 v3, v4  }
0x74: {  	v4 =	vperm.xlane v3, v0;
	_ =	sdelay $0x1  }
0x75: {  	v3 =	vperm.xlane v3, v2;
	v4 =	vadd.s32 v1, v4;
	_ =	sdelay $0x1  }
0x76: {  	v3 =	vadd.s32 v1, v3  }
.Ltmp2:
0x77: {  	_ = 	snop;
	(pc) =	sbr.rel .LBB2_2-.Ltmp2, $4  }
0x78: {  	s20 =	rddreg [dreg:$0x5];
	s24 =	simm.s32 $0x7100  }
0x79: {  	[tilespmem:s24], [sflag:$0x1] =	stream.indirect_vreg.gather [hbm4b:s3+s1], $0x80, v4, vm0, $0xb8;
	[tilespmem:$0x10100] =	vst v63  }
0x7a: {  	s21 =	rddreg [dreg:$0x4];
	s22 =	simm.s32 $0x0  }
0x7b: {  	[tilespmem:s25], [sflag:$0x1] =	stream.indirect_vreg.gather [hbm4b:s3+s1], $0x80, v3, vm0, $0xb8;
	[tilespmem:$0x10100] =	vst v63  }
.LBB2_4:
0x7c: {  	s22 =	sadd.s32 $0x2000, s22  }
0x7d: {  	p0 =	sne.s32 s22, $0x10000  }
.Ltmp3:
0x7e: {  	_ = 	snop;
	(pc) =	sbr.rel @!p0 .LBB2_5-.Ltmp3, $4  }
0x7f: {  	_ =	swait.ge [sflag:s19], $0x8000  }
0x80: {  	s23 =	sadd.s32 $0x1000, s23;
	[sflag:s19] =	ssyncset.done $0x0  }
0x81: {  	s21 =	sadd.s32 $0x20, s21;
	s20 =	sadd.s32 $0x20, s20;
	[sflag:s19] =	ssyncadd.s32 $0xFFFF8000  }
0x82: {  	[hbm4b:s23+s1] =	stream.linear.scatter [tilespmem:s28], [sflag:$0x4], $0x8000, $0x38;
	[tilespmem:$0x10100] =	vst v63  }
.LBB2_2:
0x83: {  	p0 =	seq.s32 s22, $0x0  }
0x84: {  	s23 =	simm.s32 @!p0 $0x4  }
0x85: {  	_ =	swait.ge @!p0 [sflag:s23], $0x8000  }
0x86: {  	[sflag:s23] =	ssyncset.done @!p0 $0x0  }
0x87: {  	[sflag:s23] =	ssyncadd.s32 @!p0 $0xFFFF8000  }
0x88: {  	[tilespmem:s26], [sflag:$0x5] =	stream.linear.gather [hbm4b:s21+s1], $0x80, $0x38;
	[tilespmem:$0x10100] =	vst v63  }
0x89: {  	_ =	swait.ge [sflag:s9], $0x80  }
0x8a: {  	[sflag:s9] =	ssyncset.done $0x0  }
0x8b: {  	[sflag:s9] =	ssyncadd.s32 $0xFFFFFF80  }
0x8c: {  	v3 =	vld [tilespmem:$0x80];
	_ =	sdelay $0x4  }
0x8d: {  	v4 =	vshll.u32 v3, $0x1  }
0x8e: {  	v3 =	vand.u32 $0x7, v3;
	v4 =	vand.u32 $0xFFFFFFF0, v4  }
0x8f: {  	v3 =	vor.u32 v3, v4  }
0x90: {  	v4 =	vperm.xlane v3, v0;
	_ =	sdelay $0x1  }
0x91: {  	v3 =	vperm.xlane v3, v2;
	v4 =	vadd.s32 v1, v4;
	_ =	sdelay $0x1  }
0x92: {  	v3 =	vadd.s32 v1, v3;
	_ =	sdelay $0x2  }
0x93: {  	[tilespmem:s28], [sflag:$0x2] =	stream.indirect_vreg.gather [hbm4b:s3+s1], $0x80, v4, vm0, $0xb8;
	[tilespmem:$0x10100] =	vst v63  }
0x94: {  	_ = 	snop  }
0x95: {  	[tilespmem:s29], [sflag:$0x2] =	stream.indirect_vreg.gather [hbm4b:s3+s1], $0x80, v3, vm0, $0xb8;
	[tilespmem:$0x10100] =	vst v63  }
0x96: {  	v3 =	vld [tilespmem:$0x90];
	_ =	sdelay $0x4  }
0x97: {  	v57 =	vshll.u32 v3, $0x1  }
0x98: {  	v3 =	vand.u32 $0x7, v3;
	v4 =	vand.u32 $0xFFFFFFF0, v57  }
0x99: {  	v3 =	vor.u32 v3, v4  }
0x9a: {  	v4 =	vperm.xlane v3, v0;
	_ =	sdelay $0x1  }
0x9b: {  	v3 =	vperm.xlane v3, v2;
	v4 =	vadd.s32 v1, v4;
	_ =	sdelay $0x1  }
0x9c: {  	v3 =	vadd.s32 v1, v3;
	_ =	sdelay $0x2  }
0x9d: {  	[tilespmem:s30], [sflag:$0x2] =	stream.indirect_vreg.gather [hbm4b:s3+s1], $0x80, v4, vm0, $0xb8;
	[tilespmem:$0x10100] =	vst v63  }
0x9e: {  	_ = 	snop  }
0x9f: {  	[tilespmem:s31], [sflag:$0x2] =	stream.indirect_vreg.gather [hbm4b:s3+s1], $0x80, v3, vm0, $0xb8;
	[tilespmem:$0x10100] =	vst v63  }
0xa0: {  	v3 =	vld [tilespmem:$0xA0];
	_ =	sdelay $0x4  }
0xa1: {  	v58 =	vshll.u32 v3, $0x1  }
0xa2: {  	v3 =	vand.u32 $0x7, v3;
	v4 =	vand.u32 $0xFFFFFFF0, v58  }
0xa3: {  	v3 =	vor.u32 v3, v4  }
0xa4: {  	v4 =	vperm.xlane v3, v0;
	_ =	sdelay $0x1  }
0xa5: {  	v3 =	vperm.xlane v3, v2;
	v4 =	vadd.s32 v1, v4;
	_ =	sdelay $0x1  }
0xa6: {  	v3 =	vadd.s32 v1, v3;
	_ =	sdelay $0x2  }
0xa7: {  	[tilespmem:s0], [sflag:$0x2] =	stream.indirect_vreg.gather [hbm4b:s3+s1], $0x80, v4, vm0, $0xb8;
	[tilespmem:$0x10100] =	vst v63  }
0xa8: {  	_ = 	snop  }
0xa9: {  	[tilespmem:s2], [sflag:$0x2] =	stream.indirect_vreg.gather [hbm4b:s3+s1], $0x80, v3, vm0, $0xb8;
	[tilespmem:$0x10100] =	vst v63  }
0xaa: {  	v3 =	vld [tilespmem:$0xB0];
	_ =	sdelay $0x4  }
0xab: {  	v59 =	vshll.u32 v3, $0x1  }
0xac: {  	v3 =	vand.u32 $0x7, v3;
	v4 =	vand.u32 $0xFFFFFFF0, v59  }
0xad: {  	v3 =	vor.u32 v3, v4  }
0xae: {  	v4 =	vperm.xlane v3, v0;
	_ =	sdelay $0x1  }
0xaf: {  	v3 =	vperm.xlane v3, v2;
	v4 =	vadd.s32 v1, v4;
	_ =	sdelay $0x1  }
0xb0: {  	v3 =	vadd.s32 v1, v3;
	_ =	sdelay $0x2  }
0xb1: {  	[tilespmem:s4], [sflag:$0x2] =	stream.indirect_vreg.gather [hbm4b:s3+s1], $0x80, v4, vm0, $0xb8;
	[tilespmem:$0x10100] =	vst v63  }
0xb2: {  	_ = 	snop  }
0xb3: {  	[tilespmem:s5], [sflag:$0x2] =	stream.indirect_vreg.gather [hbm4b:s3+s1], $0x80, v3, vm0, $0xb8;
	[tilespmem:$0x10100] =	vst v63  }
0xb4: {  	v3 =	vld [tilespmem:$0xC0];
	_ =	sdelay $0x4  }
0xb5: {  	v60 =	vshll.u32 v3, $0x1  }
0xb6: {  	v3 =	vand.u32 $0x7, v3;
	v4 =	vand.u32 $0xFFFFFFF0, v60  }
0xb7: {  	v3 =	vor.u32 v3, v4  }
0xb8: {  	v4 =	vperm.xlane v3, v0;
	_ =	sdelay $0x1  }
0xb9: {  	v3 =	vperm.xlane v3, v2;
	v4 =	vadd.s32 v1, v4;
	_ =	sdelay $0x1  }
0xba: {  	v3 =	vadd.s32 v1, v3;
	_ =	sdelay $0x2  }
0xbb: {  	[tilespmem:s7], [sflag:$0x2] =	stream.indirect_vreg.gather [hbm4b:s3+s1], $0x80, v4, vm0, $0xb8;
	[tilespmem:$0x10100] =	vst v63  }
0xbc: {  	_ = 	snop  }
0xbd: {  	[tilespmem:s8], [sflag:$0x2] =	stream.indirect_vreg.gather [hbm4b:s3+s1], $0x80, v3, vm0, $0xb8;
	[tilespmem:$0x10100] =	vst v63  }
0xbe: {  	v3 =	vld [tilespmem:$0xD0];
	_ =	sdelay $0x4  }
0xbf: {  	v61 =	vshll.u32 v3, $0x1  }
0xc0: {  	v3 =	vand.u32 $0x7, v3;
	v4 =	vand.u32 $0xFFFFFFF0, v61  }
0xc1: {  	v3 =	vor.u32 v3, v4  }
0xc2: {  	v4 =	vperm.xlane v3, v0;
	_ =	sdelay $0x1  }
0xc3: {  	v3 =	vperm.xlane v3, v2;
	v4 =	vadd.s32 v1, v4;
	_ =	sdelay $0x1  }
0xc4: {  	v3 =	vadd.s32 v1, v3;
	_ =	sdelay $0x2  }
0xc5: {  	[tilespmem:s11], [sflag:$0x2] =	stream.indirect_vreg.gather [hbm4b:s3+s1], $0x80, v4, vm0, $0xb8;
	[tilespmem:$0x10100] =	vst v63  }
0xc6: {  	_ = 	snop  }
0xc7: {  	[tilespmem:s12], [sflag:$0x2] =	stream.indirect_vreg.gather [hbm4b:s3+s1], $0x80, v3, vm0, $0xb8;
	[tilespmem:$0x10100] =	vst v63  }
0xc8: {  	v3 =	vld [tilespmem:$0xE0];
	_ =	sdelay $0x4  }
0xc9: {  	v62 =	vshll.u32 v3, $0x1  }
0xca: {  	v3 =	vand.u32 $0x7, v3;
	v4 =	vand.u32 $0xFFFFFFF0, v62  }
0xcb: {  	v3 =	vor.u32 v3, v4  }
0xcc: {  	v4 =	vperm.xlane v3, v0;
	_ =	sdelay $0x1  }
0xcd: {  	v3 =	vperm.xlane v3, v2;
	v4 =	vadd.s32 v1, v4;
	_ =	sdelay $0x1  }
0xce: {  	v3 =	vadd.s32 v1, v3;
	_ =	sdelay $0x2  }
0xcf: {  	[tilespmem:s13], [sflag:$0x2] =	stream.indirect_vreg.gather [hbm4b:s3+s1], $0x80, v4, vm0, $0xb8;
	[tilespmem:$0x10100] =	vst v63  }
0xd0: {  	_ = 	snop  }
0xd1: {  	[tilespmem:s14], [sflag:$0x2] =	stream.indirect_vreg.gather [hbm4b:s3+s1], $0x80, v3, vm0, $0xb8;
	[tilespmem:$0x10100] =	vst v63  }
0xd2: {  	v3 =	vld [tilespmem:$0xF0];
	_ =	sdelay $0x4  }
0xd3: {  	v63 =	vshll.u32 v3, $0x1  }
0xd4: {  	v3 =	vand.u32 $0x7, v3;
	v4 =	vand.u32 $0xFFFFFFF0, v63  }
0xd5: {  	v3 =	vor.u32 v3, v4  }
0xd6: {  	v4 =	vperm.xlane v3, v0;
	_ =	sdelay $0x1  }
0xd7: {  	v3 =	vperm.xlane v3, v2;
	v4 =	vadd.s32 v1, v4;
	_ =	sdelay $0x1  }
0xd8: {  	v3 =	vadd.s32 v1, v3;
	_ =	sdelay $0x2  }
0xd9: {  	[tilespmem:s15], [sflag:$0x2] =	stream.indirect_vreg.gather [hbm4b:s3+s1], $0x80, v4, vm0, $0xb8;
	[tilespmem:$0x10100] =	vst v63  }
0xda: {  	_ = 	snop  }
0xdb: {  	[tilespmem:s16], [sflag:$0x2] =	stream.indirect_vreg.gather [hbm4b:s3+s1], $0x80, v3, vm0, $0xb8;
	[tilespmem:$0x10100] =	vst v63  }
0xdc: {  	_ =	swait.ge [sflag:s17], $0x8000  }
0xdd: {  	p0 =	seq.s32 s22, $0xE000;
	[sflag:s17] =	ssyncset.done $0x0  }
.Ltmp4:
0xde: {  	s23 =	sadd.s32 s22, s6;
	[sflag:s17] =	ssyncadd.s32 $0xFFFF8000;
	(pc) =	sbr.rel @p0 .LBB2_4-.Ltmp4, $4  }
0xdf: {  	[hbm4b:s23+s1] =	stream.linear.scatter [tilespmem:s10], [sflag:$0x3], $0x8000, $0x38;
	[tilespmem:$0x10100] =	vst v63  }
0xe0: {  	_ =	swait.ge [sflag:s18], $0x8000  }
0xe1: {  	[sflag:s18] =	ssyncset.done $0x0  }
0xe2: {  	[sflag:s18] =	ssyncadd.s32 $0xFFFF8000  }
0xe3: {  	[tilespmem:s1], [sflag:$0x5] =	stream.linear.gather [hbm4b:s20+s1], $0x80, $0x38;
	[tilespmem:$0x10100] =	vst v63  }
0xe4: {  	_ =	swait.ge [sflag:s9], $0x80  }
0xe5: {  	[sflag:s9] =	ssyncset.done $0x0  }
0xe6: {  	[sflag:s9] =	ssyncadd.s32 $0xFFFFFF80  }
0xe7: {  	v3 =	vld [tilespmem:$0x0];
	_ =	sdelay $0x4  }
0xe8: {  	v4 =	vshll.u32 v3, $0x1  }
0xe9: {  	v3 =	vand.u32 $0x7, v3;
	v4 =	vand.u32 $0xFFFFFFF0, v4  }
0xea: {  	v3 =	vor.u32 v3, v4  }
0xeb: {  	v4 =	vperm.xlane v3, v0;
	_ =	sdelay $0x1  }
0xec: {  	v3 =	vperm.xlane v3, v2;
	v4 =	vadd.s32 v1, v4;
	_ =	sdelay $0x1  }
0xed: {  	v3 =	vadd.s32 v1, v3;
	_ =	sdelay $0x2  }
0xee: {  	[tilespmem:s10], [sflag:$0x1] =	stream.indirect_vreg.gather [hbm4b:s3+s1], $0x80, v4, vm0, $0xb8;
	[tilespmem:$0x10100] =	vst v63  }
0xef: {  	s24 =	simm.s32 $0x900  }
0xf0: {  	[tilespmem:s24], [sflag:$0x1] =	stream.indirect_vreg.gather [hbm4b:s3+s1], $0x80, v3, vm0, $0xb8;
	[tilespmem:$0x10100] =	vst v63  }
0xf1: {  	v3 =	vld [tilespmem:$0x10];
	_ =	sdelay $0x4  }
0xf2: {  	v57 =	vshll.u32 v3, $0x1  }
0xf3: {  	v3 =	vand.u32 $0x7, v3;
	v4 =	vand.u32 $0xFFFFFFF0, v57  }
0xf4: {  	v3 =	vor.u32 v3, v4  }
0xf5: {  	v4 =	vperm.xlane v3, v0;
	_ =	sdelay $0x1  }
0xf6: {  	v3 =	vperm.xlane v3, v2;
	v4 =	vadd.s32 v1, v4;
	_ =	sdelay $0x1  }
0xf7: {  	v3 =	vadd.s32 v1, v3;
	_ =	sdelay $0x1  }
0xf8: {  	s24 =	simm.s32 $0x1100  }
0xf9: {  	[tilespmem:s24], [sflag:$0x1] =	stream.indirect_vreg.gather [hbm4b:s3+s1], $0x80, v4, vm0, $0xb8;
	[tilespmem:$0x10100] =	vst v63  }
0xfa: {  	s24 =	simm.s32 $0x1900  }
0xfb: {  	[tilespmem:s24], [sflag:$0x1] =	stream.indirect_vreg.gather [hbm4b:s3+s1], $0x80, v3, vm0, $0xb8;
	[tilespmem:$0x10100] =	vst v63  }
0xfc: {  	v3 =	vld [tilespmem:$0x20];
	_ =	sdelay $0x4  }
0xfd: {  	v58 =	vshll.u32 v3, $0x1  }
0xfe: {  	v3 =	vand.u32 $0x7, v3;
	v4 =	vand.u32 $0xFFFFFFF0, v58  }
0xff: {  	v3 =	vor.u32 v3, v4  }
0x100: {  	v4 =	vperm.xlane v3, v0;
	_ =	sdelay $0x1  }
0x101: {  	v3 =	vperm.xlane v3, v2;
	v4 =	vadd.s32 v1, v4;
	_ =	sdelay $0x1  }
0x102: {  	v3 =	vadd.s32 v1, v3;
	_ =	sdelay $0x1  }
0x103: {  	s24 =	simm.s32 $0x2100  }
0x104: {  	[tilespmem:s24], [sflag:$0x1] =	stream.indirect_vreg.gather [hbm4b:s3+s1], $0x80, v4, vm0, $0xb8;
	[tilespmem:$0x10100] =	vst v63  }
0x105: {  	s24 =	simm.s32 $0x2900  }
0x106: {  	[tilespmem:s24], [sflag:$0x1] =	stream.indirect_vreg.gather [hbm4b:s3+s1], $0x80, v3, vm0, $0xb8;
	[tilespmem:$0x10100] =	vst v63  }
0x107: {  	v3 =	vld [tilespmem:$0x30];
	_ =	sdelay $0x4  }
0x108: {  	v59 =	vshll.u32 v3, $0x1  }
0x109: {  	v3 =	vand.u32 $0x7, v3;
	v4 =	vand.u32 $0xFFFFFFF0, v59  }
0x10a: {  	v3 =	vor.u32 v3, v4  }
0x10b: {  	v4 =	vperm.xlane v3, v0;
	_ =	sdelay $0x1  }
0x10c: {  	v3 =	vperm.xlane v3, v2;
	v4 =	vadd.s32 v1, v4;
	_ =	sdelay $0x1  }
0x10d: {  	v3 =	vadd.s32 v1, v3;
	_ =	sdelay $0x1  }
0x10e: {  	s24 =	simm.s32 $0x3100  }
0x10f: {  	[tilespmem:s24], [sflag:$0x1] =	stream.indirect_vreg.gather [hbm4b:s3+s1], $0x80, v4, vm0, $0xb8;
	[tilespmem:$0x10100] =	vst v63  }
0x110: {  	s24 =	simm.s32 $0x3900  }
0x111: {  	[tilespmem:s24], [sflag:$0x1] =	stream.indirect_vreg.gather [hbm4b:s3+s1], $0x80, v3, vm0, $0xb8;
	[tilespmem:$0x10100] =	vst v63  }
0x112: {  	v3 =	vld [tilespmem:$0x40];
	_ =	sdelay $0x4  }
0x113: {  	v60 =	vshll.u32 v3, $0x1  }
0x114: {  	v3 =	vand.u32 $0x7, v3;
	v4 =	vand.u32 $0xFFFFFFF0, v60  }
0x115: {  	v3 =	vor.u32 v3, v4  }
0x116: {  	v4 =	vperm.xlane v3, v0;
	_ =	sdelay $0x1  }
0x117: {  	v3 =	vperm.xlane v3, v2;
	v4 =	vadd.s32 v1, v4;
	_ =	sdelay $0x1  }
0x118: {  	v3 =	vadd.s32 v1, v3;
	_ =	sdelay $0x1  }
0x119: {  	s24 =	simm.s32 $0x4100  }
0x11a: {  	[tilespmem:s24], [sflag:$0x1] =	stream.indirect_vreg.gather [hbm4b:s3+s1], $0x80, v4, vm0, $0xb8;
	[tilespmem:$0x10100] =	vst v63  }
0x11b: {  	s24 =	simm.s32 $0x4900  }
0x11c: {  	[tilespmem:s24], [sflag:$0x1] =	stream.indirect_vreg.gather [hbm4b:s3+s1], $0x80, v3, vm0, $0xb8;
	[tilespmem:$0x10100] =	vst v63  }
0x11d: {  	v3 =	vld [tilespmem:$0x50];
	_ =	sdelay $0x4  }
0x11e: {  	v61 =	vshll.u32 v3, $0x1  }
0x11f: {  	v3 =	vand.u32 $0x7, v3;
	v4 =	vand.u32 $0xFFFFFFF0, v61  }
0x120: {  	v3 =	vor.u32 v3, v4  }
0x121: {  	v4 =	vperm.xlane v3, v0;
	_ =	sdelay $0x1  }
0x122: {  	v3 =	vperm.xlane v3, v2;
	v4 =	vadd.s32 v1, v4;
	_ =	sdelay $0x1  }
0x123: {  	v3 =	vadd.s32 v1, v3;
	_ =	sdelay $0x1  }
0x124: {  	s24 =	simm.s32 $0x5100  }
0x125: {  	[tilespmem:s24], [sflag:$0x1] =	stream.indirect_vreg.gather [hbm4b:s3+s1], $0x80, v4, vm0, $0xb8;
	[tilespmem:$0x10100] =	vst v63  }
0x126: {  	s24 =	simm.s32 $0x5900  }
0x127: {  	[tilespmem:s24], [sflag:$0x1] =	stream.indirect_vreg.gather [hbm4b:s3+s1], $0x80, v3, vm0, $0xb8;
	[tilespmem:$0x10100] =	vst v63  }
0x128: {  	v3 =	vld [tilespmem:$0x60];
	_ =	sdelay $0x4  }
0x129: {  	v62 =	vshll.u32 v3, $0x1  }
0x12a: {  	v3 =	vand.u32 $0x7, v3;
	v4 =	vand.u32 $0xFFFFFFF0, v62  }
0x12b: {  	v3 =	vor.u32 v3, v4  }
0x12c: {  	v4 =	vperm.xlane v3, v0;
	_ =	sdelay $0x1  }
0x12d: {  	v3 =	vperm.xlane v3, v2;
	v4 =	vadd.s32 v1, v4;
	_ =	sdelay $0x1  }
0x12e: {  	v3 =	vadd.s32 v1, v3;
	_ =	sdelay $0x1  }
0x12f: {  	s24 =	simm.s32 $0x6100  }
0x130: {  	[tilespmem:s24], [sflag:$0x1] =	stream.indirect_vreg.gather [hbm4b:s3+s1], $0x80, v4, vm0, $0xb8;
	[tilespmem:$0x10100] =	vst v63  }
0x131: {  	s24 =	simm.s32 $0x6900  }
0x132: {  	[tilespmem:s24], [sflag:$0x1] =	stream.indirect_vreg.gather [hbm4b:s3+s1], $0x80, v3, vm0, $0xb8;
	[tilespmem:$0x10100] =	vst v63  }
0x133: {  	v3 =	vld [tilespmem:$0x70];
	_ =	sdelay $0x4  }
0x134: {  	v63 =	vshll.u32 v3, $0x1  }
0x135: {  	v3 =	vand.u32 $0x7, v3;
	v4 =	vand.u32 $0xFFFFFFF0, v63  }
0x136: {  	v3 =	vor.u32 v3, v4  }
0x137: {  	v4 =	vperm.xlane v3, v0;
	_ =	sdelay $0x1  }
0x138: {  	v3 =	vperm.xlane v3, v2;
	v4 =	vadd.s32 v1, v4;
	_ =	sdelay $0x1  }
0x139: {  	v3 =	vadd.s32 v1, v3  }
.Ltmp5:
0x13a: {  	_ = 	snop;
	(pc) =	sbr.rel .LBB2_4-.Ltmp5, $4  }
0x13b: {  	s24 =	simm.s32 $0x7100  }
0x13c: {  	[tilespmem:s24], [sflag:$0x1] =	stream.indirect_vreg.gather [hbm4b:s3+s1], $0x80, v4, vm0, $0xb8;
	[tilespmem:$0x10100] =	vst v63  }
0x13d: {  	_ = 	snop  }
0x13e: {  	[tilespmem:s25], [sflag:$0x1] =	stream.indirect_vreg.gather [hbm4b:s3+s1], $0x80, v3, vm0, $0xb8;
	[tilespmem:$0x10100] =	vst v63  }
.LBB2_6:
0x13f: {  	_ =	sfence.sel $0x180000  }
0x140: {  	[bflag:$0x0] =	sbarrier.arrive $0xFFFF  }
0x141: {  	_ =	strace $0x9000004A  }
0x142: {  	s0 =	stileid.u32;
	[bflag:$0x2] =	sbarrier.arrive $0xFFFF  }
0x143: {  	p0 =	sne.s32 s0, $0x0;
	s0 =	rddreg [dreg:$0x1]  }
0x144: {  	s0 =	sadd.s32 @!p0 $0x100000, s0  }
0x145: {  	[sflag:s0] =	ssyncadd.tile.s32 @!p0 $0x1;
	_ =	shalt  }
.Lfunc_end2:
_tile_overlayer_lowered:
.L_overlay_start_2:
0x146: {  	(tag) =	ssettag $0x2  }
0x147: {  	s0 =	rddreg [dreg:$0x0];
	s2 =	stileid.u32  }
0x148: {  	s1 =	rddreg [dreg:$0x1];
	p0 =	sne.s32 s2, $0x0  }
0x149: {  	s3 =	rddreg [dreg:$0x2];
	[bflag:$0x3] =	sbarrier.arrive $0xFFFF;
	s2 =	simm.s32 @!p0 $0x1C05  }
0x14a: {  	[timem:s3], [sflag:s2] =	dma.local @!p0 [hbm:s0], s1  }
0x14b: {  	s0 =	simm.s32 @!p0 $0x5  }
0x14c: {  	_ =	swait.ge @!p0 [sflag:s0], s1  }
0x14d: {  	s1 =	ssub.s32 @!p0 $0x0, s1;
	[sflag:s0] =	ssyncset.done @!p0 $0x0  }
0x14e: {  	[sflag:s0] =	ssyncadd.s32 @!p0 s1  }
0x14f: {  	[bflag:$0x3] =	sbarrier.arrive $0xFFFF  }
0x150: {  	_ =	shalt  }

// kernel: kernel.23.cloned.1.call-start
scs
__scs_entry_jumppad:
0x0: {  	(pc) =	sbr.rel $0x88, $3  }
0x1: {  	(tag) =	ssettag $0x0;
	lr =	simm.s32 $0x1  }
0x2: {  	[smem:$0x3F89] =	sst lr;
	_ =	strace $0xD0000000  }
0x3: {  	_ = 	snop  }
0x4: {  	_ = 	snop  }
0x5: {  	_ = 	snop  }
0x6: {  	_ = 	snop  }
0x7: {  	_ = 	snop  }
__scs_overlays_trampoline_lowered:
0x8: {  	[smem:$0x3F98] =	sst s0  }
0x9: {  	[smem:$0x3F99] =	sst s1  }
0xa: {  	[smem:$0x3F9A] =	sst s2  }
0xb: {  	[smem:$0x3F9B] =	sst s3  }
0xc: {  	[smem:$0x3F9C] =	sst s4  }
0xd: {  	[smem:$0x3F9D] =	sst s5  }
0xe: {  	[smem:$0x3F9E] =	sst s6  }
0xf: {  	[smem:$0x3F9F] =	sst s7  }
0x10: {  	[smem:$0x3FA0] =	sst s8  }
0x11: {  	[smem:$0x3FA1] =	sst s9;
	s0 =	simm.s32 @!p0 $0x0  }
0x12: {  	s1 =	sld [smem:$0x3F87];
	s0 =	simm.s32 @p0 $0x1  }
0x13: {  	[smem:$0x3FA2] =	sst s0;
	s0 =	simm.s32 @!p1 $0x0  }
0x14: {  	s2 =	sld [smem:$0x3F86];
	s0 =	simm.s32 @p1 $0x1  }
0x15: {  	[smem:$0x3FA3] =	sst s0;
	s0 =	simm.s32 @!p2 $0x0  }
0x16: {  	s3 =	sld [smem:$0x3FDB];
	s0 =	simm.s32 @p2 $0x1  }
0x17: {  	s4 =	simm.s32 $0x1BF5;
	[smem:$0x3FA5] =	sst s0  }
0x18: {  	s0 =	sld [smem:$0x3F88];
	_ =	swait.ge [sflag:s4], $0x0  }
0x19: {  	s7 =	sld [smem:$0x3F89]  }
0x1a: {  	s8 =	sadd.s32 $0xFFFFE003, lr  }
0x1b: {  	s9 =	sadd.s32 $0xFFFFFEF7, lr;
	s5 =	simm.s32 $0xFFFFFFFF;
	p2 =	slt.u32 s8, $0xFFFFF086  }
0x1c: {  	p1 =	slt.u32 s9, $0xF7A;
	s5 =	simm.s32 @!p2 $0x0  }
0x1d: {  	s5 =	simm.s32 @p1 $0x1;
	p0 =	seq.s32 s7, s2  }
0x1e: {  	s7 =	smul.u32 @!p0 $0xF7A, s2;
	p2 =	seq.s32 @!p0 s5, $0x0  }
0x1f: {  	s9 =	smul.u32 $0xF7A, s1;
	s8 =	simm.s32 @!p0 $0x1BF5;
	p2 =	por !p2, p0  }
0x20: {  	[sflag:s8] =	ssyncset.s32 @!p0 $0xFFFFF086;
	s6 =	sadd.s32 @!p0 s3, s7;
	s7 =	simm.s32 @!p0 $0x108  }
0x21: {  	s3 =	sadd.s32 s3, s9;
	s6 =	sadd.s32 @!p0 $0x88, s6;
	s7 =	simm.s32 @p2 $0x1082  }
0x22: {  	[simem:s7], [sflag:s8] =	dma.local @!p0 [hbm:s6], $0xF7A  }
0x23: {  	s9 =	sor.u32 $0xD0000000, s2;
	s6 =	simm.s32 $0x108;
	_ =	swait.ge @!p0 [sflag:s8], $0x0  }
0x24: {  	s3 =	sadd.s32 $0x88, s3;
	s6 =	simm.s32 @!p1 $0x1082;
	[sflag:s4] =	ssyncset.s32 $0xFFFFF086  }
0x25: {  	[simem:s6], [sflag:s4] =	dma.local [hbm:s3], $0xF7A  }
0x26: {  	[smem:$0x3F89] =	sst s1;
	(tag) =	ssettag s2;
	_ =	strace s9  }
0x27: {  	s1 =	sld [smem:$0x3F99]  }
0x28: {  	s2 =	sld [smem:$0x3F9A]  }
0x29: {  	s4 =	sld [smem:$0x3F9C]  }
0x2a: {  	p0 =	seq.s32 s5, $0x0;
	s5 =	sld [smem:$0x3F9D]  }
0x2b: {  	s6 =	sld [smem:$0x3F9E]  }
0x2c: {  	s7 =	sld [smem:$0x3F9F]  }
0x2d: {  	s3 =	simm.s32 $0x108;
	s8 =	sld [smem:$0x3FA0]  }
0x2e: {  	s3 =	simm.s32 @!p0 $0x1082;
	s9 =	sld [smem:$0x3FA1]  }
0x2f: {  	lr =	sadd.s32 s0, s3;
	s0 =	sld [smem:$0x3F98]  }
0x30: {  	s3 =	sld [smem:$0x3F9B]  }
0x31: {  	[smem:$0x3FA4] =	sst s10  }
0x32: {  	s10 =	sld [smem:$0x3FA2];
	_ =	sdelay $0x3  }
0x33: {  	p0 =	seq.s32 s10, $0x1;
	s10 =	sld [smem:$0x3FA4];
	_ =	sdelay $0x3  }
0x34: {  	[smem:$0x3FA4] =	sst s10  }
0x35: {  	s10 =	sld [smem:$0x3FA3];
	_ =	sdelay $0x3  }
0x36: {  	p1 =	seq.s32 s10, $0x1;
	s10 =	sld [smem:$0x3FA4];
	_ =	sdelay $0x3  }
0x37: {  	[smem:$0x3FA4] =	sst s10  }
0x38: {  	s10 =	sld [smem:$0x3FA5]  }
0x39: {  	_ = 	snop;
	(pc) =	sbr.ind lr, $3  }
0x3a: {  	_ = 	snop  }
0x3b: {  	_ = 	snop  }
0x3c: {  	p2 =	seq.s32 s10, $0x1;
	s10 =	sld [smem:$0x3FA4]  }
0x3d: {  	_ =	shalt  }
0x3e: {  	_ =	shalt  }
0x3f: {  	_ =	shalt  }
0x40: {  	_ =	shalt  }
0x41: {  	_ =	shalt  }
0x42: {  	_ =	shalt  }
0x43: {  	_ =	shalt  }
0x44: {  	_ =	shalt  }
0x45: {  	_ =	shalt  }
0x46: {  	_ =	shalt  }
0x47: {  	_ =	shalt  }
0x48: {  	_ =	shalt  }
0x49: {  	_ =	shalt  }
0x4a: {  	_ =	shalt  }
0x4b: {  	_ =	shalt  }
0x4c: {  	_ =	shalt  }
0x4d: {  	_ =	shalt  }
0x4e: {  	_ =	shalt  }
0x4f: {  	_ =	shalt  }
0x50: {  	_ =	shalt  }
0x51: {  	_ =	shalt  }
0x52: {  	_ =	shalt  }
0x53: {  	_ =	shalt  }
0x54: {  	_ =	shalt  }
0x55: {  	_ =	shalt  }
0x56: {  	_ =	shalt  }
0x57: {  	_ =	shalt  }
0x58: {  	_ =	shalt  }
0x59: {  	_ =	shalt  }
0x5a: {  	_ =	shalt  }
0x5b: {  	_ =	shalt  }
0x5c: {  	_ =	shalt  }
0x5d: {  	_ =	shalt  }
0x5e: {  	_ =	shalt  }
0x5f: {  	_ =	shalt  }
0x60: {  	_ =	shalt  }
0x61: {  	_ =	shalt  }
0x62: {  	_ =	shalt  }
0x63: {  	_ =	shalt  }
0x64: {  	_ =	shalt  }
0x65: {  	_ =	shalt  }
0x66: {  	_ =	shalt  }
0x67: {  	_ =	shalt  }
0x68: {  	_ =	shalt  }
0x69: {  	_ =	shalt  }
0x6a: {  	_ =	shalt  }
0x6b: {  	_ =	shalt  }
0x6c: {  	_ =	shalt  }
0x6d: {  	_ =	shalt  }
0x6e: {  	_ =	shalt  }
0x6f: {  	_ =	shalt  }
0x70: {  	_ =	shalt  }
0x71: {  	_ =	shalt  }
0x72: {  	_ =	shalt  }
0x73: {  	_ =	shalt  }
0x74: {  	_ =	shalt  }
0x75: {  	_ =	shalt  }
0x76: {  	_ =	shalt  }
0x77: {  	_ =	shalt  }
0x78: {  	_ =	shalt  }
0x79: {  	_ =	shalt  }
0x7a: {  	_ =	shalt  }
0x7b: {  	_ =	shalt  }
0x7c: {  	_ =	shalt  }
0x7d: {  	_ =	shalt  }
0x7e: {  	_ =	shalt  }
0x7f: {  	_ =	shalt  }
0x80: {  	_ =	shalt  }
0x81: {  	_ =	shalt  }
0x82: {  	_ =	shalt  }
0x83: {  	_ =	shalt  }
0x84: {  	_ =	shalt  }
0x85: {  	_ =	shalt  }
0x86: {  	_ =	shalt  }
0x87: {  	_ =	shalt  }
.Lfunc_end0:
.L_simem_size_0:
called_computation.2_lowered:
.L_overlay_start_0:
0x88: {  	s2 =	sld [smem:$0x3FD9]  }
0x89: {  	s3 =	sld [smem:$0x3FFE];
	_ =	sdelay $0x1  }
0x8a: {  	s1 =	srdreg.scid  }
0x8b: {  	s0 =	sand.u32 $0x1, s1  }
0x8c: {  	s16 =	sshll.u32 s0, $0xA;
	s2 =	sadd.s32 s3, s2  }
0x8d: {  	s2 =	sadd.s32 s2, s16  }
0x8e: {  	[smem:$0x3FB0] =	sst s2  }
0x8f: {  	_ = 	snop  }
0x90: {  	(tm) =	ssettm $0x1  }
0x91: {  	s17 =	sld [smem:$0x3FFB];
	_ =	sdelay $0x3  }
0x92: {  	_ =	strace s17  }
0x93: {  	s2 =	sld [smem:$0x3FFC];
	_ =	sdelay $0x3  }
0x94: {  	_ =	strace s2  }
0x95: {  	s2 =	sld [smem:$0x3FFD];
	_ =	sdelay $0x3  }
0x96: {  	_ =	strace s2  }
0x97: {  	_ =	strace $0x8FFFFFFF  }
0x98: {  	s18 =	sld [smem:$0x3FDB];
	_ =	sdelay $0x1  }
0x99: {  	s19 =	simm.s32 $_scs_section_size  }
0x9a: {  	s4 =	simm.s32 $_size__tile_overlayer_lowered;
	s5 =	simm.s32 $_tile_overlayer_lowered  }
0x9b: {  	s22 =	simm.s32 $0x1BFF;
	s21 =	sshll.u32 s5, $0x1;
	s2 =	sadd.s32 s19, s18  }
0x9c: {  	s6 =	simm.s32 $0x0;
	s20 =	sshll.u32 s4, $0x1;
	s4 =	sadd.s32 s21, s2  }
0x9d: {  	[timem:s6], [sflag:s22] =	dma.local [hbm:s4], s20  }
0x9e: {  	_ =	swait.ge [sflag:s22], s20  }
0x9f: {  	s3 =	ssub.s32 $0x0, s20;
	[sflag:s22] =	ssyncset.done $0x0  }
0xa0: {  	[sflag:s22] =	ssyncadd.s32 s3;
	_ =	sdelay $0x1  }
0xa1: {  	s23 =	simm.s32 $0x1B8B  }
0xa2: {  	_ =	swait.ge [sflag:s23], $0x1  }
0xa3: {  	[sflag:s23] =	ssyncset.done $0x0  }
0xa4: {  	s25 =	simm.s32 $0x1B8E;
	s24 =	sld [smem:$0x3FFE];
	[sflag:s23] =	ssyncadd.s32 $0xFFFFFFFF  }
0xa5: {  	s26 =	simm.s32 $execute0_lowered;
	[smem:$0x3FD2] =	sst s25  }
0xa6: {  	s4 =	sshll.u32 s26, $0x1;
	_ =	strace $0x8000004C;
	[dreg:$0x1] =	wrdreg $0xFFFFFFFF  }
0xa7: {  	s28 =	simm.s32 $_size_execute0_lowered;
	s2 =	sadd.s32 s2, s4;
	[dreg:$0x0] =	wrdreg $0x0  }
0xa8: {  	s4 =	sshll.u32 s28, $0x1;
	[dreg:$0x2] =	wrdreg s2  }
0xa9: {  	[dreg:$0x3] =	wrdreg s4  }
0xaa: {  	[dreg:$0x4] =	wrdreg $0xC0  }
0xab: {  	_ =	task [dreg:s6], $0x5FFFF  }
0xac: {  	[dreg:$0x1] =	wrdreg $0xFFFFFFFF  }
0xad: {  	[dreg:$0x0] =	wrdreg $0x60  }
0xae: {  	[dreg:$0x2] =	wrdreg s24  }
0xaf: {  	[dreg:$0x3] =	wrdreg $0x9  }
0xb0: {  	_ =	task.clear_ibuf [dreg:s6], $0x4FFFF;
	_ =	strace $0x9000004C  }
0xb1: {  	s29 =	simm.s32 $0x9;
	_ =	strace $0x8000004E  }
0xb2: {  	_ =	swait.ge [sflag:s29], $0x1  }
0xb3: {  	[sflag:s29] =	ssyncadd.s32 $0xFFFFFFFF  }
0xb4: {  	_ =	strace $0x9000004E  }
0xb5: {  	_ =	sfence  }
0xb6: {  	s30 =	sld [smem:$0x0];
	_ =	sdelay $0x2  }
0xb7: {  	s31 =	sshll.u32 s1, $0xD;
	s1 =	sshrl.u32 s1, $0x2  }
0xb8: {  	s3 =	sand.u32 $0x4000, s31;
	s1 =	sadd.s32 s1, s30  }
0xb9: {  	s0 =	sor.u32 s3, s0;
	s1 =	sshll.u32 s1, $0x11  }
0xba: {  	s0 =	sor.u32 s1, s0  }
0xbb: {  	s0 =	sadd.s32 $0x8F2B, s0  }
0xbc: {  	[sflag:s0] =	ssyncadd.remote.s32 $0x1  }
0xbd: {  	_ =	sfence.sel $0xFFFF  }
0xbe: {  	[dreg:$0x0] =	wrdreg $0xFFFFFFFF;
	(pc) =	sbr.abs _section_cstart, $3  }
0xbf: {  	[dreg:$0x1] =	wrdreg $0xFFFFFFFF  }
0xc0: {  	_ =	task.clear_ibuf [dreg:s6], $0x2FFFF;
	_ =	strace $0x9FFFFFFF  }
0xc1: {  	(tm) =	ssettm $0x7FFFFFFF  }
tec
execute0_lowered:
.L_overlay_start_1:
0x0: {  	(tag) =	ssettag $0x1  }
0x1: {  	s4 =	rddreg [dreg:$0x0]  }
0x2: {  	s0 =	rddreg [dreg:$0x1]  }
0x3: {  	s1 =	simm.s32 $0x0;
	s2 =	srdreg.scid;
	s18 =	simm.s32 $0x100  }
0x4: {  	s19 =	simm.s32 $0x4100;
	s20 =	simm.s32 $0x1;
	s21 =	simm.s32 $0x3  }
0x5: {  	s22 =	simm.s32 $0x2;
	s23 =	simm.s32 $0x4;
	s24 =	simm.s32 $0x0  }
0x6: {  	[smem:$0x7FF] =	sst s1;
	s3 =	sadd.s32 $0x5E00, s4;
	s13 =	sand.u32 $0x1, s2  }
0x7: {  	s15 =	sadd.s32 $0x439E00, s4;
	s2 =	stileid.u32;
	s14 =	sadd.s32 $0x15E00, s4  }
0x8: {  	_ =	strace $0x8000004D;
	s5 =	ssub.s32 $0x2, s13;
	s7 =	sshll.u32 s2, $0xD  }
0x9: {  	s8 =	sshll.u32 s13, $0xC;
	s17 =	sshll.u32 s2, $0x11;
	s6 =	sshrl.u32 s5, $0x1  }
0xa: {  	s13 =	sshll.u32 s13, $0x10;
	s16 =	sor.u32 s8, s7;
	s6 =	ssub.s32 s5, s6  }
0xb: {  	s25 =	sshrl.u32 s16, $0x3;
	s26 =	sshll.u32 s16, $0x4;
	s8 =	sor.u32 $0x80, s16  }
0xc: {  	s9 =	sor.u32 $0x100, s16;
	s11 =	sor.u32 $0xF80, s16;
	s30 =	sor.u32 $0x180, s16  }
0xd: {  	s16 =	sor.u32 $0x200, s16;
	s4 =	sadd.s32 s15, s25;
	s5 =	sadd.s32 s14, s26  }
0xe: {  	s28 =	sshrl.u32 s8, $0x3;
	s6 =	smax.u32 s6, $0x1;
	s9 =	sshrl.u32 s9, $0x3  }
0xf: {  	s10 =	sshll.u32 s8, $0x4;
	s29 =	sshrl.u32 s11, $0x3;
	s12 =	sshll.u32 s11, $0x4  }
0x10: {  	s31 =	sshrl.u32 s30, $0x3;
	s16 =	sshrl.u32 s16, $0x3;
	s7 =	sadd.s32 s15, s28  }
0x11: {  	s8 =	sadd.s32 s15, s9;
	s9 =	sadd.s32 s14, s10;
	s10 =	sadd.s32 s15, s29  }
0x12: {  	s11 =	sadd.s32 $0xF000, s5;
	s12 =	sadd.s32 s14, s12;
	s14 =	sadd.s32 s17, s14  }
0x13: {  	s17 =	simm.s32 $0x80;
	s13 =	sadd.s32 s13, s14;
	s14 =	sadd.s32 s31, s15  }
0x14: {  	s15 =	sadd.s32 s16, s15;
	s16 =	simm.s32 $0x5;
	s13 =	sadd.s32 $0x1000, s13  }
.LBB2_1:
0x15: {  	[tilespmem:s1], [sflag:$0x5] =	stream.linear.gather [hbm4b:s4+s1], $0x80, $0x38;
	[tilespmem:$0x8100] =	vst v63  }
0x16: {  	_ =	swait.ge [sflag:s16], $0x80  }
0x17: {  	[sflag:s16] =	ssyncset.done $0x0  }
0x18: {  	[sflag:s16] =	ssyncadd.s32 $0xFFFFFF80  }
0x19: {  	[tilespmem:s18], [sflag:$0x1] =	stream.indirect.gather [hbm4b:s3+s17], $0x80, s1, s17, $0xb8;
	[tilespmem:$0x8100] =	vst v63  }
0x1a: {  	_ = 	snop  }
0x1b: {  	[tilespmem:s17], [sflag:$0x5] =	stream.linear.gather [hbm4b:s7+s1], $0x80, $0x38;
	[tilespmem:$0x8100] =	vst v63  }
0x1c: {  	_ =	swait.ge [sflag:s16], $0x80  }
0x1d: {  	[sflag:s16] =	ssyncset.done $0x0  }
0x1e: {  	[sflag:s16] =	ssyncadd.s32 $0xFFFFFF80  }
0x1f: {  	[tilespmem:s19], [sflag:$0x2] =	stream.indirect.gather [hbm4b:s3+s17], $0x80, s17, s17, $0xb8;
	[tilespmem:$0x8100] =	vst v63  }
0x20: {  	_ =	swait.ge [sflag:s20], $0x4000  }
0x21: {  	[sflag:s20] =	ssyncset.done $0x0  }
0x22: {  	[sflag:s20] =	ssyncadd.s32 $0xFFFFC000  }
0x23: {  	[hbm4b:s5+s1] =	stream.linear.scatter [tilespmem:s18], [sflag:$0x3], $0x4000, $0x38;
	[tilespmem:$0x8100] =	vst v63  }
0x24: {  	_ =	swait.ge [sflag:s21], $0x4000  }
0x25: {  	[sflag:s21] =	ssyncset.done $0x0  }
0x26: {  	[sflag:s21] =	ssyncadd.s32 $0xFFFFC000  }
0x27: {  	[tilespmem:s1], [sflag:$0x5] =	stream.linear.gather [hbm4b:s8+s1], $0x80, $0x38;
	[tilespmem:$0x8100] =	vst v63  }
0x28: {  	_ =	swait.ge [sflag:s16], $0x80  }
0x29: {  	[sflag:s16] =	ssyncset.done $0x0  }
0x2a: {  	[sflag:s16] =	ssyncadd.s32 $0xFFFFFF80  }
0x2b: {  	[tilespmem:s18], [sflag:$0x1] =	stream.indirect.gather [hbm4b:s3+s17], $0x80, s1, s17, $0xb8;
	[tilespmem:$0x8100] =	vst v63  }
0x2c: {  	_ =	swait.ge [sflag:s22], $0x4000  }
0x2d: {  	[sflag:s22] =	ssyncset.done $0x0  }
0x2e: {  	[sflag:s22] =	ssyncadd.s32 $0xFFFFC000  }
0x2f: {  	[hbm4b:s9+s1] =	stream.linear.scatter [tilespmem:s19], [sflag:$0x4], $0x4000, $0x38;
	[tilespmem:$0x8100] =	vst v63  }
0x30: {  	_ =	swait.ge [sflag:s23], $0x4000  }
0x31: {  	[sflag:s23] =	ssyncset.done $0x0  }
0x32: {  	s25 =	sadd.s32 $0x0, s14;
	[sflag:s23] =	ssyncadd.s32 $0xFFFFC000  }
0x33: {  	[tilespmem:s17], [sflag:$0x5] =	stream.linear.gather [hbm4b:s25+s1], $0x80, $0x38;
	[tilespmem:$0x8100] =	vst v63  }
0x34: {  	_ =	swait.ge [sflag:s16], $0x80  }
0x35: {  	[sflag:s16] =	ssyncset.done $0x0  }
0x36: {  	[sflag:s16] =	ssyncadd.s32 $0xFFFFFF80  }
0x37: {  	[tilespmem:s19], [sflag:$0x2] =	stream.indirect.gather [hbm4b:s3+s17], $0x80, s17, s17, $0xb8;
	[tilespmem:$0x8100] =	vst v63  }
0x38: {  	_ =	swait.ge [sflag:s20], $0x4000  }
0x39: {  	[sflag:s20] =	ssyncset.done $0x0  }
0x3a: {  	[sflag:s20] =	ssyncadd.s32 $0xFFFFC000  }
0x3b: {  	[hbm4b:s13+s1] =	stream.linear.scatter [tilespmem:s18], [sflag:$0x3], $0x4000, $0x38;
	[tilespmem:$0x8100] =	vst v63  }
0x3c: {  	_ =	swait.ge [sflag:s21], $0x4000  }
0x3d: {  	[sflag:s21] =	ssyncset.done $0x0  }
0x3e: {  	s31 =	sadd.s32 $0x0, s15;
	[sflag:s21] =	ssyncadd.s32 $0xFFFFC000  }
0x3f: {  	[tilespmem:s1], [sflag:$0x5] =	stream.linear.gather [hbm4b:s31+s1], $0x80, $0x38;
	[tilespmem:$0x8100] =	vst v63  }
0x40: {  	_ =	swait.ge [sflag:s16], $0x80  }
0x41: {  	[sflag:s16] =	ssyncset.done $0x0  }
0x42: {  	[sflag:s16] =	ssyncadd.s32 $0xFFFFFF80  }
0x43: {  	[tilespmem:s18], [sflag:$0x1] =	stream.indirect.gather [hbm4b:s3+s17], $0x80, s1, s17, $0xb8;
	[tilespmem:$0x8100] =	vst v63  }
0x44: {  	_ =	swait.ge [sflag:s22], $0x4000  }
0x45: {  	s28 =	sadd.s32 $0x800, s13;
	[sflag:s22] =	ssyncset.done $0x0  }
0x46: {  	s26 =	sadd.s32 $0x1000, s13;
	s25 =	simm.s32 $0x20;
	[sflag:s22] =	ssyncadd.s32 $0xFFFFC000  }
.LBB2_2:
0x47: {  	[hbm4b:s28+s1] =	stream.linear.scatter [tilespmem:s19], [sflag:$0x4], $0x4000, $0x38;
	[tilespmem:$0x8100] =	vst v63  }
0x48: {  	s28 =	smov.u32 s25  }
0x49: {  	p0 =	sne.s32 s25, $0x1A0;
	s25 =	sadd.s32 $0x20, s25;
	_ =	swait.ge [sflag:s23], $0x4000  }
0x4a: {  	[sflag:s23] =	ssyncset.done $0x0  }
0x4b: {  	s29 =	sadd.s32 s28, s14;
	[sflag:s23] =	ssyncadd.s32 $0xFFFFC000  }
0x4c: {  	[tilespmem:s17], [sflag:$0x5] =	stream.linear.gather [hbm4b:s29+s1], $0x80, $0x38;
	[tilespmem:$0x8100] =	vst v63  }
0x4d: {  	_ =	swait.ge [sflag:s16], $0x80  }
0x4e: {  	[sflag:s16] =	ssyncset.done $0x0  }
0x4f: {  	[sflag:s16] =	ssyncadd.s32 $0xFFFFFF80  }
0x50: {  	[tilespmem:s19], [sflag:$0x2] =	stream.indirect.gather [hbm4b:s3+s17], $0x80, s17, s17, $0xb8;
	[tilespmem:$0x8100] =	vst v63  }
0x51: {  	_ =	swait.ge [sflag:s20], $0x4000  }
0x52: {  	[sflag:s20] =	ssyncset.done $0x0  }
0x53: {  	[sflag:s20] =	ssyncadd.s32 $0xFFFFC000  }
0x54: {  	[hbm4b:s26+s1] =	stream.linear.scatter [tilespmem:s18], [sflag:$0x3], $0x4000, $0x38;
	[tilespmem:$0x8100] =	vst v63  }
0x55: {  	_ =	swait.ge [sflag:s21], $0x4000  }
0x56: {  	[sflag:s21] =	ssyncset.done $0x0  }
0x57: {  	s28 =	sadd.s32 s28, s15;
	[sflag:s21] =	ssyncadd.s32 $0xFFFFC000  }
0x58: {  	[tilespmem:s1], [sflag:$0x5] =	stream.linear.gather [hbm4b:s28+s1], $0x80, $0x38;
	[tilespmem:$0x8100] =	vst v63  }
0x59: {  	_ =	swait.ge [sflag:s16], $0x80  }
0x5a: {  	[sflag:s16] =	ssyncset.done $0x0  }
.Ltmp0:
0x5b: {  	[sflag:s16] =	ssyncadd.s32 $0xFFFFFF80;
	(pc) =	sbr.rel @p0 .LBB2_2-.Ltmp0, $4  }
0x5c: {  	[tilespmem:s18], [sflag:$0x1] =	stream.indirect.gather [hbm4b:s3+s17], $0x80, s1, s17, $0xb8;
	[tilespmem:$0x8100] =	vst v63  }
0x5d: {  	_ =	swait.ge [sflag:s22], $0x4000  }
0x5e: {  	[sflag:s22] =	ssyncset.done $0x0  }
0x5f: {  	s28 =	sadd.s32 $0x800, s26;
	s26 =	sadd.s32 $0x1000, s26;
	[sflag:s22] =	ssyncadd.s32 $0xFFFFC000  }
0x60: {  	[hbm4b:s28+s1] =	stream.linear.scatter [tilespmem:s19], [sflag:$0x4], $0x4000, $0x38;
	[tilespmem:$0x8100] =	vst v63  }
0x61: {  	_ =	swait.ge [sflag:s23], $0x4000  }
0x62: {  	[sflag:s23] =	ssyncset.done $0x0  }
0x63: {  	[sflag:s23] =	ssyncadd.s32 $0xFFFFC000  }
0x64: {  	[tilespmem:s17], [sflag:$0x5] =	stream.linear.gather [hbm4b:s10+s1], $0x80, $0x38;
	[tilespmem:$0x8100] =	vst v63  }
0x65: {  	_ =	swait.ge [sflag:s16], $0x80  }
0x66: {  	[sflag:s16] =	ssyncset.done $0x0  }
0x67: {  	[sflag:s16] =	ssyncadd.s32 $0xFFFFFF80  }
0x68: {  	[tilespmem:s19], [sflag:$0x2] =	stream.indirect.gather [hbm4b:s3+s17], $0x80, s17, s17, $0xb8;
	[tilespmem:$0x8100] =	vst v63  }
0x69: {  	_ =	swait.ge [sflag:s20], $0x4000  }
0x6a: {  	[sflag:s20] =	ssyncset.done $0x0  }
0x6b: {  	[sflag:s20] =	ssyncadd.s32 $0xFFFFC000  }
0x6c: {  	[hbm4b:s11+s1] =	stream.linear.scatter [tilespmem:s18], [sflag:$0x3], $0x4000, $0x38;
	[tilespmem:$0x8100] =	vst v63  }
0x6d: {  	_ =	swait.ge [sflag:s21], $0x4000  }
0x6e: {  	[sflag:s21] =	ssyncset.done $0x0  }
0x6f: {  	[sflag:s21] =	ssyncadd.s32 $0xFFFFC000  }
0x70: {  	s24 =	sadd.s32 $0x1, s24;
	_ =	swait.ge [sflag:s22], $0x4000  }
0x71: {  	p0 =	sne.s32 s24, s6;
	[sflag:s22] =	ssyncset.done $0x0  }
.Ltmp1:
0x72: {  	[sflag:s22] =	ssyncadd.s32 $0xFFFFC000;
	(pc) =	sbr.rel @p0 .LBB2_1-.Ltmp1, $4  }
0x73: {  	[hbm4b:s12+s1] =	stream.linear.scatter [tilespmem:s19], [sflag:$0x4], $0x4000, $0x38;
	[tilespmem:$0x8100] =	vst v63  }
0x74: {  	_ =	swait.ge [sflag:s23], $0x4000  }
0x75: {  	[sflag:s23] =	ssyncset.done $0x0  }
0x76: {  	[sflag:s23] =	ssyncadd.s32 $0xFFFFC000  }
0x77: {  	_ =	sfence.sel $0x180000  }
0x78: {  	[bflag:$0x0] =	sbarrier.arrive $0xFFFF  }
0x79: {  	p0 =	sne.s32 s2, $0x0;
	_ =	strace $0x9000004D  }
0x7a: {  	s0 =	sadd.s32 @!p0 $0x100000, s0;
	[bflag:$0x2] =	sbarrier.arrive $0xFFFF  }
0x7b: {  	[sflag:s0] =	ssyncadd.tile.s32 @!p0 $0x1;
	_ =	shalt  }
.Lfunc_end2:
_tile_overlayer_lowered:
.L_overlay_start_2:
0x7c: {  	(tag) =	ssettag $0x2  }
0x7d: {  	s0 =	rddreg [dreg:$0x0];
	s2 =	stileid.u32  }
0x7e: {  	s1 =	rddreg [dreg:$0x1];
	p0 =	sne.s32 s2, $0x0  }
0x7f: {  	s3 =	rddreg [dreg:$0x2];
	[bflag:$0x3] =	sbarrier.arrive $0xFFFF;
	s2 =	simm.s32 @!p0 $0x1C05  }
0x80: {  	[timem:s3], [sflag:s2] =	dma.local @!p0 [hbm:s0], s1  }
0x81: {  	s0 =	simm.s32 @!p0 $0x5  }
0x82: {  	_ =	swait.ge @!p0 [sflag:s0], s1  }
0x83: {  	s1 =	ssub.s32 @!p0 $0x0, s1;
	[sflag:s0] =	ssyncset.done @!p0 $0x0  }
0x84: {  	[sflag:s0] =	ssyncadd.s32 @!p0 s1  }
0x85: {  	[bflag:$0x3] =	sbarrier.arrive $0xFFFF  }
0x86: {  	_ =	shalt  }

</sc_bundles>
